<compile_context>
chip_gen: v7x
topology: tpu7x:2x2x1
jax: 0.10.2.dev20260603
libtpu: 0.0.44.dev20260713+nightly
codegen_flags: <defaults>
</compile_context>

<pallas_src>
import functools

import jax
import jax.numpy as jnp
from jax import lax
from jax.experimental import pallas as pl
from jax.experimental.pallas import tpu as pltpu
from jax.experimental.pallas import tpu_sc as plsc

T = 2048
D = 1024
H = 16
KVH = 8
DH = 64
E = 8
TOPK = 2
FF = 512
SFF = 512
EPS = 1e-6
THETA = 1000000.0
LOG_THETA = 13.815510557964274

BT = 256
NT = T // BT
BG = 512
MAXB = 15
NPAD = MAXB * BG


_f32 = jnp.float32
_bf16 = jnp.bfloat16


def _dot(a, b, dims):
    return jax.lax.dot_general(a, b, (dims, ((), ())),
                               preferred_element_type=_f32)


def _chunk_rmsnorm(x, w_full):
    w = x.shape[1]
    c = w // DH
    rr = jax.lax.broadcasted_iota(jnp.int32, (w, c), 0)
    cc = jax.lax.broadcasted_iota(jnp.int32, (w, c), 1)
    m = (rr // DH == cc).astype(_f32)
    ssq = _dot(x * x, m, ((1,), (0,)))
    scale = jax.lax.rsqrt(ssq / DH + EPS)
    scale_full = _dot(scale, m, ((1,), (1,)))
    return x * scale_full * w_full


def _rope(x, cs, sn):
    w = x.shape[1]
    lane = jax.lax.broadcasted_iota(jnp.int32, x.shape, 1)
    first = (lane % DH) < 32
    cosf = jnp.tile(cs, (1, w // 32))
    sinf = jnp.tile(sn, (1, w // 32))
    xp = jnp.concatenate([x[:, w - 32:], x[:, :w - 32]], axis=1)
    xm = jnp.concatenate([x[:, 32:], x[:, :32]], axis=1)
    return jnp.where(first, x * cosf - xm * sinf, xp * sinf + x * cosf)



def _pre_body(pos_ref, hid_ref, wqkv_ref, qnw_ref, knw_ref, ilnw_ref,
              q_ref, k_ref, v_ref):
    x = hid_ref[...]
    h = x * jax.lax.rsqrt(jnp.mean(x * x, axis=1, keepdims=True) + EPS)
    h = h * ilnw_ref[...]
    qkv = _dot(h.astype(_bf16), wqkv_ref[...], ((1,), (1,)))
    q = qkv[:, :H * DH]
    k = qkv[:, H * DH:(H + KVH) * DH]
    v = qkv[:, (H + KVH) * DH:]
    q = _chunk_rmsnorm(q, qnw_ref[...])
    k = _chunk_rmsnorm(k, knw_ref[...])
    posf = pos_ref[...].astype(_f32)
    jj = jax.lax.broadcasted_iota(jnp.int32, (posf.shape[0], 32), 1)
    f = posf * jnp.exp(jj.astype(_f32) * (-LOG_THETA / 32.0))
    cs = jnp.cos(f)
    sn = jnp.sin(f)
    q = _rope(q, cs, sn)
    k = _rope(k, cs, sn)
    q_ref[...] = q.astype(_bf16)
    k_ref[...] = k.astype(_bf16)
    v_ref[...] = v.astype(_bf16)


BTP = 512


def _pre(pos2d, hidden, wqkv_b, qnw, knw, ilnw):
    return pl.pallas_call(
        _pre_body,
        grid=(T // BTP,),
        in_specs=[
            pl.BlockSpec((BTP, 1), lambda i: (i, 0)),
            pl.BlockSpec((BTP, D), lambda i: (i, 0)),
            pl.BlockSpec(((H + 2 * KVH) * DH, D), lambda i: (0, 0)),
            pl.BlockSpec((1, H * DH), lambda i: (0, 0)),
            pl.BlockSpec((1, KVH * DH), lambda i: (0, 0)),
            pl.BlockSpec((1, D), lambda i: (0, 0)),
        ],
        out_specs=[
            pl.BlockSpec((BTP, H * DH), lambda i: (i, 0)),
            pl.BlockSpec((BTP, KVH * DH), lambda i: (i, 0)),
            pl.BlockSpec((BTP, KVH * DH), lambda i: (i, 0)),
        ],
        out_shape=[
            jax.ShapeDtypeStruct((T, H * DH), _bf16),
            jax.ShapeDtypeStruct((T, KVH * DH), _bf16),
            jax.ShapeDtypeStruct((T, KVH * DH), _bf16),
        ],
        compiler_params=pltpu.CompilerParams(
            dimension_semantics=("parallel",)),
    )(pos2d, hidden, wqkv_b, qnw, knw, ilnw)



CS = 1024


def _attn_body(q_ref, k_ref, v_ref, o_ref):
    qi = pl.program_id(0)
    qs = [q_ref[:, DH * j:DH * (j + 1)] * 0.125 for j in range(H)]

    def chunk(base, carry, mask):
        out = []
        for j in range(H):
            kj = j // 2
            l_old, acc_old = carry[j]
            kh = k_ref[pl.ds(base, CS), DH * kj:DH * (kj + 1)]
            vh = v_ref[pl.ds(base, CS), DH * kj:DH * (kj + 1)]
            sc = _dot(qs[j], kh, ((1,), (1,)))
            if mask is not None:
                sc = sc + mask
            pm = jnp.exp(sc)
            l_new = l_old + jnp.sum(pm, axis=1, keepdims=True)
            acc_new = acc_old + _dot(pm.astype(_bf16), vh, ((1,), (0,)))
            out.append((l_new, acc_new))
        return tuple(out)

    init = tuple((jnp.zeros((BT, 1), _f32), jnp.zeros((BT, DH), _f32))
                 for _ in range(H))
    nfull = qi // (CS // BT)
    carry = jax.lax.fori_loop(
        0, nfull, lambda s, c: chunk(pl.multiple_of(s * CS, CS), c, None),
        init)
    rows = jax.lax.broadcasted_iota(jnp.int32, (BT, CS), 0) + qi * BT
    cols = jax.lax.broadcasted_iota(jnp.int32, (BT, CS), 1) + nfull * CS
    pen = jnp.where(rows >= cols, 0.0, -1e9).astype(_f32)
    carry = chunk(pl.multiple_of(nfull * CS, CS), carry, pen)
    for j in range(H):
        l_f, acc_f = carry[j]
        o_ref[:, DH * j:DH * (j + 1)] = (acc_f / l_f).astype(_bf16)


def _attn(q, k, v):
    return pl.pallas_call(
        _attn_body,
        grid=(NT,),
        in_specs=[
            pl.BlockSpec((BT, H * DH), lambda i: (i, 0)),
            pl.BlockSpec((T, KVH * DH), lambda i: (0, 0)),
            pl.BlockSpec((T, KVH * DH), lambda i: (0, 0)),
        ],
        out_specs=pl.BlockSpec((BT, H * DH), lambda i: (i, 0)),
        out_shape=jax.ShapeDtypeStruct((T, H * DH), _bf16),
        compiler_params=pltpu.CompilerParams(
            dimension_semantics=("arbitrary",)),
    )(q, k, v)



def _mid_body(hid_ref, attn_ref, wo_ref, plnw_ref, wr_ref,
              x_ref, m_ref, lg_ref):
    x = hid_ref[...] + _dot(attn_ref[...], wo_ref[...], ((1,), (1,)))
    x_ref[...] = x
    m = x * jax.lax.rsqrt(jnp.mean(x * x, axis=1, keepdims=True) + EPS)
    m = m * plnw_ref[...]
    m_ref[...] = m
    lg_ref[...] = _dot(m, wr_ref[...], ((1,), (1,)))


def _mid(hidden, attn, wo_b, plnw, wr_pad):
    return pl.pallas_call(
        _mid_body,
        grid=(T // BTP,),
        in_specs=[
            pl.BlockSpec((BTP, D), lambda i: (i, 0)),
            pl.BlockSpec((BTP, H * DH), lambda i: (i, 0)),
            pl.BlockSpec((D, H * DH), lambda i: (0, 0)),
            pl.BlockSpec((1, D), lambda i: (0, 0)),
            pl.BlockSpec((128, D), lambda i: (0, 0)),
        ],
        out_specs=[
            pl.BlockSpec((BTP, D), lambda i: (i, 0)),
            pl.BlockSpec((BTP, D), lambda i: (i, 0)),
            pl.BlockSpec((BTP, 128), lambda i: (i, 0)),
        ],
        out_shape=[
            jax.ShapeDtypeStruct((T, D), _f32),
            jax.ShapeDtypeStruct((T, D), _f32),
            jax.ShapeDtypeStruct((T, 128), _f32),
        ],
        compiler_params=pltpu.CompilerParams(
            dimension_semantics=("parallel",)),
    )(hidden, attn, wo_b, plnw, wr_pad)



def _cumsum_rows(x):
    n = x.shape[0]
    sh = 1
    while sh < n:
        z = jnp.zeros((sh, x.shape[1]), x.dtype)
        x = x + jnp.concatenate([z, x[:n - sh]], axis=0)
        sh *= 2
    return x


def _cumsum_lanes(x):
    n = x.shape[1]
    sh = 1
    while sh < n:
        z = jnp.zeros((x.shape[0], sh), x.dtype)
        x = x + jnp.concatenate([z, x[:, :n - sh]], axis=1)
        sh *= 2
    return x


def _route_body(lg_ref, w0_ref, w1_ref, e0_ref, e1_ref, d0_ref, d1_ref,
                be_ref, bv_ref):
    lane = jax.lax.broadcasted_iota(jnp.int32, (T, 128), 1)
    valid = lane < E
    l = jnp.where(valid, lg_ref[...], -1e30)
    m0 = jnp.max(l, axis=1, keepdims=True)
    e0 = jnp.min(jnp.where(l == m0, lane, 9999), axis=1, keepdims=True)
    oh0 = lane == e0
    l1 = jnp.where(oh0, -1e30, l)
    m1 = jnp.max(l1, axis=1, keepdims=True)
    e1 = jnp.min(jnp.where(l1 == m1, lane, 9999), axis=1, keepdims=True)
    oh1 = lane == e1
    w0_ref[...] = jax.nn.sigmoid(m0 - m1)
    w1_ref[...] = jax.nn.sigmoid(m1 - m0)
    e0_ref[...] = e0
    e1_ref[...] = e1
    f0 = oh0.astype(_f32)
    f1 = oh1.astype(_f32)
    c0 = _cumsum_rows(f0)
    c1 = _cumsum_rows(f1)
    cnt0 = jnp.sum(f0, axis=0, keepdims=True)
    cnt1 = jnp.sum(f1, axis=0, keepdims=True)
    ncnt = cnt0 + cnt1
    ru = jnp.ceil(ncnt / BG) * BG
    off = _cumsum_lanes(ru) - ru
    rank0 = jnp.sum((c0 - f0) * f0, axis=1, keepdims=True)
    rank1 = jnp.sum((cnt0 + c1 - f1) * f1, axis=1, keepdims=True)
    base0 = jnp.sum(off * f0, axis=1, keepdims=True)
    base1 = jnp.sum(off * f1, axis=1, keepdims=True)
    d0_ref[...] = (base0 + rank0).astype(jnp.int32)
    d1_ref[...] = (base1 + rank1).astype(jnp.int32)
    jb = jax.lax.broadcasted_iota(jnp.int32, (32, 128), 0).astype(_f32)
    lane32 = jax.lax.broadcasted_iota(jnp.int32, (32, 128), 1)
    bstart = off / BG
    bend = bstart + ru / BG
    ine = ((jb >= bstart) & (jb < bend) & (lane32 < E)).astype(_f32)
    beval = jnp.sum(ine * lane32.astype(_f32), axis=1, keepdims=True)
    has = jnp.sum(ine, axis=1, keepdims=True)
    lane1 = jax.lax.broadcasted_iota(jnp.int32, (1, 128), 1)
    last_e = jnp.max(jnp.where((ncnt > 0) & (lane1 < E),
                               lane1.astype(_f32), -1.0),
                     axis=1, keepdims=True)
    be_ref[...] = jnp.where(has > 0, beval, last_e).astype(jnp.int32)
    bv_ref[...] = (has > 0).astype(jnp.int32)


def _route(logits):
    return pl.pallas_call(
        _route_body,
        out_shape=[
            jax.ShapeDtypeStruct((T, 1), _f32),
            jax.ShapeDtypeStruct((T, 1), _f32),
            jax.ShapeDtypeStruct((T, 1), jnp.int32),
            jax.ShapeDtypeStruct((T, 1), jnp.int32),
            jax.ShapeDtypeStruct((T, 1), jnp.int32),
            jax.ShapeDtypeStruct((T, 1), jnp.int32),
            jax.ShapeDtypeStruct((32, 1), jnp.int32),
            jax.ShapeDtypeStruct((32, 1), jnp.int32),
        ],
    )(logits)



RPW = T // 32


def _sc_scatter(m, d0, d1):
    mesh = plsc.VectorSubcoreMesh(core_axis_name="c", subcore_axis_name="s")

    @functools.partial(
        pl.kernel, mesh=mesh,
        out_type=jax.ShapeDtypeStruct((NPAD, D), _f32),
        scratch_types=[
            pltpu.VMEM((RPW,), jnp.int32),
            pltpu.VMEM((RPW,), jnp.int32),
            pltpu.VMEM((RPW, D), _f32),
            pltpu.SemaphoreType.DMA,
        ],
    )
    def k(m_hbm, d0_hbm, d1_hbm, xs_hbm, idx0_v, idx1_v, rows_v, sem):
        wid = lax.axis_index("c") * 16 + lax.axis_index("s")
        base = wid * RPW
        pltpu.sync_copy(d0_hbm.at[pl.ds(base, RPW)], idx0_v)
        pltpu.sync_copy(d1_hbm.at[pl.ds(base, RPW)], idx1_v)
        pltpu.sync_copy(m_hbm.at[pl.ds(base, RPW)], rows_v)
        pltpu.async_copy(rows_v, xs_hbm.at[idx0_v], sem).wait()
        pltpu.async_copy(rows_v, xs_hbm.at[idx1_v], sem).wait()

    return k(m, d0, d1)


def _sc_gather(ys, d0, d1):
    mesh = plsc.VectorSubcoreMesh(core_axis_name="c", subcore_axis_name="s")

    @functools.partial(
        pl.kernel, mesh=mesh,
        out_type=[
            jax.ShapeDtypeStruct((T, D), _f32),
            jax.ShapeDtypeStruct((T, D), _f32),
        ],
        scratch_types=[
            pltpu.VMEM((RPW,), jnp.int32),
            pltpu.VMEM((RPW, D), _f32),
            pltpu.SemaphoreType.DMA,
        ],
    )
    def k(ys_hbm, d0_hbm, d1_hbm, y0_hbm, y1_hbm, idx_v, rows_v, sem):
        wid = lax.axis_index("c") * 16 + lax.axis_index("s")
        base = wid * RPW
        pltpu.sync_copy(d0_hbm.at[pl.ds(base, RPW)], idx_v)
        pltpu.async_copy(ys_hbm.at[idx_v], rows_v, sem).wait()
        pltpu.sync_copy(rows_v, y0_hbm.at[pl.ds(base, RPW)])
        pltpu.sync_copy(d1_hbm.at[pl.ds(base, RPW)], idx_v)
        pltpu.async_copy(ys_hbm.at[idx_v], rows_v, sem).wait()
        pltpu.sync_copy(rows_v, y1_hbm.at[pl.ds(base, RPW)])

    return k(ys, d0, d1)


def _group_body(be_ref, bv_ref, xs_ref, wgu_ref, wd_ref, ys_ref):
    i = pl.program_id(0)

    @pl.when(bv_ref[i] > 0)
    def _():
        mb = xs_ref[...].astype(_bf16)
        gu = _dot(mb, wgu_ref[...][0], ((1,), (0,)))
        hh = jax.nn.silu(gu[:, :FF]) * gu[:, FF:]
        ys_ref[...] = _dot(hh.astype(_bf16), wd_ref[...][0], ((1,), (0,)))


def _group(xs, wgu_b, wd_b, be, bv):
    grid_spec = pltpu.PrefetchScalarGridSpec(
        num_scalar_prefetch=2,
        grid=(MAXB,),
        in_specs=[
            pl.BlockSpec((BG, D),
                         lambda i, be, bv: (jnp.where(bv[i] > 0, i, 0), 0)),
            pl.BlockSpec((1, D, 2 * FF), lambda i, be, bv: (be[i], 0, 0)),
            pl.BlockSpec((1, FF, D), lambda i, be, bv: (be[i], 0, 0)),
        ],
        out_specs=pl.BlockSpec((BG, D), lambda i, be, bv: (i, 0)),
    )
    return pl.pallas_call(
        _group_body,
        grid_spec=grid_spec,
        out_shape=jax.ShapeDtypeStruct((NPAD, D), _f32),
        compiler_params=pltpu.CompilerParams(
            dimension_semantics=("arbitrary",)),
    )(be, bv, xs, wgu_b, wd_b)



def _comb_body(x_ref, m_ref, y0_ref, y1_ref, w0_ref, w1_ref,
               wsgu_ref, wsd_ref, wsg_ref, out_ref):
    m = m_ref[...]
    sgu = _dot(m.astype(_bf16), wsgu_ref[...], ((1,), (0,)))
    sh = jax.nn.silu(sgu[:, :SFF]) * sgu[:, SFF:]
    sy = _dot(sh.astype(_bf16), wsd_ref[...], ((1,), (0,)))
    sg = jax.nn.sigmoid(jnp.sum(m * wsg_ref[...], axis=1, keepdims=True))
    fused = w0_ref[...] * y0_ref[...] + w1_ref[...] * y1_ref[...]
    out_ref[...] = x_ref[...] + fused + sg * sy


def _comb(x, m, y0, y1, w0, w1, wsgu_b, wsd_b, wsg):
    return pl.pallas_call(
        _comb_body,
        grid=(T // BTP,),
        in_specs=[
            pl.BlockSpec((BTP, D), lambda i: (i, 0)),
            pl.BlockSpec((BTP, D), lambda i: (i, 0)),
            pl.BlockSpec((BTP, D), lambda i: (i, 0)),
            pl.BlockSpec((BTP, D), lambda i: (i, 0)),
            pl.BlockSpec((BTP, 1), lambda i: (i, 0)),
            pl.BlockSpec((BTP, 1), lambda i: (i, 0)),
            pl.BlockSpec((D, 2 * SFF), lambda i: (0, 0)),
            pl.BlockSpec((SFF, D), lambda i: (0, 0)),
            pl.BlockSpec((1, D), lambda i: (0, 0)),
        ],
        out_specs=pl.BlockSpec((BTP, D), lambda i: (i, 0)),
        out_shape=jax.ShapeDtypeStruct((T, D), _f32),
        compiler_params=pltpu.CompilerParams(
            dimension_semantics=("parallel",)),
    )(x, m, y0, y1, w0, w1, wsgu_b, wsd_b, wsg)



def kernel(positions, hidden_states, w_qkv, w_o, q_norm_w, k_norm_w,
           input_ln_w, post_ln_w, w_router, w_gate_up, w_down,
           w_shared_gu, w_shared_down, w_shared_gate):
    pos2d = positions.reshape(T, 1).astype(jnp.int32)
    qnw = jnp.tile(q_norm_w, H).reshape(1, H * DH)
    knw = jnp.tile(k_norm_w, KVH).reshape(1, KVH * DH)
    ilnw = input_ln_w.reshape(1, D)
    plnw = post_ln_w.reshape(1, D)
    wr_pad = jnp.pad(w_router, ((0, 128 - E), (0, 0)))
    wqkv_b = w_qkv.astype(_bf16)
    wo_b = w_o.astype(_bf16)
    wgu_b = w_gate_up.astype(_bf16)
    wd_b = w_down.astype(_bf16)
    wsgu_b = w_shared_gu.astype(_bf16)
    wsd_b = w_shared_down.astype(_bf16)
    wsg = w_shared_gate.reshape(1, D)

    q, k, v = _pre(pos2d, hidden_states, wqkv_b, qnw, knw, ilnw)
    attn = _attn(q, k, v)

    x, m, logits = _mid(hidden_states, attn, wo_b, plnw, wr_pad)
    w0, w1, e0, e1, d0, d1, be, bv = _route(logits)
    d0f = d0.reshape(T)
    d1f = d1.reshape(T)
    bef = be.reshape(32)[:MAXB]
    bvf = bv.reshape(32)[:MAXB]
    xs = _sc_scatter(m, d0f, d1f)
    ys = _group(xs, wgu_b, wd_b, bef, bvf)
    y0, y1 = _sc_gather(ys, d0f, d1f)
    out = _comb(x, m, y0, y1, w0, w1, wsgu_b, wsd_b, wsg)
    return out

# --- scband reference (transcript-rebuilt; emitter-appended) ---
"""Pipeline reference for scband-hybrid-qwen3-moe-attn-decoder-layer-16690242912520 (READ-ONLY COPY).

The authoritative reference and input builder live on the scoring server;
editing this copy changes nothing except your own understanding.
"""

import jax, jax.numpy as jnp
import numpy as np

T = 2048; D = 1024; H = 16; KVH = 8; DH = 64
E = 8; TOPK = 2; FF = 512; SFF = 512
EPS = 1e-6; THETA = 1000000.0


def rmsnorm(x, w):
    return x * jax.lax.rsqrt(jnp.mean(x * x, axis=-1, keepdims=True) + EPS) * w


def rope(pos, x):
    half = DH // 2
    inv = 1.0 / (THETA ** (jnp.arange(half, dtype=jnp.float32) / half))
    f = pos.astype(jnp.float32)[:, None] * inv[None, :]
    cos = jnp.cos(f)[:, None, :]
    sin = jnp.sin(f)[:, None, :]
    x1, x2 = x[..., :half], x[..., half:]
    return jnp.concatenate([x1 * cos - x2 * sin, x2 * cos + x1 * sin], axis=-1)


def setup_inputs(seed: int = 0) -> dict:
    key = jax.random.key(seed)
    ks = [jax.random.fold_in(key, i) for i in range(16)]
    s = 0.02
    return {
        'positions': jnp.arange(T),
        'hidden_states': jax.random.normal(ks[0], (T, D), jnp.float32),
        'w_qkv': s * jax.random.normal(ks[1], ((H + 2 * KVH) * DH, D), jnp.float32),
        'w_o': s * jax.random.normal(ks[2], (D, H * DH), jnp.float32),
        'q_norm_w': jnp.ones((DH,), jnp.float32),
        'k_norm_w': jnp.ones((DH,), jnp.float32),
        'input_ln_w': jnp.ones((D,), jnp.float32),
        'post_ln_w': jnp.ones((D,), jnp.float32),
        'w_router': s * jax.random.normal(ks[3], (E, D), jnp.float32),
        'w_gate_up': s * jax.random.normal(ks[4], (E, D, 2 * FF), jnp.float32),
        'w_down': s * jax.random.normal(ks[5], (E, FF, D), jnp.float32),
        'w_shared_gu': s * jax.random.normal(ks[6], (D, 2 * SFF), jnp.float32),
        'w_shared_down': s * jax.random.normal(ks[7], (SFF, D), jnp.float32),
        'w_shared_gate': s * jax.random.normal(ks[8], (1, D), jnp.float32),
    }


def reference(positions, hidden_states, w_qkv, w_o, q_norm_w, k_norm_w,
              input_ln_w, post_ln_w, w_router, w_gate_up, w_down,
              w_shared_gu, w_shared_down, w_shared_gate):
    # --- attention block (Qwen3MoeAttention with QK-norm + RoPE + GQA) ---
    h = rmsnorm(hidden_states, input_ln_w)
    qkv = h @ w_qkv.T
    q = qkv[:, :H * DH].reshape(T, H, DH)
    k = qkv[:, H * DH:(H + KVH) * DH].reshape(T, KVH, DH)
    v = qkv[:, (H + KVH) * DH:].reshape(T, KVH, DH)
    q = rmsnorm(q, q_norm_w)
    k = rmsnorm(k, k_norm_w)
    q = rope(positions, q)
    k = rope(positions, k)
    rep = H // KVH
    k = jnp.repeat(k, rep, axis=1)
    v = jnp.repeat(v, rep, axis=1)
    scores = jnp.einsum('thd,shd->hts', q, k) * (DH ** -0.5)
    mask = jnp.arange(T)[:, None] >= jnp.arange(T)[None, :]
    scores = jnp.where(mask[None, :, :], scores, -1e9)
    probs = jax.nn.softmax(scores, axis=-1)
    attn = jnp.einsum('hts,shd->thd', probs, v).reshape(T, H * DH)
    x = hidden_states + attn @ w_o.T
    # --- sparse MoE block (Qwen3MoeSparseMoeBlock) ---
    m = rmsnorm(x, post_ln_w)
    router_logits = m @ w_router.T
    rp = jax.nn.softmax(router_logits, axis=-1)
    tv, ti = jax.lax.top_k(rp, TOPK)
    tv = tv / jnp.sum(tv, axis=-1, keepdims=True)  # renormalize (norm_topk_prob)
    fused = jnp.zeros((T, D), jnp.float32)
    for e in range(E):
        we = jnp.sum(jnp.where(ti == e, tv, 0.0), axis=-1)
        gu = m @ w_gate_up[e]
        y = (jax.nn.silu(gu[:, :FF]) * gu[:, FF:]) @ w_down[e]
        fused = fused + we[:, None] * y
    # shared expert with sigmoid expert gate
    sgu = m @ w_shared_gu
    sy = (jax.nn.silu(sgu[:, :SFF]) * sgu[:, SFF:]) @ w_shared_down
    sg = jax.nn.sigmoid(m @ w_shared_gate.T)
    shared = sg * sy
    return x + fused + shared

if __name__ == "__main__":
    import jax
    _d = setup_inputs()
    print(jax.jit(kernel)(*tuple(_d.values())))

</pallas_src>

<mosaic_0001>
#map = affine_map<(d0, d1) -> (0, 0)>
#map1 = affine_map<(d0, d1) -> (0)>
module attributes {stable_mosaic.version = 14 : i64} {
  func.func @k(%arg0: i32, %arg1: i32, %arg2: memref<7680x1024xf32, #tpu.memory_space<hbm>>, %arg3: memref<2048xi32, #tpu.memory_space<hbm>>, %arg4: memref<2048xi32, #tpu.memory_space<hbm>>, %arg5: memref<2048x1024xf32, #tpu.memory_space<hbm>>, %arg6: memref<2048x1024xf32, #tpu.memory_space<hbm>>, %arg7: memref<64xi32, #tpu.memory_space<vmem>>, %arg8: memref<64x1024xf32, #tpu.memory_space<vmem>>, %arg9: memref<!tpu.dma_semaphore, #tpu.memory_space<semaphore_mem>>) attributes {dimension_semantics = [#tpu.dimension_semantics<core_parallel>, #tpu.dimension_semantics<subcore_parallel>], iteration_bounds = array<i64: 2, 16>, scalar_prefetch = 0 : i64, scratch_operands = 3 : i64, tpu.core_type = #tpu.core_type<sc_vector_subcore>, window_params = [{transform_indices = #map}, {transform_indices = #map1}, {transform_indices = #map1}, {transform_indices = #map}, {transform_indices = #map}]} {
    %mul3A = arith.constant 16 : i32
    %mul3A_0 = arith.muli %arg0, %mul3A : i32
    %add3A = arith.addi %mul3A_0, %arg1 : i32
    %mul3A_1 = arith.constant 64 : i32
    %mul3A_2 = arith.muli %add3A, %mul3A_1 : i32
    "tpu.region"() ({
      %run_scoped3A = tpu.sem_alloc : memref<!tpu.dma_semaphore, #tpu.memory_space<semaphore_mem>>
      %dma_start3A_13 = tpu.memref_slice %arg3[%mul3A_2] : memref<2048xi32, #tpu.memory_space<hbm>> -> memref<64xi32, #tpu.memory_space<hbm>>
      %dma_start3A_14 = tpu.memref_slice %arg3[%mul3A_2] : memref<2048xi32, #tpu.memory_space<hbm>> -> memref<64xi32, #tpu.memory_space<hbm>>
      tpu.enqueue_dma source(%dma_start3A_14 : memref<64xi32, #tpu.memory_space<hbm>>) target(%arg7 : memref<64xi32, #tpu.memory_space<vmem>>) target_semaphore(%run_scoped3A : memref<!tpu.dma_semaphore, #tpu.memory_space<semaphore_mem>>)
      %dma_wait3A_15 = tpu.memref_slice %arg3[%mul3A_2] : memref<2048xi32, #tpu.memory_space<hbm>> -> memref<64xi32, #tpu.memory_space<hbm>>
      %dma_wait3A_16 = tpu.memref_slice %arg3[%mul3A_2] : memref<2048xi32, #tpu.memory_space<hbm>> -> memref<64xi32, #tpu.memory_space<hbm>>
      tpu.wait_dma2 semaphore(%run_scoped3A : memref<!tpu.dma_semaphore, #tpu.memory_space<semaphore_mem>>) src(%dma_wait3A_16 : memref<64xi32, #tpu.memory_space<hbm>>) dst(%arg7 : memref<64xi32, #tpu.memory_space<vmem>>)
      tpu.yield
    }) : () -> ()
    %dma_start3A = arith.constant 0 : i32
    %dma_start3A_3 = arith.constant 0 : i32
    %dma_start3A_4 = tpu.memref_slice %arg2[%dma_start3A, %dma_start3A_3] : memref<7680x1024xf32, #tpu.memory_space<hbm>> -> memref<7680x1024xf32, #tpu.memory_space<hbm>>
    tpu.enqueue_indirect_dma source(%dma_start3A_4 : memref<7680x1024xf32, #tpu.memory_space<hbm>>) target(%arg8 : memref<64x1024xf32, #tpu.memory_space<vmem>>) offsets(%arg7 : memref<64xi32, #tpu.memory_space<vmem>>) semaphore(%arg9 : memref<!tpu.dma_semaphore, #tpu.memory_space<semaphore_mem>>)
    %dma_wait3A = arith.constant 0 : i32
    %dma_wait3A_5 = arith.constant 0 : i32
    %dma_wait3A_6 = tpu.memref_slice %arg2[%dma_wait3A, %dma_wait3A_5] : memref<7680x1024xf32, #tpu.memory_space<hbm>> -> memref<7680x1024xf32, #tpu.memory_space<hbm>>
    tpu.wait_indirect_dma semaphore(%arg9 : memref<!tpu.dma_semaphore, #tpu.memory_space<semaphore_mem>>) src(%dma_wait3A_6 : memref<7680x1024xf32, #tpu.memory_space<hbm>>) dst(%arg8 : memref<64x1024xf32, #tpu.memory_space<vmem>>)
    "tpu.region"() ({
      %run_scoped3A = tpu.sem_alloc : memref<!tpu.dma_semaphore, #tpu.memory_space<semaphore_mem>>
      %dma_start3A_13 = arith.constant 0 : i32
      %dma_start3A_14 = tpu.memref_slice %arg5[%mul3A_2, %dma_start3A_13] : memref<2048x1024xf32, #tpu.memory_space<hbm>> -> memref<64x1024xf32, #tpu.memory_space<hbm>>
      %dma_start3A_15 = arith.constant 0 : i32
      %dma_start3A_16 = tpu.memref_slice %arg5[%mul3A_2, %dma_start3A_15] : memref<2048x1024xf32, #tpu.memory_space<hbm>> -> memref<64x1024xf32, #tpu.memory_space<hbm>>
      tpu.enqueue_dma source(%arg8 : memref<64x1024xf32, #tpu.memory_space<vmem>>) target(%dma_start3A_16 : memref<64x1024xf32, #tpu.memory_space<hbm>>) target_semaphore(%run_scoped3A : memref<!tpu.dma_semaphore, #tpu.memory_space<semaphore_mem>>)
      %dma_wait3A_17 = arith.constant 0 : i32
      %dma_wait3A_18 = tpu.memref_slice %arg5[%mul3A_2, %dma_wait3A_17] : memref<2048x1024xf32, #tpu.memory_space<hbm>> -> memref<64x1024xf32, #tpu.memory_space<hbm>>
      %dma_wait3A_19 = arith.constant 0 : i32
      %dma_wait3A_20 = tpu.memref_slice %arg5[%mul3A_2, %dma_wait3A_19] : memref<2048x1024xf32, #tpu.memory_space<hbm>> -> memref<64x1024xf32, #tpu.memory_space<hbm>>
      tpu.wait_dma2 semaphore(%run_scoped3A : memref<!tpu.dma_semaphore, #tpu.memory_space<semaphore_mem>>) src(%arg8 : memref<64x1024xf32, #tpu.memory_space<vmem>>) dst(%dma_wait3A_20 : memref<64x1024xf32, #tpu.memory_space<hbm>>)
      tpu.yield
    }) : () -> ()
    "tpu.region"() ({
      %run_scoped3A = tpu.sem_alloc : memref<!tpu.dma_semaphore, #tpu.memory_space<semaphore_mem>>
      %dma_start3A_13 = tpu.memref_slice %arg4[%mul3A_2] : memref<2048xi32, #tpu.memory_space<hbm>> -> memref<64xi32, #tpu.memory_space<hbm>>
      %dma_start3A_14 = tpu.memref_slice %arg4[%mul3A_2] : memref<2048xi32, #tpu.memory_space<hbm>> -> memref<64xi32, #tpu.memory_space<hbm>>
      tpu.enqueue_dma source(%dma_start3A_14 : memref<64xi32, #tpu.memory_space<hbm>>) target(%arg7 : memref<64xi32, #tpu.memory_space<vmem>>) target_semaphore(%run_scoped3A : memref<!tpu.dma_semaphore, #tpu.memory_space<semaphore_mem>>)
      %dma_wait3A_15 = tpu.memref_slice %arg4[%mul3A_2] : memref<2048xi32, #tpu.memory_space<hbm>> -> memref<64xi32, #tpu.memory_space<hbm>>
      %dma_wait3A_16 = tpu.memref_slice %arg4[%mul3A_2] : memref<2048xi32, #tpu.memory_space<hbm>> -> memref<64xi32, #tpu.memory_space<hbm>>
      tpu.wait_dma2 semaphore(%run_scoped3A : memref<!tpu.dma_semaphore, #tpu.memory_space<semaphore_mem>>) src(%dma_wait3A_16 : memref<64xi32, #tpu.memory_space<hbm>>) dst(%arg7 : memref<64xi32, #tpu.memory_space<vmem>>)
      tpu.yield
    }) : () -> ()
    %dma_start3A_7 = arith.constant 0 : i32
    %dma_start3A_8 = arith.constant 0 : i32
    %dma_start3A_9 = tpu.memref_slice %arg2[%dma_start3A_7, %dma_start3A_8] : memref<7680x1024xf32, #tpu.memory_space<hbm>> -> memref<7680x1024xf32, #tpu.memory_space<hbm>>
    tpu.enqueue_indirect_dma source(%dma_start3A_9 : memref<7680x1024xf32, #tpu.memory_space<hbm>>) target(%arg8 : memref<64x1024xf32, #tpu.memory_space<vmem>>) offsets(%arg7 : memref<64xi32, #tpu.memory_space<vmem>>) semaphore(%arg9 : memref<!tpu.dma_semaphore, #tpu.memory_space<semaphore_mem>>)
    %dma_wait3A_10 = arith.constant 0 : i32
    %dma_wait3A_11 = arith.constant 0 : i32
    %dma_wait3A_12 = tpu.memref_slice %arg2[%dma_wait3A_10, %dma_wait3A_11] : memref<7680x1024xf32, #tpu.memory_space<hbm>> -> memref<7680x1024xf32, #tpu.memory_space<hbm>>
    tpu.wait_indirect_dma semaphore(%arg9 : memref<!tpu.dma_semaphore, #tpu.memory_space<semaphore_mem>>) src(%dma_wait3A_12 : memref<7680x1024xf32, #tpu.memory_space<hbm>>) dst(%arg8 : memref<64x1024xf32, #tpu.memory_space<vmem>>)
    "tpu.region"() ({
      %run_scoped3A = tpu.sem_alloc : memref<!tpu.dma_semaphore, #tpu.memory_space<semaphore_mem>>
      %dma_start3A_13 = arith.constant 0 : i32
      %dma_start3A_14 = tpu.memref_slice %arg6[%mul3A_2, %dma_start3A_13] : memref<2048x1024xf32, #tpu.memory_space<hbm>> -> memref<64x1024xf32, #tpu.memory_space<hbm>>
      %dma_start3A_15 = arith.constant 0 : i32
      %dma_start3A_16 = tpu.memref_slice %arg6[%mul3A_2, %dma_start3A_15] : memref<2048x1024xf32, #tpu.memory_space<hbm>> -> memref<64x1024xf32, #tpu.memory_space<hbm>>
      tpu.enqueue_dma source(%arg8 : memref<64x1024xf32, #tpu.memory_space<vmem>>) target(%dma_start3A_16 : memref<64x1024xf32, #tpu.memory_space<hbm>>) target_semaphore(%run_scoped3A : memref<!tpu.dma_semaphore, #tpu.memory_space<semaphore_mem>>)
      %dma_wait3A_17 = arith.constant 0 : i32
      %dma_wait3A_18 = tpu.memref_slice %arg6[%mul3A_2, %dma_wait3A_17] : memref<2048x1024xf32, #tpu.memory_space<hbm>> -> memref<64x1024xf32, #tpu.memory_space<hbm>>
      %dma_wait3A_19 = arith.constant 0 : i32
      %dma_wait3A_20 = tpu.memref_slice %arg6[%mul3A_2, %dma_wait3A_19] : memref<2048x1024xf32, #tpu.memory_space<hbm>> -> memref<64x1024xf32, #tpu.memory_space<hbm>>
      tpu.wait_dma2 semaphore(%run_scoped3A : memref<!tpu.dma_semaphore, #tpu.memory_space<semaphore_mem>>) src(%arg8 : memref<64x1024xf32, #tpu.memory_space<vmem>>) dst(%dma_wait3A_20 : memref<64x1024xf32, #tpu.memory_space<hbm>>)
      tpu.yield
    }) : () -> ()
    return
  }
}

#map = affine_map<(d0, d1) -> (0, 0)>
#map1 = affine_map<(d0, d1) -> (0)>
module attributes {stable_mosaic.version = 14 : i64} {
  func.func @k(%arg0: i32, %arg1: i32, %arg2: memref<2048x1024xf32, #tpu.memory_space<hbm>>, %arg3: memref<2048xi32, #tpu.memory_space<hbm>>, %arg4: memref<2048xi32, #tpu.memory_space<hbm>>, %arg5: memref<7680x1024xf32, #tpu.memory_space<hbm>>, %arg6: memref<64xi32, #tpu.memory_space<vmem>>, %arg7: memref<64xi32, #tpu.memory_space<vmem>>, %arg8: memref<64x1024xf32, #tpu.memory_space<vmem>>, %arg9: memref<!tpu.dma_semaphore, #tpu.memory_space<semaphore_mem>>) attributes {dimension_semantics = [#tpu.dimension_semantics<core_parallel>, #tpu.dimension_semantics<subcore_parallel>], iteration_bounds = array<i64: 2, 16>, scalar_prefetch = 0 : i64, scratch_operands = 4 : i64, tpu.core_type = #tpu.core_type<sc_vector_subcore>, window_params = [{transform_indices = #map}, {transform_indices = #map1}, {transform_indices = #map1}, {transform_indices = #map}]} {
    %mul3A = arith.constant 16 : i32
    %mul3A_0 = arith.muli %arg0, %mul3A : i32
    %add3A = arith.addi %mul3A_0, %arg1 : i32
    %mul3A_1 = arith.constant 64 : i32
    %mul3A_2 = arith.muli %add3A, %mul3A_1 : i32
    "tpu.region"() ({
      %run_scoped3A = tpu.sem_alloc : memref<!tpu.dma_semaphore, #tpu.memory_space<semaphore_mem>>
      %dma_start3A_13 = tpu.memref_slice %arg3[%mul3A_2] : memref<2048xi32, #tpu.memory_space<hbm>> -> memref<64xi32, #tpu.memory_space<hbm>>
      %dma_start3A_14 = tpu.memref_slice %arg3[%mul3A_2] : memref<2048xi32, #tpu.memory_space<hbm>> -> memref<64xi32, #tpu.memory_space<hbm>>
      tpu.enqueue_dma source(%dma_start3A_14 : memref<64xi32, #tpu.memory_space<hbm>>) target(%arg6 : memref<64xi32, #tpu.memory_space<vmem>>) target_semaphore(%run_scoped3A : memref<!tpu.dma_semaphore, #tpu.memory_space<semaphore_mem>>)
      %dma_wait3A_15 = tpu.memref_slice %arg3[%mul3A_2] : memref<2048xi32, #tpu.memory_space<hbm>> -> memref<64xi32, #tpu.memory_space<hbm>>
      %dma_wait3A_16 = tpu.memref_slice %arg3[%mul3A_2] : memref<2048xi32, #tpu.memory_space<hbm>> -> memref<64xi32, #tpu.memory_space<hbm>>
      tpu.wait_dma2 semaphore(%run_scoped3A : memref<!tpu.dma_semaphore, #tpu.memory_space<semaphore_mem>>) src(%dma_wait3A_16 : memref<64xi32, #tpu.memory_space<hbm>>) dst(%arg6 : memref<64xi32, #tpu.memory_space<vmem>>)
      tpu.yield
    }) : () -> ()
    "tpu.region"() ({
      %run_scoped3A = tpu.sem_alloc : memref<!tpu.dma_semaphore, #tpu.memory_space<semaphore_mem>>
      %dma_start3A_13 = tpu.memref_slice %arg4[%mul3A_2] : memref<2048xi32, #tpu.memory_space<hbm>> -> memref<64xi32, #tpu.memory_space<hbm>>
      %dma_start3A_14 = tpu.memref_slice %arg4[%mul3A_2] : memref<2048xi32, #tpu.memory_space<hbm>> -> memref<64xi32, #tpu.memory_space<hbm>>
      tpu.enqueue_dma source(%dma_start3A_14 : memref<64xi32, #tpu.memory_space<hbm>>) target(%arg7 : memref<64xi32, #tpu.memory_space<vmem>>) target_semaphore(%run_scoped3A : memref<!tpu.dma_semaphore, #tpu.memory_space<semaphore_mem>>)
      %dma_wait3A_15 = tpu.memref_slice %arg4[%mul3A_2] : memref<2048xi32, #tpu.memory_space<hbm>> -> memref<64xi32, #tpu.memory_space<hbm>>
      %dma_wait3A_16 = tpu.memref_slice %arg4[%mul3A_2] : memref<2048xi32, #tpu.memory_space<hbm>> -> memref<64xi32, #tpu.memory_space<hbm>>
      tpu.wait_dma2 semaphore(%run_scoped3A : memref<!tpu.dma_semaphore, #tpu.memory_space<semaphore_mem>>) src(%dma_wait3A_16 : memref<64xi32, #tpu.memory_space<hbm>>) dst(%arg7 : memref<64xi32, #tpu.memory_space<vmem>>)
      tpu.yield
    }) : () -> ()
    "tpu.region"() ({
      %run_scoped3A = tpu.sem_alloc : memref<!tpu.dma_semaphore, #tpu.memory_space<semaphore_mem>>
      %dma_start3A_13 = arith.constant 0 : i32
      %dma_start3A_14 = tpu.memref_slice %arg2[%mul3A_2, %dma_start3A_13] : memref<2048x1024xf32, #tpu.memory_space<hbm>> -> memref<64x1024xf32, #tpu.memory_space<hbm>>
      %dma_start3A_15 = arith.constant 0 : i32
      %dma_start3A_16 = tpu.memref_slice %arg2[%mul3A_2, %dma_start3A_15] : memref<2048x1024xf32, #tpu.memory_space<hbm>> -> memref<64x1024xf32, #tpu.memory_space<hbm>>
      tpu.enqueue_dma source(%dma_start3A_16 : memref<64x1024xf32, #tpu.memory_space<hbm>>) target(%arg8 : memref<64x1024xf32, #tpu.memory_space<vmem>>) target_semaphore(%run_scoped3A : memref<!tpu.dma_semaphore, #tpu.memory_space<semaphore_mem>>)
      %dma_wait3A_17 = arith.constant 0 : i32
      %dma_wait3A_18 = tpu.memref_slice %arg2[%mul3A_2, %dma_wait3A_17] : memref<2048x1024xf32, #tpu.memory_space<hbm>> -> memref<64x1024xf32, #tpu.memory_space<hbm>>
      %dma_wait3A_19 = arith.constant 0 : i32
      %dma_wait3A_20 = tpu.memref_slice %arg2[%mul3A_2, %dma_wait3A_19] : memref<2048x1024xf32, #tpu.memory_space<hbm>> -> memref<64x1024xf32, #tpu.memory_space<hbm>>
      tpu.wait_dma2 semaphore(%run_scoped3A : memref<!tpu.dma_semaphore, #tpu.memory_space<semaphore_mem>>) src(%dma_wait3A_20 : memref<64x1024xf32, #tpu.memory_space<hbm>>) dst(%arg8 : memref<64x1024xf32, #tpu.memory_space<vmem>>)
      tpu.yield
    }) : () -> ()
    %dma_start3A = arith.constant 0 : i32
    %dma_start3A_3 = arith.constant 0 : i32
    %dma_start3A_4 = tpu.memref_slice %arg5[%dma_start3A, %dma_start3A_3] : memref<7680x1024xf32, #tpu.memory_space<hbm>> -> memref<7680x1024xf32, #tpu.memory_space<hbm>>
    tpu.enqueue_indirect_dma source(%arg8 : memref<64x1024xf32, #tpu.memory_space<vmem>>) target(%dma_start3A_4 : memref<7680x1024xf32, #tpu.memory_space<hbm>>) offsets(%arg6 : memref<64xi32, #tpu.memory_space<vmem>>) semaphore(%arg9 : memref<!tpu.dma_semaphore, #tpu.memory_space<semaphore_mem>>)
    %dma_wait3A = arith.constant 0 : i32
    %dma_wait3A_5 = arith.constant 0 : i32
    %dma_wait3A_6 = tpu.memref_slice %arg5[%dma_wait3A, %dma_wait3A_5] : memref<7680x1024xf32, #tpu.memory_space<hbm>> -> memref<7680x1024xf32, #tpu.memory_space<hbm>>
    tpu.wait_indirect_dma semaphore(%arg9 : memref<!tpu.dma_semaphore, #tpu.memory_space<semaphore_mem>>) src(%arg8 : memref<64x1024xf32, #tpu.memory_space<vmem>>) dst(%dma_wait3A_6 : memref<7680x1024xf32, #tpu.memory_space<hbm>>)
    %dma_start3A_7 = arith.constant 0 : i32
    %dma_start3A_8 = arith.constant 0 : i32
    %dma_start3A_9 = tpu.memref_slice %arg5[%dma_start3A_7, %dma_start3A_8] : memref<7680x1024xf32, #tpu.memory_space<hbm>> -> memref<7680x1024xf32, #tpu.memory_space<hbm>>
    tpu.enqueue_indirect_dma source(%arg8 : memref<64x1024xf32, #tpu.memory_space<vmem>>) target(%dma_start3A_9 : memref<7680x1024xf32, #tpu.memory_space<hbm>>) offsets(%arg7 : memref<64xi32, #tpu.memory_space<vmem>>) semaphore(%arg9 : memref<!tpu.dma_semaphore, #tpu.memory_space<semaphore_mem>>)
    %dma_wait3A_10 = arith.constant 0 : i32
    %dma_wait3A_11 = arith.constant 0 : i32
    %dma_wait3A_12 = tpu.memref_slice %arg5[%dma_wait3A_10, %dma_wait3A_11] : memref<7680x1024xf32, #tpu.memory_space<hbm>> -> memref<7680x1024xf32, #tpu.memory_space<hbm>>
    tpu.wait_indirect_dma semaphore(%arg9 : memref<!tpu.dma_semaphore, #tpu.memory_space<semaphore_mem>>) src(%arg8 : memref<64x1024xf32, #tpu.memory_space<vmem>>) dst(%dma_wait3A_12 : memref<7680x1024xf32, #tpu.memory_space<hbm>>)
    return
  }
}

module attributes {stable_mosaic.version = 14 : i64} {
  func.func @_pre_body(%arg0: i32, %arg1: memref<512x1xi32, #tpu.memory_space<vmem>>, %arg2: memref<512x1024xf32, #tpu.memory_space<vmem>>, %arg3: memref<2048x1024xbf16, #tpu.memory_space<vmem>>, %arg4: memref<1x1024xf32, #tpu.memory_space<vmem>>, %arg5: memref<1x512xf32, #tpu.memory_space<vmem>>, %arg6: memref<1x1024xf32, #tpu.memory_space<vmem>>, %arg7: memref<512x1024xbf16, #tpu.memory_space<vmem>>, %arg8: memref<512x512xbf16, #tpu.memory_space<vmem>>, %arg9: memref<512x512xbf16, #tpu.memory_space<vmem>>) attributes {dimension_semantics = [#tpu.dimension_semantics<parallel>], iteration_bounds = array<i64: 4>, scalar_prefetch = 0 : i64, scratch_operands = 0 : i64, tpu.core_type = #tpu.core_type<tc>, window_params = [{transform_indices = @transform_0, window_bounds = array<i64: 512, 1>}, {transform_indices = @transform_1, window_bounds = array<i64: 512, 1024>}, {pipeline_mode = #tpu.pipeline_mode<synchronous>, transform_indices = @transform_2, window_bounds = array<i64: 2048, 1024>}, {pipeline_mode = #tpu.pipeline_mode<synchronous>, transform_indices = @transform_3, window_bounds = array<i64: 1, 1024>}, {pipeline_mode = #tpu.pipeline_mode<synchronous>, transform_indices = @transform_4, window_bounds = array<i64: 1, 512>}, {pipeline_mode = #tpu.pipeline_mode<synchronous>, transform_indices = @transform_5, window_bounds = array<i64: 1, 1024>}, {transform_indices = @transform_6, window_bounds = array<i64: 512, 1024>}, {transform_indices = @transform_7, window_bounds = array<i64: 512, 512>}, {transform_indices = @transform_8, window_bounds = array<i64: 512, 512>}]} {
    %get3A = arith.constant 0 : index
    %get3A_0 = arith.constant 0 : index
    %get3A_1 = vector.load %arg2[%get3A, %get3A_0] : memref<512x1024xf32, #tpu.memory_space<vmem>>, vector<512x1024xf32>
    %mul3A = arith.mulf %get3A_1, %get3A_1 : vector<512x1024xf32>
    %reduce_sum3A = arith.constant dense<0.000000e+00> : vector<512xf32>
    %reduce_sum3A_2 = vector.multi_reduction <add>, %mul3A, %reduce_sum3A [1] : vector<512x1024xf32> to vector<512xf32>
    %broadcast_in_dim3A = vector.shape_cast %reduce_sum3A_2 : vector<512xf32> to vector<512x1xf32>
    %div3A = arith.constant 1.024000e+03 : f32
    %div3A_3 = vector.broadcast %div3A : f32 to vector<512x1xf32>
    %div3A_4 = arith.divf %broadcast_in_dim3A, %div3A_3 : vector<512x1xf32>
    %add3A = arith.constant 9.99999997E-7 : f32
    %add3A_5 = vector.broadcast %add3A : f32 to vector<512x1xf32>
    %add3A_6 = arith.addf %div3A_4, %add3A_5 : vector<512x1xf32>
    %rsqrt3A = math.rsqrt %add3A_6 : vector<512x1xf32>
    %mul3A_7 = vector.broadcast %rsqrt3A : vector<512x1xf32> to vector<512x1024xf32>
    %mul3A_8 = arith.mulf %get3A_1, %mul3A_7 : vector<512x1024xf32>
    %get3A_9 = arith.constant 0 : index
    %get3A_10 = arith.constant 0 : index
    %get3A_11 = vector.load %arg6[%get3A_9, %get3A_10] : memref<1x1024xf32, #tpu.memory_space<vmem>>, vector<1x1024xf32>
    %mul3A_12 = vector.broadcast %get3A_11 : vector<1x1024xf32> to vector<512x1024xf32>
    %mul3A_13 = arith.mulf %mul3A_8, %mul3A_12 : vector<512x1024xf32>
    %convert_element_type3A = arith.truncf %mul3A_13 : vector<512x1024xf32> to vector<512x1024xbf16>
    %get3A_14 = arith.constant 0 : index
    %get3A_15 = arith.constant 0 : index
    %get3A_16 = vector.load %arg3[%get3A_14, %get3A_15] : memref<2048x1024xbf16, #tpu.memory_space<vmem>>, vector<2048x1024xbf16>
    %dot_general3A = arith.constant dense<0.000000e+00> : vector<512x2048xf32>
    %dot_general3A_17 = tpu.matmul %convert_element_type3A, %get3A_16, %dot_general3A {dimension_numbers = #tpu.dot_dimension_numbers<[1], [1], [0], [0], [0, 0, 1, 0], [], []>, transpose_lhs_hint = false} : vector<512x1024xbf16>, vector<2048x1024xbf16>, vector<512x2048xf32> -> vector<512x2048xf32>
    %slice3A = vector.extract_strided_slice %dot_general3A_17 {offsets = [0, 0], sizes = [512, 1024], strides = [1, 1]} : vector<512x2048xf32> to vector<512x1024xf32>
    %slice3A_18 = vector.extract_strided_slice %dot_general3A_17 {offsets = [0, 1024], sizes = [512, 512], strides = [1, 1]} : vector<512x2048xf32> to vector<512x512xf32>
    %slice3A_19 = vector.extract_strided_slice %dot_general3A_17 {offsets = [0, 1536], sizes = [512, 512], strides = [1, 1]} : vector<512x2048xf32> to vector<512x512xf32>
    %get3A_20 = arith.constant 0 : index
    %get3A_21 = arith.constant 0 : index
    %get3A_22 = vector.load %arg4[%get3A_20, %get3A_21] : memref<1x1024xf32, #tpu.memory_space<vmem>>, vector<1x1024xf32>
    %iota3A = tpu.iota {dimensions = array<i32: 0>} : vector<1024x16xi32>
    %iota3A_23 = tpu.iota {dimensions = array<i32: 1>} : vector<1024x16xi32>
    %jit3A = arith.constant 64 : i32
    %div3A_24 = vector.broadcast %jit3A : i32 to vector<1024x16xi32>
    %div3A_25 = arith.divsi %iota3A, %div3A_24 : vector<1024x16xi32>
    %sign3A = arith.constant 0 : i32
    %sign3A_26 = vector.broadcast %sign3A : i32 to vector<1024x16xi32>
    %sign3A_27 = arith.cmpi sgt, %iota3A, %sign3A_26 : vector<1024x16xi32>
    %sign3A_28 = arith.extui %sign3A_27 : vector<1024x16xi1> to vector<1024x16xi32>
    %sign3A_29 = arith.constant 0 : i32
    %sign3A_30 = vector.broadcast %sign3A_29 : i32 to vector<1024x16xi32>
    %sign3A_31 = arith.cmpi slt, %iota3A, %sign3A_30 : vector<1024x16xi32>
    %sign3A_32 = arith.extui %sign3A_31 : vector<1024x16xi1> to vector<1024x16xi32>
    %sign3A_33 = arith.subi %sign3A_28, %sign3A_32 : vector<1024x16xi32>
    %sign3A_34 = arith.constant 0 : i32
    %sign3A_35 = arith.cmpi sgt, %jit3A, %sign3A_34 : i32
    %sign3A_36 = arith.extui %sign3A_35 : i1 to i32
    %sign3A_37 = arith.constant 0 : i32
    %sign3A_38 = arith.cmpi slt, %jit3A, %sign3A_37 : i32
    %sign3A_39 = arith.extui %sign3A_38 : i1 to i32
    %sign3A_40 = arith.subi %sign3A_36, %sign3A_39 : i32
    %ne3A = vector.broadcast %sign3A_40 : i32 to vector<1024x16xi32>
    %ne3A_41 = arith.cmpi ne, %sign3A_33, %ne3A : vector<1024x16xi32>
    %rem3A = vector.broadcast %jit3A : i32 to vector<1024x16xi32>
    %rem3A_42 = arith.remsi %iota3A, %rem3A : vector<1024x16xi32>
    %ne3A_43 = arith.constant 0 : i32
    %ne3A_44 = vector.broadcast %ne3A_43 : i32 to vector<1024x16xi32>
    %ne3A_45 = arith.cmpi ne, %rem3A_42, %ne3A_44 : vector<1024x16xi32>
    %and3A = arith.andi %ne3A_41, %ne3A_45 : vector<1024x16xi1>
    %sub3A = arith.constant 1 : i32
    %sub3A_46 = vector.broadcast %sub3A : i32 to vector<1024x16xi32>
    %sub3A_47 = arith.subi %div3A_25, %sub3A_46 : vector<1024x16xi32>
    %select_n3A = arith.select %and3A, %sub3A_47, %div3A_25 : vector<1024x16xi1>, vector<1024x16xi32>
    %eq3A = arith.cmpi eq, %select_n3A, %iota3A_23 : vector<1024x16xi32>
    %convert_element_type3A_48 = arith.extui %eq3A : vector<1024x16xi1> to vector<1024x16xi32>
    %convert_element_type3A_49 = arith.sitofp %convert_element_type3A_48 : vector<1024x16xi32> to vector<1024x16xf32>
    %mul3A_50 = arith.mulf %slice3A, %slice3A : vector<512x1024xf32>
    %dot_general3A_51 = arith.constant dense<0.000000e+00> : vector<512x16xf32>
    %dot_general3A_52 = tpu.matmul %mul3A_50, %convert_element_type3A_49, %dot_general3A_51 {dimension_numbers = #tpu.dot_dimension_numbers<[1], [0], [0], [1], [0, 0, 1, 1], [], []>, transpose_lhs_hint = false} : vector<512x1024xf32>, vector<1024x16xf32>, vector<512x16xf32> -> vector<512x16xf32>
    %div3A_53 = arith.constant 6.400000e+01 : f32
    %div3A_54 = vector.broadcast %div3A_53 : f32 to vector<512x16xf32>
    %div3A_55 = arith.divf %dot_general3A_52, %div3A_54 : vector<512x16xf32>
    %add3A_56 = arith.constant 9.99999997E-7 : f32
    %add3A_57 = vector.broadcast %add3A_56 : f32 to vector<512x16xf32>
    %add3A_58 = arith.addf %div3A_55, %add3A_57 : vector<512x16xf32>
    %rsqrt3A_59 = math.rsqrt %add3A_58 : vector<512x16xf32>
    %dot_general3A_60 = arith.constant dense<0.000000e+00> : vector<512x1024xf32>
    %dot_general3A_61 = tpu.matmul %rsqrt3A_59, %convert_element_type3A_49, %dot_general3A_60 {dimension_numbers = #tpu.dot_dimension_numbers<[1], [1], [0], [0], [0, 0, 1, 0], [], []>, transpose_lhs_hint = false} : vector<512x16xf32>, vector<1024x16xf32>, vector<512x1024xf32> -> vector<512x1024xf32>
    %mul3A_62 = arith.mulf %slice3A, %dot_general3A_61 : vector<512x1024xf32>
    %mul3A_63 = vector.broadcast %get3A_22 : vector<1x1024xf32> to vector<512x1024xf32>
    %mul3A_64 = arith.mulf %mul3A_62, %mul3A_63 : vector<512x1024xf32>
    %get3A_65 = arith.constant 0 : index
    %get3A_66 = arith.constant 0 : index
    %get3A_67 = vector.load %arg5[%get3A_65, %get3A_66] : memref<1x512xf32, #tpu.memory_space<vmem>>, vector<1x512xf32>
    %iota3A_68 = tpu.iota {dimensions = array<i32: 0>} : vector<512x8xi32>
    %iota3A_69 = tpu.iota {dimensions = array<i32: 1>} : vector<512x8xi32>
    %jit3A_70 = arith.constant 64 : i32
    %div3A_71 = vector.broadcast %jit3A_70 : i32 to vector<512x8xi32>
    %div3A_72 = arith.divsi %iota3A_68, %div3A_71 : vector<512x8xi32>
    %sign3A_73 = arith.constant 0 : i32
    %sign3A_74 = vector.broadcast %sign3A_73 : i32 to vector<512x8xi32>
    %sign3A_75 = arith.cmpi sgt, %iota3A_68, %sign3A_74 : vector<512x8xi32>
    %sign3A_76 = arith.extui %sign3A_75 : vector<512x8xi1> to vector<512x8xi32>
    %sign3A_77 = arith.constant 0 : i32
    %sign3A_78 = vector.broadcast %sign3A_77 : i32 to vector<512x8xi32>
    %sign3A_79 = arith.cmpi slt, %iota3A_68, %sign3A_78 : vector<512x8xi32>
    %sign3A_80 = arith.extui %sign3A_79 : vector<512x8xi1> to vector<512x8xi32>
    %sign3A_81 = arith.subi %sign3A_76, %sign3A_80 : vector<512x8xi32>
    %sign3A_82 = arith.constant 0 : i32
    %sign3A_83 = arith.cmpi sgt, %jit3A_70, %sign3A_82 : i32
    %sign3A_84 = arith.extui %sign3A_83 : i1 to i32
    %sign3A_85 = arith.constant 0 : i32
    %sign3A_86 = arith.cmpi slt, %jit3A_70, %sign3A_85 : i32
    %sign3A_87 = arith.extui %sign3A_86 : i1 to i32
    %sign3A_88 = arith.subi %sign3A_84, %sign3A_87 : i32
    %ne3A_89 = vector.broadcast %sign3A_88 : i32 to vector<512x8xi32>
    %ne3A_90 = arith.cmpi ne, %sign3A_81, %ne3A_89 : vector<512x8xi32>
    %rem3A_91 = vector.broadcast %jit3A_70 : i32 to vector<512x8xi32>
    %rem3A_92 = arith.remsi %iota3A_68, %rem3A_91 : vector<512x8xi32>
    %ne3A_93 = arith.constant 0 : i32
    %ne3A_94 = vector.broadcast %ne3A_93 : i32 to vector<512x8xi32>
    %ne3A_95 = arith.cmpi ne, %rem3A_92, %ne3A_94 : vector<512x8xi32>
    %and3A_96 = arith.andi %ne3A_90, %ne3A_95 : vector<512x8xi1>
    %sub3A_97 = arith.constant 1 : i32
    %sub3A_98 = vector.broadcast %sub3A_97 : i32 to vector<512x8xi32>
    %sub3A_99 = arith.subi %div3A_72, %sub3A_98 : vector<512x8xi32>
    %select_n3A_100 = arith.select %and3A_96, %sub3A_99, %div3A_72 : vector<512x8xi1>, vector<512x8xi32>
    %eq3A_101 = arith.cmpi eq, %select_n3A_100, %iota3A_69 : vector<512x8xi32>
    %convert_element_type3A_102 = arith.extui %eq3A_101 : vector<512x8xi1> to vector<512x8xi32>
    %convert_element_type3A_103 = arith.sitofp %convert_element_type3A_102 : vector<512x8xi32> to vector<512x8xf32>
    %mul3A_104 = arith.mulf %slice3A_18, %slice3A_18 : vector<512x512xf32>
    %dot_general3A_105 = arith.constant dense<0.000000e+00> : vector<512x8xf32>
    %dot_general3A_106 = tpu.matmul %mul3A_104, %convert_element_type3A_103, %dot_general3A_105 {dimension_numbers = #tpu.dot_dimension_numbers<[1], [0], [0], [1], [0, 0, 1, 1], [], []>, transpose_lhs_hint = false} : vector<512x512xf32>, vector<512x8xf32>, vector<512x8xf32> -> vector<512x8xf32>
    %div3A_107 = arith.constant 6.400000e+01 : f32
    %div3A_108 = vector.broadcast %div3A_107 : f32 to vector<512x8xf32>
    %div3A_109 = arith.divf %dot_general3A_106, %div3A_108 : vector<512x8xf32>
    %add3A_110 = arith.constant 9.99999997E-7 : f32
    %add3A_111 = vector.broadcast %add3A_110 : f32 to vector<512x8xf32>
    %add3A_112 = arith.addf %div3A_109, %add3A_111 : vector<512x8xf32>
    %rsqrt3A_113 = math.rsqrt %add3A_112 : vector<512x8xf32>
    %dot_general3A_114 = arith.constant dense<0.000000e+00> : vector<512x512xf32>
    %dot_general3A_115 = tpu.matmul %rsqrt3A_113, %convert_element_type3A_103, %dot_general3A_114 {dimension_numbers = #tpu.dot_dimension_numbers<[1], [1], [0], [0], [0, 0, 1, 0], [], []>, transpose_lhs_hint = false} : vector<512x8xf32>, vector<512x8xf32>, vector<512x512xf32> -> vector<512x512xf32>
    %mul3A_116 = arith.mulf %slice3A_18, %dot_general3A_115 : vector<512x512xf32>
    %mul3A_117 = vector.broadcast %get3A_67 : vector<1x512xf32> to vector<512x512xf32>
    %mul3A_118 = arith.mulf %mul3A_116, %mul3A_117 : vector<512x512xf32>
    %get3A_119 = arith.constant 0 : index
    %get3A_120 = arith.constant 0 : index
    %get3A_121 = vector.load %arg1[%get3A_119, %get3A_120] : memref<512x1xi32, #tpu.memory_space<vmem>>, vector<512x1xi32>
    %convert_element_type3A_122 = arith.sitofp %get3A_121 : vector<512x1xi32> to vector<512x1xf32>
    %iota3A_123 = tpu.iota {dimensions = array<i32: 1>} : vector<512x32xi32>
    %convert_element_type3A_124 = arith.sitofp %iota3A_123 : vector<512x32xi32> to vector<512x32xf32>
    %mul3A_125 = arith.constant -0.431734711 : f32
    %mul3A_126 = vector.broadcast %mul3A_125 : f32 to vector<512x32xf32>
    %mul3A_127 = arith.mulf %convert_element_type3A_124, %mul3A_126 : vector<512x32xf32>
    %exp3A = math.exp %mul3A_127 : vector<512x32xf32>
    %mul3A_128 = vector.broadcast %convert_element_type3A_122 : vector<512x1xf32> to vector<512x32xf32>
    %mul3A_129 = arith.mulf %mul3A_128, %exp3A : vector<512x32xf32>
    %cos3A = math.cos %mul3A_129 : vector<512x32xf32>
    %sin3A = math.sin %mul3A_129 : vector<512x32xf32>
    %iota3A_130 = tpu.iota {dimensions = array<i32: 1>} : vector<512x1024xi32>
    %jit3A_131 = arith.constant 64 : i32
    %eq3A_132 = arith.constant 0 : i32
    %eq3A_133 = arith.cmpi eq, %jit3A_131, %eq3A_132 : i32
    %jit3A_134 = arith.constant 1 : i32
    %select_n3A_135 = arith.select %eq3A_133, %jit3A_134, %jit3A_131 : i32
    %rem3A_136 = vector.broadcast %select_n3A_135 : i32 to vector<512x1024xi32>
    %rem3A_137 = arith.remsi %iota3A_130, %rem3A_136 : vector<512x1024xi32>
    %ne3A_138 = arith.constant 0 : i32
    %ne3A_139 = vector.broadcast %ne3A_138 : i32 to vector<512x1024xi32>
    %ne3A_140 = arith.cmpi ne, %rem3A_137, %ne3A_139 : vector<512x1024xi32>
    %lt3A = arith.constant 0 : i32
    %lt3A_141 = vector.broadcast %lt3A : i32 to vector<512x1024xi32>
    %lt3A_142 = arith.cmpi slt, %rem3A_137, %lt3A_141 : vector<512x1024xi32>
    %lt3A_143 = arith.constant 0 : i32
    %lt3A_144 = arith.cmpi slt, %select_n3A_135, %lt3A_143 : i32
    %ne3A_145 = vector.broadcast %lt3A_144 : i1 to vector<512x1024xi1>
    %ne3A_146 = vector.broadcast %ne3A_145 : vector<512x1024xi1> to vector<512x1024xi1>
    %ne3A_147 = arith.xori %lt3A_142, %ne3A_146 : vector<512x1024xi1>
    %and3A_148 = arith.andi %ne3A_147, %ne3A_140 : vector<512x1024xi1>
    %add3A_149 = vector.broadcast %select_n3A_135 : i32 to vector<512x1024xi32>
    %add3A_150 = arith.addi %rem3A_137, %add3A_149 : vector<512x1024xi32>
    %select_n3A_151 = arith.select %and3A_148, %add3A_150, %rem3A_137 : vector<512x1024xi1>, vector<512x1024xi32>
    %lt3A_152 = arith.constant 32 : i32
    %lt3A_153 = vector.broadcast %lt3A_152 : i32 to vector<512x1024xi32>
    %lt3A_154 = arith.cmpi slt, %select_n3A_151, %lt3A_153 : vector<512x1024xi32>
    %tile3A = tpu.concatenate %cos3A, %cos3A, %cos3A, %cos3A, %cos3A, %cos3A, %cos3A, %cos3A, %cos3A, %cos3A, %cos3A, %cos3A, %cos3A, %cos3A, %cos3A, %cos3A, %cos3A, %cos3A, %cos3A, %cos3A, %cos3A, %cos3A, %cos3A, %cos3A, %cos3A, %cos3A, %cos3A, %cos3A, %cos3A, %cos3A, %cos3A, %cos3A in 1 : vector<512x32xf32>, vector<512x32xf32>, vector<512x32xf32>, vector<512x32xf32>, vector<512x32xf32>, vector<512x32xf32>, vector<512x32xf32>, vector<512x32xf32>, vector<512x32xf32>, vector<512x32xf32>, vector<512x32xf32>, vector<512x32xf32>, vector<512x32xf32>, vector<512x32xf32>, vector<512x32xf32>, vector<512x32xf32>, vector<512x32xf32>, vector<512x32xf32>, vector<512x32xf32>, vector<512x32xf32>, vector<512x32xf32>, vector<512x32xf32>, vector<512x32xf32>, vector<512x32xf32>, vector<512x32xf32>, vector<512x32xf32>, vector<512x32xf32>, vector<512x32xf32>, vector<512x32xf32>, vector<512x32xf32>, vector<512x32xf32>, vector<512x32xf32> -> vector<512x1024xf32>
    %tile3A_155 = tpu.concatenate %sin3A, %sin3A, %sin3A, %sin3A, %sin3A, %sin3A, %sin3A, %sin3A, %sin3A, %sin3A, %sin3A, %sin3A, %sin3A, %sin3A, %sin3A, %sin3A, %sin3A, %sin3A, %sin3A, %sin3A, %sin3A, %sin3A, %sin3A, %sin3A, %sin3A, %sin3A, %sin3A, %sin3A, %sin3A, %sin3A, %sin3A, %sin3A in 1 : vector<512x32xf32>, vector<512x32xf32>, vector<512x32xf32>, vector<512x32xf32>, vector<512x32xf32>, vector<512x32xf32>, vector<512x32xf32>, vector<512x32xf32>, vector<512x32xf32>, vector<512x32xf32>, vector<512x32xf32>, vector<512x32xf32>, vector<512x32xf32>, vector<512x32xf32>, vector<512x32xf32>, vector<512x32xf32>, vector<512x32xf32>, vector<512x32xf32>, vector<512x32xf32>, vector<512x32xf32>, vector<512x32xf32>, vector<512x32xf32>, vector<512x32xf32>, vector<512x32xf32>, vector<512x32xf32>, vector<512x32xf32>, vector<512x32xf32>, vector<512x32xf32>, vector<512x32xf32>, vector<512x32xf32>, vector<512x32xf32>, vector<512x32xf32> -> vector<512x1024xf32>
    %slice3A_156 = vector.extract_strided_slice %mul3A_64 {offsets = [0, 992], sizes = [512, 32], strides = [1, 1]} : vector<512x1024xf32> to vector<512x32xf32>
    %slice3A_157 = vector.extract_strided_slice %mul3A_64 {offsets = [0, 0], sizes = [512, 992], strides = [1, 1]} : vector<512x1024xf32> to vector<512x992xf32>
    %concatenate3A = tpu.concatenate %slice3A_156, %slice3A_157 in 1 : vector<512x32xf32>, vector<512x992xf32> -> vector<512x1024xf32>
    %slice3A_158 = vector.extract_strided_slice %mul3A_64 {offsets = [0, 32], sizes = [512, 992], strides = [1, 1]} : vector<512x1024xf32> to vector<512x992xf32>
    %slice3A_159 = vector.extract_strided_slice %mul3A_64 {offsets = [0, 0], sizes = [512, 32], strides = [1, 1]} : vector<512x1024xf32> to vector<512x32xf32>
    %concatenate3A_160 = tpu.concatenate %slice3A_158, %slice3A_159 in 1 : vector<512x992xf32>, vector<512x32xf32> -> vector<512x1024xf32>
    %mul3A_161 = arith.mulf %mul3A_64, %tile3A : vector<512x1024xf32>
    %mul3A_162 = arith.mulf %concatenate3A_160, %tile3A_155 : vector<512x1024xf32>
    %sub3A_163 = arith.subf %mul3A_161, %mul3A_162 : vector<512x1024xf32>
    %mul3A_164 = arith.mulf %concatenate3A, %tile3A_155 : vector<512x1024xf32>
    %mul3A_165 = arith.mulf %mul3A_64, %tile3A : vector<512x1024xf32>
    %add3A_166 = arith.addf %mul3A_164, %mul3A_165 : vector<512x1024xf32>
    %select_n3A_167 = arith.select %lt3A_154, %sub3A_163, %add3A_166 : vector<512x1024xi1>, vector<512x1024xf32>
    %iota3A_168 = tpu.iota {dimensions = array<i32: 1>} : vector<512x512xi32>
    %jit3A_169 = arith.constant 64 : i32
    %eq3A_170 = arith.constant 0 : i32
    %eq3A_171 = arith.cmpi eq, %jit3A_169, %eq3A_170 : i32
    %jit3A_172 = arith.constant 1 : i32
    %select_n3A_173 = arith.select %eq3A_171, %jit3A_172, %jit3A_169 : i32
    %rem3A_174 = vector.broadcast %select_n3A_173 : i32 to vector<512x512xi32>
    %rem3A_175 = arith.remsi %iota3A_168, %rem3A_174 : vector<512x512xi32>
    %ne3A_176 = arith.constant 0 : i32
    %ne3A_177 = vector.broadcast %ne3A_176 : i32 to vector<512x512xi32>
    %ne3A_178 = arith.cmpi ne, %rem3A_175, %ne3A_177 : vector<512x512xi32>
    %lt3A_179 = arith.constant 0 : i32
    %lt3A_180 = vector.broadcast %lt3A_179 : i32 to vector<512x512xi32>
    %lt3A_181 = arith.cmpi slt, %rem3A_175, %lt3A_180 : vector<512x512xi32>
    %lt3A_182 = arith.constant 0 : i32
    %lt3A_183 = arith.cmpi slt, %select_n3A_173, %lt3A_182 : i32
    %ne3A_184 = vector.broadcast %lt3A_183 : i1 to vector<512x512xi1>
    %ne3A_185 = vector.broadcast %ne3A_184 : vector<512x512xi1> to vector<512x512xi1>
    %ne3A_186 = arith.xori %lt3A_181, %ne3A_185 : vector<512x512xi1>
    %and3A_187 = arith.andi %ne3A_186, %ne3A_178 : vector<512x512xi1>
    %add3A_188 = vector.broadcast %select_n3A_173 : i32 to vector<512x512xi32>
    %add3A_189 = arith.addi %rem3A_175, %add3A_188 : vector<512x512xi32>
    %select_n3A_190 = arith.select %and3A_187, %add3A_189, %rem3A_175 : vector<512x512xi1>, vector<512x512xi32>
    %lt3A_191 = arith.constant 32 : i32
    %lt3A_192 = vector.broadcast %lt3A_191 : i32 to vector<512x512xi32>
    %lt3A_193 = arith.cmpi slt, %select_n3A_190, %lt3A_192 : vector<512x512xi32>
    %tile3A_194 = tpu.concatenate %cos3A, %cos3A, %cos3A, %cos3A, %cos3A, %cos3A, %cos3A, %cos3A, %cos3A, %cos3A, %cos3A, %cos3A, %cos3A, %cos3A, %cos3A, %cos3A in 1 : vector<512x32xf32>, vector<512x32xf32>, vector<512x32xf32>, vector<512x32xf32>, vector<512x32xf32>, vector<512x32xf32>, vector<512x32xf32>, vector<512x32xf32>, vector<512x32xf32>, vector<512x32xf32>, vector<512x32xf32>, vector<512x32xf32>, vector<512x32xf32>, vector<512x32xf32>, vector<512x32xf32>, vector<512x32xf32> -> vector<512x512xf32>
    %tile3A_195 = tpu.concatenate %sin3A, %sin3A, %sin3A, %sin3A, %sin3A, %sin3A, %sin3A, %sin3A, %sin3A, %sin3A, %sin3A, %sin3A, %sin3A, %sin3A, %sin3A, %sin3A in 1 : vector<512x32xf32>, vector<512x32xf32>, vector<512x32xf32>, vector<512x32xf32>, vector<512x32xf32>, vector<512x32xf32>, vector<512x32xf32>, vector<512x32xf32>, vector<512x32xf32>, vector<512x32xf32>, vector<512x32xf32>, vector<512x32xf32>, vector<512x32xf32>, vector<512x32xf32>, vector<512x32xf32>, vector<512x32xf32> -> vector<512x512xf32>
    %slice3A_196 = vector.extract_strided_slice %mul3A_118 {offsets = [0, 480], sizes = [512, 32], strides = [1, 1]} : vector<512x512xf32> to vector<512x32xf32>
    %slice3A_197 = vector.extract_strided_slice %mul3A_118 {offsets = [0, 0], sizes = [512, 480], strides = [1, 1]} : vector<512x512xf32> to vector<512x480xf32>
    %concatenate3A_198 = tpu.concatenate %slice3A_196, %slice3A_197 in 1 : vector<512x32xf32>, vector<512x480xf32> -> vector<512x512xf32>
    %slice3A_199 = vector.extract_strided_slice %mul3A_118 {offsets = [0, 32], sizes = [512, 480], strides = [1, 1]} : vector<512x512xf32> to vector<512x480xf32>
    %slice3A_200 = vector.extract_strided_slice %mul3A_118 {offsets = [0, 0], sizes = [512, 32], strides = [1, 1]} : vector<512x512xf32> to vector<512x32xf32>
    %concatenate3A_201 = tpu.concatenate %slice3A_199, %slice3A_200 in 1 : vector<512x480xf32>, vector<512x32xf32> -> vector<512x512xf32>
    %mul3A_202 = arith.mulf %mul3A_118, %tile3A_194 : vector<512x512xf32>
    %mul3A_203 = arith.mulf %concatenate3A_201, %tile3A_195 : vector<512x512xf32>
    %sub3A_204 = arith.subf %mul3A_202, %mul3A_203 : vector<512x512xf32>
    %mul3A_205 = arith.mulf %concatenate3A_198, %tile3A_195 : vector<512x512xf32>
    %mul3A_206 = arith.mulf %mul3A_118, %tile3A_194 : vector<512x512xf32>
    %add3A_207 = arith.addf %mul3A_205, %mul3A_206 : vector<512x512xf32>
    %select_n3A_208 = arith.select %lt3A_193, %sub3A_204, %add3A_207 : vector<512x512xi1>, vector<512x512xf32>
    %convert_element_type3A_209 = arith.truncf %select_n3A_167 : vector<512x1024xf32> to vector<512x1024xbf16>
    %swap3A = arith.constant 0 : index
    %swap3A_210 = arith.constant 0 : index
    %swap3A_211 = vector.load %arg7[%swap3A, %swap3A_210] : memref<512x1024xbf16, #tpu.memory_space<vmem>>, vector<512x1024xbf16>
    tpu.vector_store %arg7[%swap3A, %swap3A_210], %convert_element_type3A_209 {strides = array<i32>} : memref<512x1024xbf16, #tpu.memory_space<vmem>>, vector<512x1024xbf16>,
    %convert_element_type3A_212 = arith.truncf %select_n3A_208 : vector<512x512xf32> to vector<512x512xbf16>
    %swap3A_213 = arith.constant 0 : index
    %swap3A_214 = arith.constant 0 : index
    %swap3A_215 = vector.load %arg8[%swap3A_213, %swap3A_214] : memref<512x512xbf16, #tpu.memory_space<vmem>>, vector<512x512xbf16>
    tpu.vector_store %arg8[%swap3A_213, %swap3A_214], %convert_element_type3A_212 {strides = array<i32>} : memref<512x512xbf16, #tpu.memory_space<vmem>>, vector<512x512xbf16>,
    %convert_element_type3A_216 = arith.truncf %slice3A_19 : vector<512x512xf32> to vector<512x512xbf16>
    %swap3A_217 = arith.constant 0 : index
    %swap3A_218 = arith.constant 0 : index
    %swap3A_219 = vector.load %arg9[%swap3A_217, %swap3A_218] : memref<512x512xbf16, #tpu.memory_space<vmem>>, vector<512x512xbf16>
    tpu.vector_store %arg9[%swap3A_217, %swap3A_218], %convert_element_type3A_216 {strides = array<i32>} : memref<512x512xbf16, #tpu.memory_space<vmem>>, vector<512x512xbf16>,
    return
  }
  func.func @transform_0(%arg0: i32) -> (i32, i32) {
    %c0_i32 = arith.constant 0 : i32
    %c0_i32_0 = arith.constant 0 : i32
    return %arg0, %c0_i32 : i32, i32
  }
  func.func @transform_1(%arg0: i32) -> (i32, i32) {
    %c0_i32 = arith.constant 0 : i32
    %c0_i32_0 = arith.constant 0 : i32
    return %arg0, %c0_i32 : i32, i32
  }
  func.func @transform_2(%arg0: i32) -> (i32, i32) {
    %c0_i32 = arith.constant 0 : i32
    %c0_i32_0 = arith.constant 0 : i32
    %c0_i32_1 = arith.constant 0 : i32
    return %c0_i32, %c0_i32_0 : i32, i32
  }
  func.func @transform_3(%arg0: i32) -> (i32, i32) {
    %c0_i32 = arith.constant 0 : i32
    %c0_i32_0 = arith.constant 0 : i32
    %c0_i32_1 = arith.constant 0 : i32
    return %c0_i32, %c0_i32_0 : i32, i32
  }
  func.func @transform_4(%arg0: i32) -> (i32, i32) {
    %c0_i32 = arith.constant 0 : i32
    %c0_i32_0 = arith.constant 0 : i32
    %c0_i32_1 = arith.constant 0 : i32
    return %c0_i32, %c0_i32_0 : i32, i32
  }
  func.func @transform_5(%arg0: i32) -> (i32, i32) {
    %c0_i32 = arith.constant 0 : i32
    %c0_i32_0 = arith.constant 0 : i32
    %c0_i32_1 = arith.constant 0 : i32
    return %c0_i32, %c0_i32_0 : i32, i32
  }
  func.func @transform_6(%arg0: i32) -> (i32, i32) {
    %c0_i32 = arith.constant 0 : i32
    %c0_i32_0 = arith.constant 0 : i32
    return %arg0, %c0_i32 : i32, i32
  }
  func.func @transform_7(%arg0: i32) -> (i32, i32) {
    %c0_i32 = arith.constant 0 : i32
    %c0_i32_0 = arith.constant 0 : i32
    return %arg0, %c0_i32 : i32, i32
  }
  func.func @transform_8(%arg0: i32) -> (i32, i32) {
    %c0_i32 = arith.constant 0 : i32
    %c0_i32_0 = arith.constant 0 : i32
    return %arg0, %c0_i32 : i32, i32
  }
}

module attributes {stable_mosaic.version = 14 : i64} {
  func.func @_attn_body(%arg0: i32, %arg1: memref<256x1024xbf16, #tpu.memory_space<vmem>>, %arg2: memref<2048x512xbf16, #tpu.memory_space<vmem>>, %arg3: memref<2048x512xbf16, #tpu.memory_space<vmem>>, %arg4: memref<256x1024xbf16, #tpu.memory_space<vmem>>) attributes {dimension_semantics = [#tpu.dimension_semantics<arbitrary>], iteration_bounds = array<i64: 8>, scalar_prefetch = 0 : i64, scratch_operands = 0 : i64, tpu.core_type = #tpu.core_type<tc>, window_params = [{transform_indices = @transform_0, window_bounds = array<i64: 256, 1024>}, {pipeline_mode = #tpu.pipeline_mode<synchronous>, transform_indices = @transform_1, window_bounds = array<i64: 2048, 512>}, {pipeline_mode = #tpu.pipeline_mode<synchronous>, transform_indices = @transform_2, window_bounds = array<i64: 2048, 512>}, {transform_indices = @transform_3, window_bounds = array<i64: 256, 1024>}]} {
    %get3A = arith.constant 0 : index
    %get3A_0 = arith.constant 0 : index
    %get3A_1 = vector.load %arg1[%get3A, %get3A_0] : memref<256x1024xbf16, #tpu.memory_space<vmem>>, vector<256x64xbf16>
    %mul3A = arith.constant 1.250000e-01 : bf16
    %mul3A_2 = vector.broadcast %mul3A : bf16 to vector<256x64xbf16>
    %mul3A_3 = arith.mulf %get3A_1, %mul3A_2 : vector<256x64xbf16>
    %get3A_4 = arith.constant 0 : index
    %get3A_5 = arith.constant 64 : index
    %get3A_6 = vector.load %arg1[%get3A_4, %get3A_5] : memref<256x1024xbf16, #tpu.memory_space<vmem>>, vector<256x64xbf16>
    %mul3A_7 = arith.constant 1.250000e-01 : bf16
    %mul3A_8 = vector.broadcast %mul3A_7 : bf16 to vector<256x64xbf16>
    %mul3A_9 = arith.mulf %get3A_6, %mul3A_8 : vector<256x64xbf16>
    %get3A_10 = arith.constant 0 : index
    %get3A_11 = arith.constant 128 : index
    %get3A_12 = vector.load %arg1[%get3A_10, %get3A_11] : memref<256x1024xbf16, #tpu.memory_space<vmem>>, vector<256x64xbf16>
    %mul3A_13 = arith.constant 1.250000e-01 : bf16
    %mul3A_14 = vector.broadcast %mul3A_13 : bf16 to vector<256x64xbf16>
    %mul3A_15 = arith.mulf %get3A_12, %mul3A_14 : vector<256x64xbf16>
    %get3A_16 = arith.constant 0 : index
    %get3A_17 = arith.constant 192 : index
    %get3A_18 = vector.load %arg1[%get3A_16, %get3A_17] : memref<256x1024xbf16, #tpu.memory_space<vmem>>, vector<256x64xbf16>
    %mul3A_19 = arith.constant 1.250000e-01 : bf16
    %mul3A_20 = vector.broadcast %mul3A_19 : bf16 to vector<256x64xbf16>
    %mul3A_21 = arith.mulf %get3A_18, %mul3A_20 : vector<256x64xbf16>
    %get3A_22 = arith.constant 0 : index
    %get3A_23 = arith.constant 256 : index
    %get3A_24 = vector.load %arg1[%get3A_22, %get3A_23] : memref<256x1024xbf16, #tpu.memory_space<vmem>>, vector<256x64xbf16>
    %mul3A_25 = arith.constant 1.250000e-01 : bf16
    %mul3A_26 = vector.broadcast %mul3A_25 : bf16 to vector<256x64xbf16>
    %mul3A_27 = arith.mulf %get3A_24, %mul3A_26 : vector<256x64xbf16>
    %get3A_28 = arith.constant 0 : index
    %get3A_29 = arith.constant 320 : index
    %get3A_30 = vector.load %arg1[%get3A_28, %get3A_29] : memref<256x1024xbf16, #tpu.memory_space<vmem>>, vector<256x64xbf16>
    %mul3A_31 = arith.constant 1.250000e-01 : bf16
    %mul3A_32 = vector.broadcast %mul3A_31 : bf16 to vector<256x64xbf16>
    %mul3A_33 = arith.mulf %get3A_30, %mul3A_32 : vector<256x64xbf16>
    %get3A_34 = arith.constant 0 : index
    %get3A_35 = arith.constant 384 : index
    %get3A_36 = vector.load %arg1[%get3A_34, %get3A_35] : memref<256x1024xbf16, #tpu.memory_space<vmem>>, vector<256x64xbf16>
    %mul3A_37 = arith.constant 1.250000e-01 : bf16
    %mul3A_38 = vector.broadcast %mul3A_37 : bf16 to vector<256x64xbf16>
    %mul3A_39 = arith.mulf %get3A_36, %mul3A_38 : vector<256x64xbf16>
    %get3A_40 = arith.constant 0 : index
    %get3A_41 = arith.constant 448 : index
    %get3A_42 = vector.load %arg1[%get3A_40, %get3A_41] : memref<256x1024xbf16, #tpu.memory_space<vmem>>, vector<256x64xbf16>
    %mul3A_43 = arith.constant 1.250000e-01 : bf16
    %mul3A_44 = vector.broadcast %mul3A_43 : bf16 to vector<256x64xbf16>
    %mul3A_45 = arith.mulf %get3A_42, %mul3A_44 : vector<256x64xbf16>
    %get3A_46 = arith.constant 0 : index
    %get3A_47 = arith.constant 512 : index
    %get3A_48 = vector.load %arg1[%get3A_46, %get3A_47] : memref<256x1024xbf16, #tpu.memory_space<vmem>>, vector<256x64xbf16>
    %mul3A_49 = arith.constant 1.250000e-01 : bf16
    %mul3A_50 = vector.broadcast %mul3A_49 : bf16 to vector<256x64xbf16>
    %mul3A_51 = arith.mulf %get3A_48, %mul3A_50 : vector<256x64xbf16>
    %get3A_52 = arith.constant 0 : index
    %get3A_53 = arith.constant 576 : index
    %get3A_54 = vector.load %arg1[%get3A_52, %get3A_53] : memref<256x1024xbf16, #tpu.memory_space<vmem>>, vector<256x64xbf16>
    %mul3A_55 = arith.constant 1.250000e-01 : bf16
    %mul3A_56 = vector.broadcast %mul3A_55 : bf16 to vector<256x64xbf16>
    %mul3A_57 = arith.mulf %get3A_54, %mul3A_56 : vector<256x64xbf16>
    %get3A_58 = arith.constant 0 : index
    %get3A_59 = arith.constant 640 : index
    %get3A_60 = vector.load %arg1[%get3A_58, %get3A_59] : memref<256x1024xbf16, #tpu.memory_space<vmem>>, vector<256x64xbf16>
    %mul3A_61 = arith.constant 1.250000e-01 : bf16
    %mul3A_62 = vector.broadcast %mul3A_61 : bf16 to vector<256x64xbf16>
    %mul3A_63 = arith.mulf %get3A_60, %mul3A_62 : vector<256x64xbf16>
    %get3A_64 = arith.constant 0 : index
    %get3A_65 = arith.constant 704 : index
    %get3A_66 = vector.load %arg1[%get3A_64, %get3A_65] : memref<256x1024xbf16, #tpu.memory_space<vmem>>, vector<256x64xbf16>
    %mul3A_67 = arith.constant 1.250000e-01 : bf16
    %mul3A_68 = vector.broadcast %mul3A_67 : bf16 to vector<256x64xbf16>
    %mul3A_69 = arith.mulf %get3A_66, %mul3A_68 : vector<256x64xbf16>
    %get3A_70 = arith.constant 0 : index
    %get3A_71 = arith.constant 768 : index
    %get3A_72 = vector.load %arg1[%get3A_70, %get3A_71] : memref<256x1024xbf16, #tpu.memory_space<vmem>>, vector<256x64xbf16>
    %mul3A_73 = arith.constant 1.250000e-01 : bf16
    %mul3A_74 = vector.broadcast %mul3A_73 : bf16 to vector<256x64xbf16>
    %mul3A_75 = arith.mulf %get3A_72, %mul3A_74 : vector<256x64xbf16>
    %get3A_76 = arith.constant 0 : index
    %get3A_77 = arith.constant 832 : index
    %get3A_78 = vector.load %arg1[%get3A_76, %get3A_77] : memref<256x1024xbf16, #tpu.memory_space<vmem>>, vector<256x64xbf16>
    %mul3A_79 = arith.constant 1.250000e-01 : bf16
    %mul3A_80 = vector.broadcast %mul3A_79 : bf16 to vector<256x64xbf16>
    %mul3A_81 = arith.mulf %get3A_78, %mul3A_80 : vector<256x64xbf16>
    %get3A_82 = arith.constant 0 : index
    %get3A_83 = arith.constant 896 : index
    %get3A_84 = vector.load %arg1[%get3A_82, %get3A_83] : memref<256x1024xbf16, #tpu.memory_space<vmem>>, vector<256x64xbf16>
    %mul3A_85 = arith.constant 1.250000e-01 : bf16
    %mul3A_86 = vector.broadcast %mul3A_85 : bf16 to vector<256x64xbf16>
    %mul3A_87 = arith.mulf %get3A_84, %mul3A_86 : vector<256x64xbf16>
    %get3A_88 = arith.constant 0 : index
    %get3A_89 = arith.constant 960 : index
    %get3A_90 = vector.load %arg1[%get3A_88, %get3A_89] : memref<256x1024xbf16, #tpu.memory_space<vmem>>, vector<256x64xbf16>
    %mul3A_91 = arith.constant 1.250000e-01 : bf16
    %mul3A_92 = vector.broadcast %mul3A_91 : bf16 to vector<256x64xbf16>
    %mul3A_93 = arith.mulf %get3A_90, %mul3A_92 : vector<256x64xbf16>
    %broadcast_in_dim3A = arith.constant 0.000000e+00 : f32
    %broadcast_in_dim3A_94 = vector.broadcast %broadcast_in_dim3A : f32 to vector<256x1xf32>
    %broadcast_in_dim3A_95 = arith.constant 0.000000e+00 : f32
    %broadcast_in_dim3A_96 = vector.broadcast %broadcast_in_dim3A_95 : f32 to vector<256x64xf32>
    %broadcast_in_dim3A_97 = arith.constant 0.000000e+00 : f32
    %broadcast_in_dim3A_98 = vector.broadcast %broadcast_in_dim3A_97 : f32 to vector<256x1xf32>
    %broadcast_in_dim3A_99 = arith.constant 0.000000e+00 : f32
    %broadcast_in_dim3A_100 = vector.broadcast %broadcast_in_dim3A_99 : f32 to vector<256x64xf32>
    %broadcast_in_dim3A_101 = arith.constant 0.000000e+00 : f32
    %broadcast_in_dim3A_102 = vector.broadcast %broadcast_in_dim3A_101 : f32 to vector<256x1xf32>
    %broadcast_in_dim3A_103 = arith.constant 0.000000e+00 : f32
    %broadcast_in_dim3A_104 = vector.broadcast %broadcast_in_dim3A_103 : f32 to vector<256x64xf32>
    %broadcast_in_dim3A_105 = arith.constant 0.000000e+00 : f32
    %broadcast_in_dim3A_106 = vector.broadcast %broadcast_in_dim3A_105 : f32 to vector<256x1xf32>
    %broadcast_in_dim3A_107 = arith.constant 0.000000e+00 : f32
    %broadcast_in_dim3A_108 = vector.broadcast %broadcast_in_dim3A_107 : f32 to vector<256x64xf32>
    %broadcast_in_dim3A_109 = arith.constant 0.000000e+00 : f32
    %broadcast_in_dim3A_110 = vector.broadcast %broadcast_in_dim3A_109 : f32 to vector<256x1xf32>
    %broadcast_in_dim3A_111 = arith.constant 0.000000e+00 : f32
    %broadcast_in_dim3A_112 = vector.broadcast %broadcast_in_dim3A_111 : f32 to vector<256x64xf32>
    %broadcast_in_dim3A_113 = arith.constant 0.000000e+00 : f32
    %broadcast_in_dim3A_114 = vector.broadcast %broadcast_in_dim3A_113 : f32 to vector<256x1xf32>
    %broadcast_in_dim3A_115 = arith.constant 0.000000e+00 : f32
    %broadcast_in_dim3A_116 = vector.broadcast %broadcast_in_dim3A_115 : f32 to vector<256x64xf32>
    %broadcast_in_dim3A_117 = arith.constant 0.000000e+00 : f32
    %broadcast_in_dim3A_118 = vector.broadcast %broadcast_in_dim3A_117 : f32 to vector<256x1xf32>
    %broadcast_in_dim3A_119 = arith.constant 0.000000e+00 : f32
    %broadcast_in_dim3A_120 = vector.broadcast %broadcast_in_dim3A_119 : f32 to vector<256x64xf32>
    %broadcast_in_dim3A_121 = arith.constant 0.000000e+00 : f32
    %broadcast_in_dim3A_122 = vector.broadcast %broadcast_in_dim3A_121 : f32 to vector<256x1xf32>
    %broadcast_in_dim3A_123 = arith.constant 0.000000e+00 : f32
    %broadcast_in_dim3A_124 = vector.broadcast %broadcast_in_dim3A_123 : f32 to vector<256x64xf32>
    %broadcast_in_dim3A_125 = arith.constant 0.000000e+00 : f32
    %broadcast_in_dim3A_126 = vector.broadcast %broadcast_in_dim3A_125 : f32 to vector<256x1xf32>
    %broadcast_in_dim3A_127 = arith.constant 0.000000e+00 : f32
    %broadcast_in_dim3A_128 = vector.broadcast %broadcast_in_dim3A_127 : f32 to vector<256x64xf32>
    %broadcast_in_dim3A_129 = arith.constant 0.000000e+00 : f32
    %broadcast_in_dim3A_130 = vector.broadcast %broadcast_in_dim3A_129 : f32 to vector<256x1xf32>
    %broadcast_in_dim3A_131 = arith.constant 0.000000e+00 : f32
    %broadcast_in_dim3A_132 = vector.broadcast %broadcast_in_dim3A_131 : f32 to vector<256x64xf32>
    %broadcast_in_dim3A_133 = arith.constant 0.000000e+00 : f32
    %broadcast_in_dim3A_134 = vector.broadcast %broadcast_in_dim3A_133 : f32 to vector<256x1xf32>
    %broadcast_in_dim3A_135 = arith.constant 0.000000e+00 : f32
    %broadcast_in_dim3A_136 = vector.broadcast %broadcast_in_dim3A_135 : f32 to vector<256x64xf32>
    %broadcast_in_dim3A_137 = arith.constant 0.000000e+00 : f32
    %broadcast_in_dim3A_138 = vector.broadcast %broadcast_in_dim3A_137 : f32 to vector<256x1xf32>
    %broadcast_in_dim3A_139 = arith.constant 0.000000e+00 : f32
    %broadcast_in_dim3A_140 = vector.broadcast %broadcast_in_dim3A_139 : f32 to vector<256x64xf32>
    %broadcast_in_dim3A_141 = arith.constant 0.000000e+00 : f32
    %broadcast_in_dim3A_142 = vector.broadcast %broadcast_in_dim3A_141 : f32 to vector<256x1xf32>
    %broadcast_in_dim3A_143 = arith.constant 0.000000e+00 : f32
    %broadcast_in_dim3A_144 = vector.broadcast %broadcast_in_dim3A_143 : f32 to vector<256x64xf32>
    %broadcast_in_dim3A_145 = arith.constant 0.000000e+00 : f32
    %broadcast_in_dim3A_146 = vector.broadcast %broadcast_in_dim3A_145 : f32 to vector<256x1xf32>
    %broadcast_in_dim3A_147 = arith.constant 0.000000e+00 : f32
    %broadcast_in_dim3A_148 = vector.broadcast %broadcast_in_dim3A_147 : f32 to vector<256x64xf32>
    %broadcast_in_dim3A_149 = arith.constant 0.000000e+00 : f32
    %broadcast_in_dim3A_150 = vector.broadcast %broadcast_in_dim3A_149 : f32 to vector<256x1xf32>
    %broadcast_in_dim3A_151 = arith.constant 0.000000e+00 : f32
    %broadcast_in_dim3A_152 = vector.broadcast %broadcast_in_dim3A_151 : f32 to vector<256x64xf32>
    %broadcast_in_dim3A_153 = arith.constant 0.000000e+00 : f32
    %broadcast_in_dim3A_154 = vector.broadcast %broadcast_in_dim3A_153 : f32 to vector<256x1xf32>
    %broadcast_in_dim3A_155 = arith.constant 0.000000e+00 : f32
    %broadcast_in_dim3A_156 = vector.broadcast %broadcast_in_dim3A_155 : f32 to vector<256x64xf32>
    %jit3A = arith.constant 4 : i32
    %div3A = arith.divsi %arg0, %jit3A : i32
    %sign3A = arith.constant 0 : i32
    %sign3A_157 = arith.cmpi sgt, %arg0, %sign3A : i32
    %sign3A_158 = arith.extui %sign3A_157 : i1 to i32
    %sign3A_159 = arith.constant 0 : i32
    %sign3A_160 = arith.cmpi slt, %arg0, %sign3A_159 : i32
    %sign3A_161 = arith.extui %sign3A_160 : i1 to i32
    %sign3A_162 = arith.subi %sign3A_158, %sign3A_161 : i32
    %sign3A_163 = arith.constant 0 : i32
    %sign3A_164 = arith.cmpi sgt, %jit3A, %sign3A_163 : i32
    %sign3A_165 = arith.extui %sign3A_164 : i1 to i32
    %sign3A_166 = arith.constant 0 : i32
    %sign3A_167 = arith.cmpi slt, %jit3A, %sign3A_166 : i32
    %sign3A_168 = arith.extui %sign3A_167 : i1 to i32
    %sign3A_169 = arith.subi %sign3A_165, %sign3A_168 : i32
    %ne3A = arith.cmpi ne, %sign3A_162, %sign3A_169 : i32
    %rem3A = arith.remsi %arg0, %jit3A : i32
    %ne3A_170 = arith.constant 0 : i32
    %ne3A_171 = arith.cmpi ne, %rem3A, %ne3A_170 : i32
    %and3A = arith.andi %ne3A, %ne3A_171 : i1
    %sub3A = arith.constant 1 : i32
    %sub3A_172 = arith.subi %div3A, %sub3A : i32
    %select_n3A = arith.select %and3A, %sub3A_172, %div3A : i32
    %while3A = arith.constant 0 : i32
    %while3A_173 = arith.subi %select_n3A, %while3A : i32
    %while3A_174 = arith.addi %while3A, %while3A_173 : i32
    %while3A_175 = arith.constant 1 : i32
    %while3A_176 = arith.divsi %while3A_173, %while3A_175 : i32
    %while3A_177 = arith.muli %while3A_176, %while3A_175 : i32
    %while3A_178 = arith.addi %while3A, %while3A_177 : i32
    %while3A_179 = arith.constant 1 : i32
    %while3A_180:32 = scf.for %while3A_577 = %while3A to %while3A_178 step %while3A_179 iter_args(%while3A_578 = %broadcast_in_dim3A_94, %while3A_579 = %broadcast_in_dim3A_96, %while3A_580 = %broadcast_in_dim3A_98, %while3A_581 = %broadcast_in_dim3A_100, %while3A_582 = %broadcast_in_dim3A_102, %while3A_583 = %broadcast_in_dim3A_104, %while3A_584 = %broadcast_in_dim3A_106, %while3A_585 = %broadcast_in_dim3A_108, %while3A_586 = %broadcast_in_dim3A_110, %while3A_587 = %broadcast_in_dim3A_112, %while3A_588 = %broadcast_in_dim3A_114, %while3A_589 = %broadcast_in_dim3A_116, %while3A_590 = %broadcast_in_dim3A_118, %while3A_591 = %broadcast_in_dim3A_120, %while3A_592 = %broadcast_in_dim3A_122, %while3A_593 = %broadcast_in_dim3A_124, %while3A_594 = %broadcast_in_dim3A_126, %while3A_595 = %broadcast_in_dim3A_128, %while3A_596 = %broadcast_in_dim3A_130, %while3A_597 = %broadcast_in_dim3A_132, %while3A_598 = %broadcast_in_dim3A_134, %while3A_599 = %broadcast_in_dim3A_136, %while3A_600 = %broadcast_in_dim3A_138, %while3A_601 = %broadcast_in_dim3A_140, %while3A_602 = %broadcast_in_dim3A_142, %while3A_603 = %broadcast_in_dim3A_144, %while3A_604 = %broadcast_in_dim3A_146, %while3A_605 = %broadcast_in_dim3A_148, %while3A_606 = %broadcast_in_dim3A_150, %while3A_607 = %broadcast_in_dim3A_152, %while3A_608 = %broadcast_in_dim3A_154, %while3A_609 = %broadcast_in_dim3A_156) -> (vector<256x1xf32>, vector<256x64xf32>, vector<256x1xf32>, vector<256x64xf32>, vector<256x1xf32>, vector<256x64xf32>, vector<256x1xf32>, vector<256x64xf32>, vector<256x1xf32>, vector<256x64xf32>, vector<256x1xf32>, vector<256x64xf32>, vector<256x1xf32>, vector<256x64xf32>, vector<256x1xf32>, vector<256x64xf32>, vector<256x1xf32>, vector<256x64xf32>, vector<256x1xf32>, vector<256x64xf32>, vector<256x1xf32>, vector<256x64xf32>, vector<256x1xf32>, vector<256x64xf32>, vector<256x1xf32>, vector<256x64xf32>, vector<256x1xf32>, vector<256x64xf32>, vector<256x1xf32>, vector<256x64xf32>, vector<256x1xf32>, vector<256x64xf32>)  : i32 {
      %mul3A_610 = arith.constant 1024 : i32
      %mul3A_611 = arith.muli %while3A_577, %mul3A_610 : i32
      %multiple_of3A_612 = tpu.assume_multiple %mul3A_611, 1024 : i32
      %get3A_613 = arith.index_cast %multiple_of3A_612 : i32 to index
      %get3A_614 = arith.constant 0 : index
      %get3A_615 = vector.load %arg2[%get3A_613, %get3A_614] : memref<2048x512xbf16, #tpu.memory_space<vmem>>, vector<1024x64xbf16>
      %get3A_616 = arith.index_cast %multiple_of3A_612 : i32 to index
      %get3A_617 = arith.constant 0 : index
      %get3A_618 = vector.load %arg3[%get3A_616, %get3A_617] : memref<2048x512xbf16, #tpu.memory_space<vmem>>, vector<1024x64xbf16>
      %dot_general3A_619 = arith.constant dense<0.000000e+00> : vector<256x1024xf32>
      %dot_general3A_620 = tpu.matmul %mul3A_3, %get3A_615, %dot_general3A_619 {dimension_numbers = #tpu.dot_dimension_numbers<[1], [1], [0], [0], [0, 0, 1, 0], [], []>, transpose_lhs_hint = false} : vector<256x64xbf16>, vector<1024x64xbf16>, vector<256x1024xf32> -> vector<256x1024xf32>
      %exp3A_621 = math.exp %dot_general3A_620 : vector<256x1024xf32>
      %reduce_sum3A_622 = arith.constant dense<0.000000e+00> : vector<256xf32>
      %reduce_sum3A_623 = vector.multi_reduction <add>, %exp3A_621, %reduce_sum3A_622 [1] : vector<256x1024xf32> to vector<256xf32>
      %broadcast_in_dim3A_624 = vector.shape_cast %reduce_sum3A_623 : vector<256xf32> to vector<256x1xf32>
      %add3A_625 = arith.addf %while3A_578, %broadcast_in_dim3A_624 : vector<256x1xf32>
      %convert_element_type3A_626 = arith.truncf %exp3A_621 : vector<256x1024xf32> to vector<256x1024xbf16>
      %dot_general3A_627 = arith.constant dense<0.000000e+00> : vector<256x64xf32>
      %dot_general3A_628 = tpu.matmul %convert_element_type3A_626, %get3A_618, %dot_general3A_627 {dimension_numbers = #tpu.dot_dimension_numbers<[1], [0], [0], [1], [0, 0, 1, 1], [], []>, transpose_lhs_hint = false} : vector<256x1024xbf16>, vector<1024x64xbf16>, vector<256x64xf32> -> vector<256x64xf32>
      %add3A_629 = arith.addf %while3A_579, %dot_general3A_628 : vector<256x64xf32>
      %get3A_630 = arith.index_cast %multiple_of3A_612 : i32 to index
      %get3A_631 = arith.constant 0 : index
      %get3A_632 = vector.load %arg2[%get3A_630, %get3A_631] : memref<2048x512xbf16, #tpu.memory_space<vmem>>, vector<1024x64xbf16>
      %get3A_633 = arith.index_cast %multiple_of3A_612 : i32 to index
      %get3A_634 = arith.constant 0 : index
      %get3A_635 = vector.load %arg3[%get3A_633, %get3A_634] : memref<2048x512xbf16, #tpu.memory_space<vmem>>, vector<1024x64xbf16>
      %dot_general3A_636 = arith.constant dense<0.000000e+00> : vector<256x1024xf32>
      %dot_general3A_637 = tpu.matmul %mul3A_9, %get3A_632, %dot_general3A_636 {dimension_numbers = #tpu.dot_dimension_numbers<[1], [1], [0], [0], [0, 0, 1, 0], [], []>, transpose_lhs_hint = false} : vector<256x64xbf16>, vector<1024x64xbf16>, vector<256x1024xf32> -> vector<256x1024xf32>
      %exp3A_638 = math.exp %dot_general3A_637 : vector<256x1024xf32>
      %reduce_sum3A_639 = arith.constant dense<0.000000e+00> : vector<256xf32>
      %reduce_sum3A_640 = vector.multi_reduction <add>, %exp3A_638, %reduce_sum3A_639 [1] : vector<256x1024xf32> to vector<256xf32>
      %broadcast_in_dim3A_641 = vector.shape_cast %reduce_sum3A_640 : vector<256xf32> to vector<256x1xf32>
      %add3A_642 = arith.addf %while3A_580, %broadcast_in_dim3A_641 : vector<256x1xf32>
      %convert_element_type3A_643 = arith.truncf %exp3A_638 : vector<256x1024xf32> to vector<256x1024xbf16>
      %dot_general3A_644 = arith.constant dense<0.000000e+00> : vector<256x64xf32>
      %dot_general3A_645 = tpu.matmul %convert_element_type3A_643, %get3A_635, %dot_general3A_644 {dimension_numbers = #tpu.dot_dimension_numbers<[1], [0], [0], [1], [0, 0, 1, 1], [], []>, transpose_lhs_hint = false} : vector<256x1024xbf16>, vector<1024x64xbf16>, vector<256x64xf32> -> vector<256x64xf32>
      %add3A_646 = arith.addf %while3A_581, %dot_general3A_645 : vector<256x64xf32>
      %get3A_647 = arith.index_cast %multiple_of3A_612 : i32 to index
      %get3A_648 = arith.constant 64 : index
      %get3A_649 = vector.load %arg2[%get3A_647, %get3A_648] : memref<2048x512xbf16, #tpu.memory_space<vmem>>, vector<1024x64xbf16>
      %get3A_650 = arith.index_cast %multiple_of3A_612 : i32 to index
      %get3A_651 = arith.constant 64 : index
      %get3A_652 = vector.load %arg3[%get3A_650, %get3A_651] : memref<2048x512xbf16, #tpu.memory_space<vmem>>, vector<1024x64xbf16>
      %dot_general3A_653 = arith.constant dense<0.000000e+00> : vector<256x1024xf32>
      %dot_general3A_654 = tpu.matmul %mul3A_15, %get3A_649, %dot_general3A_653 {dimension_numbers = #tpu.dot_dimension_numbers<[1], [1], [0], [0], [0, 0, 1, 0], [], []>, transpose_lhs_hint = false} : vector<256x64xbf16>, vector<1024x64xbf16>, vector<256x1024xf32> -> vector<256x1024xf32>
      %exp3A_655 = math.exp %dot_general3A_654 : vector<256x1024xf32>
      %reduce_sum3A_656 = arith.constant dense<0.000000e+00> : vector<256xf32>
      %reduce_sum3A_657 = vector.multi_reduction <add>, %exp3A_655, %reduce_sum3A_656 [1] : vector<256x1024xf32> to vector<256xf32>
      %broadcast_in_dim3A_658 = vector.shape_cast %reduce_sum3A_657 : vector<256xf32> to vector<256x1xf32>
      %add3A_659 = arith.addf %while3A_582, %broadcast_in_dim3A_658 : vector<256x1xf32>
      %convert_element_type3A_660 = arith.truncf %exp3A_655 : vector<256x1024xf32> to vector<256x1024xbf16>
      %dot_general3A_661 = arith.constant dense<0.000000e+00> : vector<256x64xf32>
      %dot_general3A_662 = tpu.matmul %convert_element_type3A_660, %get3A_652, %dot_general3A_661 {dimension_numbers = #tpu.dot_dimension_numbers<[1], [0], [0], [1], [0, 0, 1, 1], [], []>, transpose_lhs_hint = false} : vector<256x1024xbf16>, vector<1024x64xbf16>, vector<256x64xf32> -> vector<256x64xf32>
      %add3A_663 = arith.addf %while3A_583, %dot_general3A_662 : vector<256x64xf32>
      %get3A_664 = arith.index_cast %multiple_of3A_612 : i32 to index
      %get3A_665 = arith.constant 64 : index
      %get3A_666 = vector.load %arg2[%get3A_664, %get3A_665] : memref<2048x512xbf16, #tpu.memory_space<vmem>>, vector<1024x64xbf16>
      %get3A_667 = arith.index_cast %multiple_of3A_612 : i32 to index
      %get3A_668 = arith.constant 64 : index
      %get3A_669 = vector.load %arg3[%get3A_667, %get3A_668] : memref<2048x512xbf16, #tpu.memory_space<vmem>>, vector<1024x64xbf16>
      %dot_general3A_670 = arith.constant dense<0.000000e+00> : vector<256x1024xf32>
      %dot_general3A_671 = tpu.matmul %mul3A_21, %get3A_666, %dot_general3A_670 {dimension_numbers = #tpu.dot_dimension_numbers<[1], [1], [0], [0], [0, 0, 1, 0], [], []>, transpose_lhs_hint = false} : vector<256x64xbf16>, vector<1024x64xbf16>, vector<256x1024xf32> -> vector<256x1024xf32>
      %exp3A_672 = math.exp %dot_general3A_671 : vector<256x1024xf32>
      %reduce_sum3A_673 = arith.constant dense<0.000000e+00> : vector<256xf32>
      %reduce_sum3A_674 = vector.multi_reduction <add>, %exp3A_672, %reduce_sum3A_673 [1] : vector<256x1024xf32> to vector<256xf32>
      %broadcast_in_dim3A_675 = vector.shape_cast %reduce_sum3A_674 : vector<256xf32> to vector<256x1xf32>
      %add3A_676 = arith.addf %while3A_584, %broadcast_in_dim3A_675 : vector<256x1xf32>
      %convert_element_type3A_677 = arith.truncf %exp3A_672 : vector<256x1024xf32> to vector<256x1024xbf16>
      %dot_general3A_678 = arith.constant dense<0.000000e+00> : vector<256x64xf32>
      %dot_general3A_679 = tpu.matmul %convert_element_type3A_677, %get3A_669, %dot_general3A_678 {dimension_numbers = #tpu.dot_dimension_numbers<[1], [0], [0], [1], [0, 0, 1, 1], [], []>, transpose_lhs_hint = false} : vector<256x1024xbf16>, vector<1024x64xbf16>, vector<256x64xf32> -> vector<256x64xf32>
      %add3A_680 = arith.addf %while3A_585, %dot_general3A_679 : vector<256x64xf32>
      %get3A_681 = arith.index_cast %multiple_of3A_612 : i32 to index
      %get3A_682 = arith.constant 128 : index
      %get3A_683 = vector.load %arg2[%get3A_681, %get3A_682] : memref<2048x512xbf16, #tpu.memory_space<vmem>>, vector<1024x64xbf16>
      %get3A_684 = arith.index_cast %multiple_of3A_612 : i32 to index
      %get3A_685 = arith.constant 128 : index
      %get3A_686 = vector.load %arg3[%get3A_684, %get3A_685] : memref<2048x512xbf16, #tpu.memory_space<vmem>>, vector<1024x64xbf16>
      %dot_general3A_687 = arith.constant dense<0.000000e+00> : vector<256x1024xf32>
      %dot_general3A_688 = tpu.matmul %mul3A_27, %get3A_683, %dot_general3A_687 {dimension_numbers = #tpu.dot_dimension_numbers<[1], [1], [0], [0], [0, 0, 1, 0], [], []>, transpose_lhs_hint = false} : vector<256x64xbf16>, vector<1024x64xbf16>, vector<256x1024xf32> -> vector<256x1024xf32>
      %exp3A_689 = math.exp %dot_general3A_688 : vector<256x1024xf32>
      %reduce_sum3A_690 = arith.constant dense<0.000000e+00> : vector<256xf32>
      %reduce_sum3A_691 = vector.multi_reduction <add>, %exp3A_689, %reduce_sum3A_690 [1] : vector<256x1024xf32> to vector<256xf32>
      %broadcast_in_dim3A_692 = vector.shape_cast %reduce_sum3A_691 : vector<256xf32> to vector<256x1xf32>
      %add3A_693 = arith.addf %while3A_586, %broadcast_in_dim3A_692 : vector<256x1xf32>
      %convert_element_type3A_694 = arith.truncf %exp3A_689 : vector<256x1024xf32> to vector<256x1024xbf16>
      %dot_general3A_695 = arith.constant dense<0.000000e+00> : vector<256x64xf32>
      %dot_general3A_696 = tpu.matmul %convert_element_type3A_694, %get3A_686, %dot_general3A_695 {dimension_numbers = #tpu.dot_dimension_numbers<[1], [0], [0], [1], [0, 0, 1, 1], [], []>, transpose_lhs_hint = false} : vector<256x1024xbf16>, vector<1024x64xbf16>, vector<256x64xf32> -> vector<256x64xf32>
      %add3A_697 = arith.addf %while3A_587, %dot_general3A_696 : vector<256x64xf32>
      %get3A_698 = arith.index_cast %multiple_of3A_612 : i32 to index
      %get3A_699 = arith.constant 128 : index
      %get3A_700 = vector.load %arg2[%get3A_698, %get3A_699] : memref<2048x512xbf16, #tpu.memory_space<vmem>>, vector<1024x64xbf16>
      %get3A_701 = arith.index_cast %multiple_of3A_612 : i32 to index
      %get3A_702 = arith.constant 128 : index
      %get3A_703 = vector.load %arg3[%get3A_701, %get3A_702] : memref<2048x512xbf16, #tpu.memory_space<vmem>>, vector<1024x64xbf16>
      %dot_general3A_704 = arith.constant dense<0.000000e+00> : vector<256x1024xf32>
      %dot_general3A_705 = tpu.matmul %mul3A_33, %get3A_700, %dot_general3A_704 {dimension_numbers = #tpu.dot_dimension_numbers<[1], [1], [0], [0], [0, 0, 1, 0], [], []>, transpose_lhs_hint = false} : vector<256x64xbf16>, vector<1024x64xbf16>, vector<256x1024xf32> -> vector<256x1024xf32>
      %exp3A_706 = math.exp %dot_general3A_705 : vector<256x1024xf32>
      %reduce_sum3A_707 = arith.constant dense<0.000000e+00> : vector<256xf32>
      %reduce_sum3A_708 = vector.multi_reduction <add>, %exp3A_706, %reduce_sum3A_707 [1] : vector<256x1024xf32> to vector<256xf32>
      %broadcast_in_dim3A_709 = vector.shape_cast %reduce_sum3A_708 : vector<256xf32> to vector<256x1xf32>
      %add3A_710 = arith.addf %while3A_588, %broadcast_in_dim3A_709 : vector<256x1xf32>
      %convert_element_type3A_711 = arith.truncf %exp3A_706 : vector<256x1024xf32> to vector<256x1024xbf16>
      %dot_general3A_712 = arith.constant dense<0.000000e+00> : vector<256x64xf32>
      %dot_general3A_713 = tpu.matmul %convert_element_type3A_711, %get3A_703, %dot_general3A_712 {dimension_numbers = #tpu.dot_dimension_numbers<[1], [0], [0], [1], [0, 0, 1, 1], [], []>, transpose_lhs_hint = false} : vector<256x1024xbf16>, vector<1024x64xbf16>, vector<256x64xf32> -> vector<256x64xf32>
      %add3A_714 = arith.addf %while3A_589, %dot_general3A_713 : vector<256x64xf32>
      %get3A_715 = arith.index_cast %multiple_of3A_612 : i32 to index
      %get3A_716 = arith.constant 192 : index
      %get3A_717 = vector.load %arg2[%get3A_715, %get3A_716] : memref<2048x512xbf16, #tpu.memory_space<vmem>>, vector<1024x64xbf16>
      %get3A_718 = arith.index_cast %multiple_of3A_612 : i32 to index
      %get3A_719 = arith.constant 192 : index
      %get3A_720 = vector.load %arg3[%get3A_718, %get3A_719] : memref<2048x512xbf16, #tpu.memory_space<vmem>>, vector<1024x64xbf16>
      %dot_general3A_721 = arith.constant dense<0.000000e+00> : vector<256x1024xf32>
      %dot_general3A_722 = tpu.matmul %mul3A_39, %get3A_717, %dot_general3A_721 {dimension_numbers = #tpu.dot_dimension_numbers<[1], [1], [0], [0], [0, 0, 1, 0], [], []>, transpose_lhs_hint = false} : vector<256x64xbf16>, vector<1024x64xbf16>, vector<256x1024xf32> -> vector<256x1024xf32>
      %exp3A_723 = math.exp %dot_general3A_722 : vector<256x1024xf32>
      %reduce_sum3A_724 = arith.constant dense<0.000000e+00> : vector<256xf32>
      %reduce_sum3A_725 = vector.multi_reduction <add>, %exp3A_723, %reduce_sum3A_724 [1] : vector<256x1024xf32> to vector<256xf32>
      %broadcast_in_dim3A_726 = vector.shape_cast %reduce_sum3A_725 : vector<256xf32> to vector<256x1xf32>
      %add3A_727 = arith.addf %while3A_590, %broadcast_in_dim3A_726 : vector<256x1xf32>
      %convert_element_type3A_728 = arith.truncf %exp3A_723 : vector<256x1024xf32> to vector<256x1024xbf16>
      %dot_general3A_729 = arith.constant dense<0.000000e+00> : vector<256x64xf32>
      %dot_general3A_730 = tpu.matmul %convert_element_type3A_728, %get3A_720, %dot_general3A_729 {dimension_numbers = #tpu.dot_dimension_numbers<[1], [0], [0], [1], [0, 0, 1, 1], [], []>, transpose_lhs_hint = false} : vector<256x1024xbf16>, vector<1024x64xbf16>, vector<256x64xf32> -> vector<256x64xf32>
      %add3A_731 = arith.addf %while3A_591, %dot_general3A_730 : vector<256x64xf32>
      %get3A_732 = arith.index_cast %multiple_of3A_612 : i32 to index
      %get3A_733 = arith.constant 192 : index
      %get3A_734 = vector.load %arg2[%get3A_732, %get3A_733] : memref<2048x512xbf16, #tpu.memory_space<vmem>>, vector<1024x64xbf16>
      %get3A_735 = arith.index_cast %multiple_of3A_612 : i32 to index
      %get3A_736 = arith.constant 192 : index
      %get3A_737 = vector.load %arg3[%get3A_735, %get3A_736] : memref<2048x512xbf16, #tpu.memory_space<vmem>>, vector<1024x64xbf16>
      %dot_general3A_738 = arith.constant dense<0.000000e+00> : vector<256x1024xf32>
      %dot_general3A_739 = tpu.matmul %mul3A_45, %get3A_734, %dot_general3A_738 {dimension_numbers = #tpu.dot_dimension_numbers<[1], [1], [0], [0], [0, 0, 1, 0], [], []>, transpose_lhs_hint = false} : vector<256x64xbf16>, vector<1024x64xbf16>, vector<256x1024xf32> -> vector<256x1024xf32>
      %exp3A_740 = math.exp %dot_general3A_739 : vector<256x1024xf32>
      %reduce_sum3A_741 = arith.constant dense<0.000000e+00> : vector<256xf32>
      %reduce_sum3A_742 = vector.multi_reduction <add>, %exp3A_740, %reduce_sum3A_741 [1] : vector<256x1024xf32> to vector<256xf32>
      %broadcast_in_dim3A_743 = vector.shape_cast %reduce_sum3A_742 : vector<256xf32> to vector<256x1xf32>
      %add3A_744 = arith.addf %while3A_592, %broadcast_in_dim3A_743 : vector<256x1xf32>
      %convert_element_type3A_745 = arith.truncf %exp3A_740 : vector<256x1024xf32> to vector<256x1024xbf16>
      %dot_general3A_746 = arith.constant dense<0.000000e+00> : vector<256x64xf32>
      %dot_general3A_747 = tpu.matmul %convert_element_type3A_745, %get3A_737, %dot_general3A_746 {dimension_numbers = #tpu.dot_dimension_numbers<[1], [0], [0], [1], [0, 0, 1, 1], [], []>, transpose_lhs_hint = false} : vector<256x1024xbf16>, vector<1024x64xbf16>, vector<256x64xf32> -> vector<256x64xf32>
      %add3A_748 = arith.addf %while3A_593, %dot_general3A_747 : vector<256x64xf32>
      %get3A_749 = arith.index_cast %multiple_of3A_612 : i32 to index
      %get3A_750 = arith.constant 256 : index
      %get3A_751 = vector.load %arg2[%get3A_749, %get3A_750] : memref<2048x512xbf16, #tpu.memory_space<vmem>>, vector<1024x64xbf16>
      %get3A_752 = arith.index_cast %multiple_of3A_612 : i32 to index
      %get3A_753 = arith.constant 256 : index
      %get3A_754 = vector.load %arg3[%get3A_752, %get3A_753] : memref<2048x512xbf16, #tpu.memory_space<vmem>>, vector<1024x64xbf16>
      %dot_general3A_755 = arith.constant dense<0.000000e+00> : vector<256x1024xf32>
      %dot_general3A_756 = tpu.matmul %mul3A_51, %get3A_751, %dot_general3A_755 {dimension_numbers = #tpu.dot_dimension_numbers<[1], [1], [0], [0], [0, 0, 1, 0], [], []>, transpose_lhs_hint = false} : vector<256x64xbf16>, vector<1024x64xbf16>, vector<256x1024xf32> -> vector<256x1024xf32>
      %exp3A_757 = math.exp %dot_general3A_756 : vector<256x1024xf32>
      %reduce_sum3A_758 = arith.constant dense<0.000000e+00> : vector<256xf32>
      %reduce_sum3A_759 = vector.multi_reduction <add>, %exp3A_757, %reduce_sum3A_758 [1] : vector<256x1024xf32> to vector<256xf32>
      %broadcast_in_dim3A_760 = vector.shape_cast %reduce_sum3A_759 : vector<256xf32> to vector<256x1xf32>
      %add3A_761 = arith.addf %while3A_594, %broadcast_in_dim3A_760 : vector<256x1xf32>
      %convert_element_type3A_762 = arith.truncf %exp3A_757 : vector<256x1024xf32> to vector<256x1024xbf16>
      %dot_general3A_763 = arith.constant dense<0.000000e+00> : vector<256x64xf32>
      %dot_general3A_764 = tpu.matmul %convert_element_type3A_762, %get3A_754, %dot_general3A_763 {dimension_numbers = #tpu.dot_dimension_numbers<[1], [0], [0], [1], [0, 0, 1, 1], [], []>, transpose_lhs_hint = false} : vector<256x1024xbf16>, vector<1024x64xbf16>, vector<256x64xf32> -> vector<256x64xf32>
      %add3A_765 = arith.addf %while3A_595, %dot_general3A_764 : vector<256x64xf32>
      %get3A_766 = arith.index_cast %multiple_of3A_612 : i32 to index
      %get3A_767 = arith.constant 256 : index
      %get3A_768 = vector.load %arg2[%get3A_766, %get3A_767] : memref<2048x512xbf16, #tpu.memory_space<vmem>>, vector<1024x64xbf16>
      %get3A_769 = arith.index_cast %multiple_of3A_612 : i32 to index
      %get3A_770 = arith.constant 256 : index
      %get3A_771 = vector.load %arg3[%get3A_769, %get3A_770] : memref<2048x512xbf16, #tpu.memory_space<vmem>>, vector<1024x64xbf16>
      %dot_general3A_772 = arith.constant dense<0.000000e+00> : vector<256x1024xf32>
      %dot_general3A_773 = tpu.matmul %mul3A_57, %get3A_768, %dot_general3A_772 {dimension_numbers = #tpu.dot_dimension_numbers<[1], [1], [0], [0], [0, 0, 1, 0], [], []>, transpose_lhs_hint = false} : vector<256x64xbf16>, vector<1024x64xbf16>, vector<256x1024xf32> -> vector<256x1024xf32>
      %exp3A_774 = math.exp %dot_general3A_773 : vector<256x1024xf32>
      %reduce_sum3A_775 = arith.constant dense<0.000000e+00> : vector<256xf32>
      %reduce_sum3A_776 = vector.multi_reduction <add>, %exp3A_774, %reduce_sum3A_775 [1] : vector<256x1024xf32> to vector<256xf32>
      %broadcast_in_dim3A_777 = vector.shape_cast %reduce_sum3A_776 : vector<256xf32> to vector<256x1xf32>
      %add3A_778 = arith.addf %while3A_596, %broadcast_in_dim3A_777 : vector<256x1xf32>
      %convert_element_type3A_779 = arith.truncf %exp3A_774 : vector<256x1024xf32> to vector<256x1024xbf16>
      %dot_general3A_780 = arith.constant dense<0.000000e+00> : vector<256x64xf32>
      %dot_general3A_781 = tpu.matmul %convert_element_type3A_779, %get3A_771, %dot_general3A_780 {dimension_numbers = #tpu.dot_dimension_numbers<[1], [0], [0], [1], [0, 0, 1, 1], [], []>, transpose_lhs_hint = false} : vector<256x1024xbf16>, vector<1024x64xbf16>, vector<256x64xf32> -> vector<256x64xf32>
      %add3A_782 = arith.addf %while3A_597, %dot_general3A_781 : vector<256x64xf32>
      %get3A_783 = arith.index_cast %multiple_of3A_612 : i32 to index
      %get3A_784 = arith.constant 320 : index
      %get3A_785 = vector.load %arg2[%get3A_783, %get3A_784] : memref<2048x512xbf16, #tpu.memory_space<vmem>>, vector<1024x64xbf16>
      %get3A_786 = arith.index_cast %multiple_of3A_612 : i32 to index
      %get3A_787 = arith.constant 320 : index
      %get3A_788 = vector.load %arg3[%get3A_786, %get3A_787] : memref<2048x512xbf16, #tpu.memory_space<vmem>>, vector<1024x64xbf16>
      %dot_general3A_789 = arith.constant dense<0.000000e+00> : vector<256x1024xf32>
      %dot_general3A_790 = tpu.matmul %mul3A_63, %get3A_785, %dot_general3A_789 {dimension_numbers = #tpu.dot_dimension_numbers<[1], [1], [0], [0], [0, 0, 1, 0], [], []>, transpose_lhs_hint = false} : vector<256x64xbf16>, vector<1024x64xbf16>, vector<256x1024xf32> -> vector<256x1024xf32>
      %exp3A_791 = math.exp %dot_general3A_790 : vector<256x1024xf32>
      %reduce_sum3A_792 = arith.constant dense<0.000000e+00> : vector<256xf32>
      %reduce_sum3A_793 = vector.multi_reduction <add>, %exp3A_791, %reduce_sum3A_792 [1] : vector<256x1024xf32> to vector<256xf32>
      %broadcast_in_dim3A_794 = vector.shape_cast %reduce_sum3A_793 : vector<256xf32> to vector<256x1xf32>
      %add3A_795 = arith.addf %while3A_598, %broadcast_in_dim3A_794 : vector<256x1xf32>
      %convert_element_type3A_796 = arith.truncf %exp3A_791 : vector<256x1024xf32> to vector<256x1024xbf16>
      %dot_general3A_797 = arith.constant dense<0.000000e+00> : vector<256x64xf32>
      %dot_general3A_798 = tpu.matmul %convert_element_type3A_796, %get3A_788, %dot_general3A_797 {dimension_numbers = #tpu.dot_dimension_numbers<[1], [0], [0], [1], [0, 0, 1, 1], [], []>, transpose_lhs_hint = false} : vector<256x1024xbf16>, vector<1024x64xbf16>, vector<256x64xf32> -> vector<256x64xf32>
      %add3A_799 = arith.addf %while3A_599, %dot_general3A_798 : vector<256x64xf32>
      %get3A_800 = arith.index_cast %multiple_of3A_612 : i32 to index
      %get3A_801 = arith.constant 320 : index
      %get3A_802 = vector.load %arg2[%get3A_800, %get3A_801] : memref<2048x512xbf16, #tpu.memory_space<vmem>>, vector<1024x64xbf16>
      %get3A_803 = arith.index_cast %multiple_of3A_612 : i32 to index
      %get3A_804 = arith.constant 320 : index
      %get3A_805 = vector.load %arg3[%get3A_803, %get3A_804] : memref<2048x512xbf16, #tpu.memory_space<vmem>>, vector<1024x64xbf16>
      %dot_general3A_806 = arith.constant dense<0.000000e+00> : vector<256x1024xf32>
      %dot_general3A_807 = tpu.matmul %mul3A_69, %get3A_802, %dot_general3A_806 {dimension_numbers = #tpu.dot_dimension_numbers<[1], [1], [0], [0], [0, 0, 1, 0], [], []>, transpose_lhs_hint = false} : vector<256x64xbf16>, vector<1024x64xbf16>, vector<256x1024xf32> -> vector<256x1024xf32>
      %exp3A_808 = math.exp %dot_general3A_807 : vector<256x1024xf32>
      %reduce_sum3A_809 = arith.constant dense<0.000000e+00> : vector<256xf32>
      %reduce_sum3A_810 = vector.multi_reduction <add>, %exp3A_808, %reduce_sum3A_809 [1] : vector<256x1024xf32> to vector<256xf32>
      %broadcast_in_dim3A_811 = vector.shape_cast %reduce_sum3A_810 : vector<256xf32> to vector<256x1xf32>
      %add3A_812 = arith.addf %while3A_600, %broadcast_in_dim3A_811 : vector<256x1xf32>
      %convert_element_type3A_813 = arith.truncf %exp3A_808 : vector<256x1024xf32> to vector<256x1024xbf16>
      %dot_general3A_814 = arith.constant dense<0.000000e+00> : vector<256x64xf32>
      %dot_general3A_815 = tpu.matmul %convert_element_type3A_813, %get3A_805, %dot_general3A_814 {dimension_numbers = #tpu.dot_dimension_numbers<[1], [0], [0], [1], [0, 0, 1, 1], [], []>, transpose_lhs_hint = false} : vector<256x1024xbf16>, vector<1024x64xbf16>, vector<256x64xf32> -> vector<256x64xf32>
      %add3A_816 = arith.addf %while3A_601, %dot_general3A_815 : vector<256x64xf32>
      %get3A_817 = arith.index_cast %multiple_of3A_612 : i32 to index
      %get3A_818 = arith.constant 384 : index
      %get3A_819 = vector.load %arg2[%get3A_817, %get3A_818] : memref<2048x512xbf16, #tpu.memory_space<vmem>>, vector<1024x64xbf16>
      %get3A_820 = arith.index_cast %multiple_of3A_612 : i32 to index
      %get3A_821 = arith.constant 384 : index
      %get3A_822 = vector.load %arg3[%get3A_820, %get3A_821] : memref<2048x512xbf16, #tpu.memory_space<vmem>>, vector<1024x64xbf16>
      %dot_general3A_823 = arith.constant dense<0.000000e+00> : vector<256x1024xf32>
      %dot_general3A_824 = tpu.matmul %mul3A_75, %get3A_819, %dot_general3A_823 {dimension_numbers = #tpu.dot_dimension_numbers<[1], [1], [0], [0], [0, 0, 1, 0], [], []>, transpose_lhs_hint = false} : vector<256x64xbf16>, vector<1024x64xbf16>, vector<256x1024xf32> -> vector<256x1024xf32>
      %exp3A_825 = math.exp %dot_general3A_824 : vector<256x1024xf32>
      %reduce_sum3A_826 = arith.constant dense<0.000000e+00> : vector<256xf32>
      %reduce_sum3A_827 = vector.multi_reduction <add>, %exp3A_825, %reduce_sum3A_826 [1] : vector<256x1024xf32> to vector<256xf32>
      %broadcast_in_dim3A_828 = vector.shape_cast %reduce_sum3A_827 : vector<256xf32> to vector<256x1xf32>
      %add3A_829 = arith.addf %while3A_602, %broadcast_in_dim3A_828 : vector<256x1xf32>
      %convert_element_type3A_830 = arith.truncf %exp3A_825 : vector<256x1024xf32> to vector<256x1024xbf16>
      %dot_general3A_831 = arith.constant dense<0.000000e+00> : vector<256x64xf32>
      %dot_general3A_832 = tpu.matmul %convert_element_type3A_830, %get3A_822, %dot_general3A_831 {dimension_numbers = #tpu.dot_dimension_numbers<[1], [0], [0], [1], [0, 0, 1, 1], [], []>, transpose_lhs_hint = false} : vector<256x1024xbf16>, vector<1024x64xbf16>, vector<256x64xf32> -> vector<256x64xf32>
      %add3A_833 = arith.addf %while3A_603, %dot_general3A_832 : vector<256x64xf32>
      %get3A_834 = arith.index_cast %multiple_of3A_612 : i32 to index
      %get3A_835 = arith.constant 384 : index
      %get3A_836 = vector.load %arg2[%get3A_834, %get3A_835] : memref<2048x512xbf16, #tpu.memory_space<vmem>>, vector<1024x64xbf16>
      %get3A_837 = arith.index_cast %multiple_of3A_612 : i32 to index
      %get3A_838 = arith.constant 384 : index
      %get3A_839 = vector.load %arg3[%get3A_837, %get3A_838] : memref<2048x512xbf16, #tpu.memory_space<vmem>>, vector<1024x64xbf16>
      %dot_general3A_840 = arith.constant dense<0.000000e+00> : vector<256x1024xf32>
      %dot_general3A_841 = tpu.matmul %mul3A_81, %get3A_836, %dot_general3A_840 {dimension_numbers = #tpu.dot_dimension_numbers<[1], [1], [0], [0], [0, 0, 1, 0], [], []>, transpose_lhs_hint = false} : vector<256x64xbf16>, vector<1024x64xbf16>, vector<256x1024xf32> -> vector<256x1024xf32>
      %exp3A_842 = math.exp %dot_general3A_841 : vector<256x1024xf32>
      %reduce_sum3A_843 = arith.constant dense<0.000000e+00> : vector<256xf32>
      %reduce_sum3A_844 = vector.multi_reduction <add>, %exp3A_842, %reduce_sum3A_843 [1] : vector<256x1024xf32> to vector<256xf32>
      %broadcast_in_dim3A_845 = vector.shape_cast %reduce_sum3A_844 : vector<256xf32> to vector<256x1xf32>
      %add3A_846 = arith.addf %while3A_604, %broadcast_in_dim3A_845 : vector<256x1xf32>
      %convert_element_type3A_847 = arith.truncf %exp3A_842 : vector<256x1024xf32> to vector<256x1024xbf16>
      %dot_general3A_848 = arith.constant dense<0.000000e+00> : vector<256x64xf32>
      %dot_general3A_849 = tpu.matmul %convert_element_type3A_847, %get3A_839, %dot_general3A_848 {dimension_numbers = #tpu.dot_dimension_numbers<[1], [0], [0], [1], [0, 0, 1, 1], [], []>, transpose_lhs_hint = false} : vector<256x1024xbf16>, vector<1024x64xbf16>, vector<256x64xf32> -> vector<256x64xf32>
      %add3A_850 = arith.addf %while3A_605, %dot_general3A_849 : vector<256x64xf32>
      %get3A_851 = arith.index_cast %multiple_of3A_612 : i32 to index
      %get3A_852 = arith.constant 448 : index
      %get3A_853 = vector.load %arg2[%get3A_851, %get3A_852] : memref<2048x512xbf16, #tpu.memory_space<vmem>>, vector<1024x64xbf16>
      %get3A_854 = arith.index_cast %multiple_of3A_612 : i32 to index
      %get3A_855 = arith.constant 448 : index
      %get3A_856 = vector.load %arg3[%get3A_854, %get3A_855] : memref<2048x512xbf16, #tpu.memory_space<vmem>>, vector<1024x64xbf16>
      %dot_general3A_857 = arith.constant dense<0.000000e+00> : vector<256x1024xf32>
      %dot_general3A_858 = tpu.matmul %mul3A_87, %get3A_853, %dot_general3A_857 {dimension_numbers = #tpu.dot_dimension_numbers<[1], [1], [0], [0], [0, 0, 1, 0], [], []>, transpose_lhs_hint = false} : vector<256x64xbf16>, vector<1024x64xbf16>, vector<256x1024xf32> -> vector<256x1024xf32>
      %exp3A_859 = math.exp %dot_general3A_858 : vector<256x1024xf32>
      %reduce_sum3A_860 = arith.constant dense<0.000000e+00> : vector<256xf32>
      %reduce_sum3A_861 = vector.multi_reduction <add>, %exp3A_859, %reduce_sum3A_860 [1] : vector<256x1024xf32> to vector<256xf32>
      %broadcast_in_dim3A_862 = vector.shape_cast %reduce_sum3A_861 : vector<256xf32> to vector<256x1xf32>
      %add3A_863 = arith.addf %while3A_606, %broadcast_in_dim3A_862 : vector<256x1xf32>
      %convert_element_type3A_864 = arith.truncf %exp3A_859 : vector<256x1024xf32> to vector<256x1024xbf16>
      %dot_general3A_865 = arith.constant dense<0.000000e+00> : vector<256x64xf32>
      %dot_general3A_866 = tpu.matmul %convert_element_type3A_864, %get3A_856, %dot_general3A_865 {dimension_numbers = #tpu.dot_dimension_numbers<[1], [0], [0], [1], [0, 0, 1, 1], [], []>, transpose_lhs_hint = false} : vector<256x1024xbf16>, vector<1024x64xbf16>, vector<256x64xf32> -> vector<256x64xf32>
      %add3A_867 = arith.addf %while3A_607, %dot_general3A_866 : vector<256x64xf32>
      %get3A_868 = arith.index_cast %multiple_of3A_612 : i32 to index
      %get3A_869 = arith.constant 448 : index
      %get3A_870 = vector.load %arg2[%get3A_868, %get3A_869] : memref<2048x512xbf16, #tpu.memory_space<vmem>>, vector<1024x64xbf16>
      %get3A_871 = arith.index_cast %multiple_of3A_612 : i32 to index
      %get3A_872 = arith.constant 448 : index
      %get3A_873 = vector.load %arg3[%get3A_871, %get3A_872] : memref<2048x512xbf16, #tpu.memory_space<vmem>>, vector<1024x64xbf16>
      %dot_general3A_874 = arith.constant dense<0.000000e+00> : vector<256x1024xf32>
      %dot_general3A_875 = tpu.matmul %mul3A_93, %get3A_870, %dot_general3A_874 {dimension_numbers = #tpu.dot_dimension_numbers<[1], [1], [0], [0], [0, 0, 1, 0], [], []>, transpose_lhs_hint = false} : vector<256x64xbf16>, vector<1024x64xbf16>, vector<256x1024xf32> -> vector<256x1024xf32>
      %exp3A_876 = math.exp %dot_general3A_875 : vector<256x1024xf32>
      %reduce_sum3A_877 = arith.constant dense<0.000000e+00> : vector<256xf32>
      %reduce_sum3A_878 = vector.multi_reduction <add>, %exp3A_876, %reduce_sum3A_877 [1] : vector<256x1024xf32> to vector<256xf32>
      %broadcast_in_dim3A_879 = vector.shape_cast %reduce_sum3A_878 : vector<256xf32> to vector<256x1xf32>
      %add3A_880 = arith.addf %while3A_608, %broadcast_in_dim3A_879 : vector<256x1xf32>
      %convert_element_type3A_881 = arith.truncf %exp3A_876 : vector<256x1024xf32> to vector<256x1024xbf16>
      %dot_general3A_882 = arith.constant dense<0.000000e+00> : vector<256x64xf32>
      %dot_general3A_883 = tpu.matmul %convert_element_type3A_881, %get3A_873, %dot_general3A_882 {dimension_numbers = #tpu.dot_dimension_numbers<[1], [0], [0], [1], [0, 0, 1, 1], [], []>, transpose_lhs_hint = false} : vector<256x1024xbf16>, vector<1024x64xbf16>, vector<256x64xf32> -> vector<256x64xf32>
      %add3A_884 = arith.addf %while3A_609, %dot_general3A_883 : vector<256x64xf32>
      scf.yield %add3A_625, %add3A_629, %add3A_642, %add3A_646, %add3A_659, %add3A_663, %add3A_676, %add3A_680, %add3A_693, %add3A_697, %add3A_710, %add3A_714, %add3A_727, %add3A_731, %add3A_744, %add3A_748, %add3A_761, %add3A_765, %add3A_778, %add3A_782, %add3A_795, %add3A_799, %add3A_812, %add3A_816, %add3A_829, %add3A_833, %add3A_846, %add3A_850, %add3A_863, %add3A_867, %add3A_880, %add3A_884 : vector<256x1xf32>, vector<256x64xf32>, vector<256x1xf32>, vector<256x64xf32>, vector<256x1xf32>, vector<256x64xf32>, vector<256x1xf32>, vector<256x64xf32>, vector<256x1xf32>, vector<256x64xf32>, vector<256x1xf32>, vector<256x64xf32>, vector<256x1xf32>, vector<256x64xf32>, vector<256x1xf32>, vector<256x64xf32>, vector<256x1xf32>, vector<256x64xf32>, vector<256x1xf32>, vector<256x64xf32>, vector<256x1xf32>, vector<256x64xf32>, vector<256x1xf32>, vector<256x64xf32>, vector<256x1xf32>, vector<256x64xf32>, vector<256x1xf32>, vector<256x64xf32>, vector<256x1xf32>, vector<256x64xf32>, vector<256x1xf32>, vector<256x64xf32>
    }
    %while3A_181 = arith.constant 1 : i32
    %while3A_182:32 = scf.for %while3A_577 = %while3A_178 to %while3A_174 step %while3A_181 iter_args(%while3A_578 = %while3A_180#0, %while3A_579 = %while3A_180#1, %while3A_580 = %while3A_180#2, %while3A_581 = %while3A_180#3, %while3A_582 = %while3A_180#4, %while3A_583 = %while3A_180#5, %while3A_584 = %while3A_180#6, %while3A_585 = %while3A_180#7, %while3A_586 = %while3A_180#8, %while3A_587 = %while3A_180#9, %while3A_588 = %while3A_180#10, %while3A_589 = %while3A_180#11, %while3A_590 = %while3A_180#12, %while3A_591 = %while3A_180#13, %while3A_592 = %while3A_180#14, %while3A_593 = %while3A_180#15, %while3A_594 = %while3A_180#16, %while3A_595 = %while3A_180#17, %while3A_596 = %while3A_180#18, %while3A_597 = %while3A_180#19, %while3A_598 = %while3A_180#20, %while3A_599 = %while3A_180#21, %while3A_600 = %while3A_180#22, %while3A_601 = %while3A_180#23, %while3A_602 = %while3A_180#24, %while3A_603 = %while3A_180#25, %while3A_604 = %while3A_180#26, %while3A_605 = %while3A_180#27, %while3A_606 = %while3A_180#28, %while3A_607 = %while3A_180#29, %while3A_608 = %while3A_180#30, %while3A_609 = %while3A_180#31) -> (vector<256x1xf32>, vector<256x64xf32>, vector<256x1xf32>, vector<256x64xf32>, vector<256x1xf32>, vector<256x64xf32>, vector<256x1xf32>, vector<256x64xf32>, vector<256x1xf32>, vector<256x64xf32>, vector<256x1xf32>, vector<256x64xf32>, vector<256x1xf32>, vector<256x64xf32>, vector<256x1xf32>, vector<256x64xf32>, vector<256x1xf32>, vector<256x64xf32>, vector<256x1xf32>, vector<256x64xf32>, vector<256x1xf32>, vector<256x64xf32>, vector<256x1xf32>, vector<256x64xf32>, vector<256x1xf32>, vector<256x64xf32>, vector<256x1xf32>, vector<256x64xf32>, vector<256x1xf32>, vector<256x64xf32>, vector<256x1xf32>, vector<256x64xf32>)  : i32 {
      %mul3A_610 = arith.constant 1024 : i32
      %mul3A_611 = arith.muli %while3A_577, %mul3A_610 : i32
      %multiple_of3A_612 = tpu.assume_multiple %mul3A_611, 1024 : i32
      %get3A_613 = arith.index_cast %multiple_of3A_612 : i32 to index
      %get3A_614 = arith.constant 0 : index
      %get3A_615 = vector.load %arg2[%get3A_613, %get3A_614] : memref<2048x512xbf16, #tpu.memory_space<vmem>>, vector<1024x64xbf16>
      %get3A_616 = arith.index_cast %multiple_of3A_612 : i32 to index
      %get3A_617 = arith.constant 0 : index
      %get3A_618 = vector.load %arg3[%get3A_616, %get3A_617] : memref<2048x512xbf16, #tpu.memory_space<vmem>>, vector<1024x64xbf16>
      %dot_general3A_619 = arith.constant dense<0.000000e+00> : vector<256x1024xf32>
      %dot_general3A_620 = tpu.matmul %mul3A_3, %get3A_615, %dot_general3A_619 {dimension_numbers = #tpu.dot_dimension_numbers<[1], [1], [0], [0], [0, 0, 1, 0], [], []>, transpose_lhs_hint = false} : vector<256x64xbf16>, vector<1024x64xbf16>, vector<256x1024xf32> -> vector<256x1024xf32>
      %exp3A_621 = math.exp %dot_general3A_620 : vector<256x1024xf32>
      %reduce_sum3A_622 = arith.constant dense<0.000000e+00> : vector<256xf32>
      %reduce_sum3A_623 = vector.multi_reduction <add>, %exp3A_621, %reduce_sum3A_622 [1] : vector<256x1024xf32> to vector<256xf32>
      %broadcast_in_dim3A_624 = vector.shape_cast %reduce_sum3A_623 : vector<256xf32> to vector<256x1xf32>
      %add3A_625 = arith.addf %while3A_578, %broadcast_in_dim3A_624 : vector<256x1xf32>
      %convert_element_type3A_626 = arith.truncf %exp3A_621 : vector<256x1024xf32> to vector<256x1024xbf16>
      %dot_general3A_627 = arith.constant dense<0.000000e+00> : vector<256x64xf32>
      %dot_general3A_628 = tpu.matmul %convert_element_type3A_626, %get3A_618, %dot_general3A_627 {dimension_numbers = #tpu.dot_dimension_numbers<[1], [0], [0], [1], [0, 0, 1, 1], [], []>, transpose_lhs_hint = false} : vector<256x1024xbf16>, vector<1024x64xbf16>, vector<256x64xf32> -> vector<256x64xf32>
      %add3A_629 = arith.addf %while3A_579, %dot_general3A_628 : vector<256x64xf32>
      %get3A_630 = arith.index_cast %multiple_of3A_612 : i32 to index
      %get3A_631 = arith.constant 0 : index
      %get3A_632 = vector.load %arg2[%get3A_630, %get3A_631] : memref<2048x512xbf16, #tpu.memory_space<vmem>>, vector<1024x64xbf16>
      %get3A_633 = arith.index_cast %multiple_of3A_612 : i32 to index
      %get3A_634 = arith.constant 0 : index
      %get3A_635 = vector.load %arg3[%get3A_633, %get3A_634] : memref<2048x512xbf16, #tpu.memory_space<vmem>>, vector<1024x64xbf16>
      %dot_general3A_636 = arith.constant dense<0.000000e+00> : vector<256x1024xf32>
      %dot_general3A_637 = tpu.matmul %mul3A_9, %get3A_632, %dot_general3A_636 {dimension_numbers = #tpu.dot_dimension_numbers<[1], [1], [0], [0], [0, 0, 1, 0], [], []>, transpose_lhs_hint = false} : vector<256x64xbf16>, vector<1024x64xbf16>, vector<256x1024xf32> -> vector<256x1024xf32>
      %exp3A_638 = math.exp %dot_general3A_637 : vector<256x1024xf32>
      %reduce_sum3A_639 = arith.constant dense<0.000000e+00> : vector<256xf32>
      %reduce_sum3A_640 = vector.multi_reduction <add>, %exp3A_638, %reduce_sum3A_639 [1] : vector<256x1024xf32> to vector<256xf32>
      %broadcast_in_dim3A_641 = vector.shape_cast %reduce_sum3A_640 : vector<256xf32> to vector<256x1xf32>
      %add3A_642 = arith.addf %while3A_580, %broadcast_in_dim3A_641 : vector<256x1xf32>
      %convert_element_type3A_643 = arith.truncf %exp3A_638 : vector<256x1024xf32> to vector<256x1024xbf16>
      %dot_general3A_644 = arith.constant dense<0.000000e+00> : vector<256x64xf32>
      %dot_general3A_645 = tpu.matmul %convert_element_type3A_643, %get3A_635, %dot_general3A_644 {dimension_numbers = #tpu.dot_dimension_numbers<[1], [0], [0], [1], [0, 0, 1, 1], [], []>, transpose_lhs_hint = false} : vector<256x1024xbf16>, vector<1024x64xbf16>, vector<256x64xf32> -> vector<256x64xf32>
      %add3A_646 = arith.addf %while3A_581, %dot_general3A_645 : vector<256x64xf32>
      %get3A_647 = arith.index_cast %multiple_of3A_612 : i32 to index
      %get3A_648 = arith.constant 64 : index
      %get3A_649 = vector.load %arg2[%get3A_647, %get3A_648] : memref<2048x512xbf16, #tpu.memory_space<vmem>>, vector<1024x64xbf16>
      %get3A_650 = arith.index_cast %multiple_of3A_612 : i32 to index
      %get3A_651 = arith.constant 64 : index
      %get3A_652 = vector.load %arg3[%get3A_650, %get3A_651] : memref<2048x512xbf16, #tpu.memory_space<vmem>>, vector<1024x64xbf16>
      %dot_general3A_653 = arith.constant dense<0.000000e+00> : vector<256x1024xf32>
      %dot_general3A_654 = tpu.matmul %mul3A_15, %get3A_649, %dot_general3A_653 {dimension_numbers = #tpu.dot_dimension_numbers<[1], [1], [0], [0], [0, 0, 1, 0], [], []>, transpose_lhs_hint = false} : vector<256x64xbf16>, vector<1024x64xbf16>, vector<256x1024xf32> -> vector<256x1024xf32>
      %exp3A_655 = math.exp %dot_general3A_654 : vector<256x1024xf32>
      %reduce_sum3A_656 = arith.constant dense<0.000000e+00> : vector<256xf32>
      %reduce_sum3A_657 = vector.multi_reduction <add>, %exp3A_655, %reduce_sum3A_656 [1] : vector<256x1024xf32> to vector<256xf32>
      %broadcast_in_dim3A_658 = vector.shape_cast %reduce_sum3A_657 : vector<256xf32> to vector<256x1xf32>
      %add3A_659 = arith.addf %while3A_582, %broadcast_in_dim3A_658 : vector<256x1xf32>
      %convert_element_type3A_660 = arith.truncf %exp3A_655 : vector<256x1024xf32> to vector<256x1024xbf16>
      %dot_general3A_661 = arith.constant dense<0.000000e+00> : vector<256x64xf32>
      %dot_general3A_662 = tpu.matmul %convert_element_type3A_660, %get3A_652, %dot_general3A_661 {dimension_numbers = #tpu.dot_dimension_numbers<[1], [0], [0], [1], [0, 0, 1, 1], [], []>, transpose_lhs_hint = false} : vector<256x1024xbf16>, vector<1024x64xbf16>, vector<256x64xf32> -> vector<256x64xf32>
      %add3A_663 = arith.addf %while3A_583, %dot_general3A_662 : vector<256x64xf32>
      %get3A_664 = arith.index_cast %multiple_of3A_612 : i32 to index
      %get3A_665 = arith.constant 64 : index
      %get3A_666 = vector.load %arg2[%get3A_664, %get3A_665] : memref<2048x512xbf16, #tpu.memory_space<vmem>>, vector<1024x64xbf16>
      %get3A_667 = arith.index_cast %multiple_of3A_612 : i32 to index
      %get3A_668 = arith.constant 64 : index
      %get3A_669 = vector.load %arg3[%get3A_667, %get3A_668] : memref<2048x512xbf16, #tpu.memory_space<vmem>>, vector<1024x64xbf16>
      %dot_general3A_670 = arith.constant dense<0.000000e+00> : vector<256x1024xf32>
      %dot_general3A_671 = tpu.matmul %mul3A_21, %get3A_666, %dot_general3A_670 {dimension_numbers = #tpu.dot_dimension_numbers<[1], [1], [0], [0], [0, 0, 1, 0], [], []>, transpose_lhs_hint = false} : vector<256x64xbf16>, vector<1024x64xbf16>, vector<256x1024xf32> -> vector<256x1024xf32>
      %exp3A_672 = math.exp %dot_general3A_671 : vector<256x1024xf32>
      %reduce_sum3A_673 = arith.constant dense<0.000000e+00> : vector<256xf32>
      %reduce_sum3A_674 = vector.multi_reduction <add>, %exp3A_672, %reduce_sum3A_673 [1] : vector<256x1024xf32> to vector<256xf32>
      %broadcast_in_dim3A_675 = vector.shape_cast %reduce_sum3A_674 : vector<256xf32> to vector<256x1xf32>
      %add3A_676 = arith.addf %while3A_584, %broadcast_in_dim3A_675 : vector<256x1xf32>
      %convert_element_type3A_677 = arith.truncf %exp3A_672 : vector<256x1024xf32> to vector<256x1024xbf16>
      %dot_general3A_678 = arith.constant dense<0.000000e+00> : vector<256x64xf32>
      %dot_general3A_679 = tpu.matmul %convert_element_type3A_677, %get3A_669, %dot_general3A_678 {dimension_numbers = #tpu.dot_dimension_numbers<[1], [0], [0], [1], [0, 0, 1, 1], [], []>, transpose_lhs_hint = false} : vector<256x1024xbf16>, vector<1024x64xbf16>, vector<256x64xf32> -> vector<256x64xf32>
      %add3A_680 = arith.addf %while3A_585, %dot_general3A_679 : vector<256x64xf32>
      %get3A_681 = arith.index_cast %multiple_of3A_612 : i32 to index
      %get3A_682 = arith.constant 128 : index
      %get3A_683 = vector.load %arg2[%get3A_681, %get3A_682] : memref<2048x512xbf16, #tpu.memory_space<vmem>>, vector<1024x64xbf16>
      %get3A_684 = arith.index_cast %multiple_of3A_612 : i32 to index
      %get3A_685 = arith.constant 128 : index
      %get3A_686 = vector.load %arg3[%get3A_684, %get3A_685] : memref<2048x512xbf16, #tpu.memory_space<vmem>>, vector<1024x64xbf16>
      %dot_general3A_687 = arith.constant dense<0.000000e+00> : vector<256x1024xf32>
      %dot_general3A_688 = tpu.matmul %mul3A_27, %get3A_683, %dot_general3A_687 {dimension_numbers = #tpu.dot_dimension_numbers<[1], [1], [0], [0], [0, 0, 1, 0], [], []>, transpose_lhs_hint = false} : vector<256x64xbf16>, vector<1024x64xbf16>, vector<256x1024xf32> -> vector<256x1024xf32>
      %exp3A_689 = math.exp %dot_general3A_688 : vector<256x1024xf32>
      %reduce_sum3A_690 = arith.constant dense<0.000000e+00> : vector<256xf32>
      %reduce_sum3A_691 = vector.multi_reduction <add>, %exp3A_689, %reduce_sum3A_690 [1] : vector<256x1024xf32> to vector<256xf32>
      %broadcast_in_dim3A_692 = vector.shape_cast %reduce_sum3A_691 : vector<256xf32> to vector<256x1xf32>
      %add3A_693 = arith.addf %while3A_586, %broadcast_in_dim3A_692 : vector<256x1xf32>
      %convert_element_type3A_694 = arith.truncf %exp3A_689 : vector<256x1024xf32> to vector<256x1024xbf16>
      %dot_general3A_695 = arith.constant dense<0.000000e+00> : vector<256x64xf32>
      %dot_general3A_696 = tpu.matmul %convert_element_type3A_694, %get3A_686, %dot_general3A_695 {dimension_numbers = #tpu.dot_dimension_numbers<[1], [0], [0], [1], [0, 0, 1, 1], [], []>, transpose_lhs_hint = false} : vector<256x1024xbf16>, vector<1024x64xbf16>, vector<256x64xf32> -> vector<256x64xf32>
      %add3A_697 = arith.addf %while3A_587, %dot_general3A_696 : vector<256x64xf32>
      %get3A_698 = arith.index_cast %multiple_of3A_612 : i32 to index
      %get3A_699 = arith.constant 128 : index
      %get3A_700 = vector.load %arg2[%get3A_698, %get3A_699] : memref<2048x512xbf16, #tpu.memory_space<vmem>>, vector<1024x64xbf16>
      %get3A_701 = arith.index_cast %multiple_of3A_612 : i32 to index
      %get3A_702 = arith.constant 128 : index
      %get3A_703 = vector.load %arg3[%get3A_701, %get3A_702] : memref<2048x512xbf16, #tpu.memory_space<vmem>>, vector<1024x64xbf16>
      %dot_general3A_704 = arith.constant dense<0.000000e+00> : vector<256x1024xf32>
      %dot_general3A_705 = tpu.matmul %mul3A_33, %get3A_700, %dot_general3A_704 {dimension_numbers = #tpu.dot_dimension_numbers<[1], [1], [0], [0], [0, 0, 1, 0], [], []>, transpose_lhs_hint = false} : vector<256x64xbf16>, vector<1024x64xbf16>, vector<256x1024xf32> -> vector<256x1024xf32>
      %exp3A_706 = math.exp %dot_general3A_705 : vector<256x1024xf32>
      %reduce_sum3A_707 = arith.constant dense<0.000000e+00> : vector<256xf32>
      %reduce_sum3A_708 = vector.multi_reduction <add>, %exp3A_706, %reduce_sum3A_707 [1] : vector<256x1024xf32> to vector<256xf32>
      %broadcast_in_dim3A_709 = vector.shape_cast %reduce_sum3A_708 : vector<256xf32> to vector<256x1xf32>
      %add3A_710 = arith.addf %while3A_588, %broadcast_in_dim3A_709 : vector<256x1xf32>
      %convert_element_type3A_711 = arith.truncf %exp3A_706 : vector<256x1024xf32> to vector<256x1024xbf16>
      %dot_general3A_712 = arith.constant dense<0.000000e+00> : vector<256x64xf32>
      %dot_general3A_713 = tpu.matmul %convert_element_type3A_711, %get3A_703, %dot_general3A_712 {dimension_numbers = #tpu.dot_dimension_numbers<[1], [0], [0], [1], [0, 0, 1, 1], [], []>, transpose_lhs_hint = false} : vector<256x1024xbf16>, vector<1024x64xbf16>, vector<256x64xf32> -> vector<256x64xf32>
      %add3A_714 = arith.addf %while3A_589, %dot_general3A_713 : vector<256x64xf32>
      %get3A_715 = arith.index_cast %multiple_of3A_612 : i32 to index
      %get3A_716 = arith.constant 192 : index
      %get3A_717 = vector.load %arg2[%get3A_715, %get3A_716] : memref<2048x512xbf16, #tpu.memory_space<vmem>>, vector<1024x64xbf16>
      %get3A_718 = arith.index_cast %multiple_of3A_612 : i32 to index
      %get3A_719 = arith.constant 192 : index
      %get3A_720 = vector.load %arg3[%get3A_718, %get3A_719] : memref<2048x512xbf16, #tpu.memory_space<vmem>>, vector<1024x64xbf16>
      %dot_general3A_721 = arith.constant dense<0.000000e+00> : vector<256x1024xf32>
      %dot_general3A_722 = tpu.matmul %mul3A_39, %get3A_717, %dot_general3A_721 {dimension_numbers = #tpu.dot_dimension_numbers<[1], [1], [0], [0], [0, 0, 1, 0], [], []>, transpose_lhs_hint = false} : vector<256x64xbf16>, vector<1024x64xbf16>, vector<256x1024xf32> -> vector<256x1024xf32>
      %exp3A_723 = math.exp %dot_general3A_722 : vector<256x1024xf32>
      %reduce_sum3A_724 = arith.constant dense<0.000000e+00> : vector<256xf32>
      %reduce_sum3A_725 = vector.multi_reduction <add>, %exp3A_723, %reduce_sum3A_724 [1] : vector<256x1024xf32> to vector<256xf32>
      %broadcast_in_dim3A_726 = vector.shape_cast %reduce_sum3A_725 : vector<256xf32> to vector<256x1xf32>
      %add3A_727 = arith.addf %while3A_590, %broadcast_in_dim3A_726 : vector<256x1xf32>
      %convert_element_type3A_728 = arith.truncf %exp3A_723 : vector<256x1024xf32> to vector<256x1024xbf16>
      %dot_general3A_729 = arith.constant dense<0.000000e+00> : vector<256x64xf32>
      %dot_general3A_730 = tpu.matmul %convert_element_type3A_728, %get3A_720, %dot_general3A_729 {dimension_numbers = #tpu.dot_dimension_numbers<[1], [0], [0], [1], [0, 0, 1, 1], [], []>, transpose_lhs_hint = false} : vector<256x1024xbf16>, vector<1024x64xbf16>, vector<256x64xf32> -> vector<256x64xf32>
      %add3A_731 = arith.addf %while3A_591, %dot_general3A_730 : vector<256x64xf32>
      %get3A_732 = arith.index_cast %multiple_of3A_612 : i32 to index
      %get3A_733 = arith.constant 192 : index
      %get3A_734 = vector.load %arg2[%get3A_732, %get3A_733] : memref<2048x512xbf16, #tpu.memory_space<vmem>>, vector<1024x64xbf16>
      %get3A_735 = arith.index_cast %multiple_of3A_612 : i32 to index
      %get3A_736 = arith.constant 192 : index
      %get3A_737 = vector.load %arg3[%get3A_735, %get3A_736] : memref<2048x512xbf16, #tpu.memory_space<vmem>>, vector<1024x64xbf16>
      %dot_general3A_738 = arith.constant dense<0.000000e+00> : vector<256x1024xf32>
      %dot_general3A_739 = tpu.matmul %mul3A_45, %get3A_734, %dot_general3A_738 {dimension_numbers = #tpu.dot_dimension_numbers<[1], [1], [0], [0], [0, 0, 1, 0], [], []>, transpose_lhs_hint = false} : vector<256x64xbf16>, vector<1024x64xbf16>, vector<256x1024xf32> -> vector<256x1024xf32>
      %exp3A_740 = math.exp %dot_general3A_739 : vector<256x1024xf32>
      %reduce_sum3A_741 = arith.constant dense<0.000000e+00> : vector<256xf32>
      %reduce_sum3A_742 = vector.multi_reduction <add>, %exp3A_740, %reduce_sum3A_741 [1] : vector<256x1024xf32> to vector<256xf32>
      %broadcast_in_dim3A_743 = vector.shape_cast %reduce_sum3A_742 : vector<256xf32> to vector<256x1xf32>
      %add3A_744 = arith.addf %while3A_592, %broadcast_in_dim3A_743 : vector<256x1xf32>
      %convert_element_type3A_745 = arith.truncf %exp3A_740 : vector<256x1024xf32> to vector<256x1024xbf16>
      %dot_general3A_746 = arith.constant dense<0.000000e+00> : vector<256x64xf32>
      %dot_general3A_747 = tpu.matmul %convert_element_type3A_745, %get3A_737, %dot_general3A_746 {dimension_numbers = #tpu.dot_dimension_numbers<[1], [0], [0], [1], [0, 0, 1, 1], [], []>, transpose_lhs_hint = false} : vector<256x1024xbf16>, vector<1024x64xbf16>, vector<256x64xf32> -> vector<256x64xf32>
      %add3A_748 = arith.addf %while3A_593, %dot_general3A_747 : vector<256x64xf32>
      %get3A_749 = arith.index_cast %multiple_of3A_612 : i32 to index
      %get3A_750 = arith.constant 256 : index
      %get3A_751 = vector.load %arg2[%get3A_749, %get3A_750] : memref<2048x512xbf16, #tpu.memory_space<vmem>>, vector<1024x64xbf16>
      %get3A_752 = arith.index_cast %multiple_of3A_612 : i32 to index
      %get3A_753 = arith.constant 256 : index
      %get3A_754 = vector.load %arg3[%get3A_752, %get3A_753] : memref<2048x512xbf16, #tpu.memory_space<vmem>>, vector<1024x64xbf16>
      %dot_general3A_755 = arith.constant dense<0.000000e+00> : vector<256x1024xf32>
      %dot_general3A_756 = tpu.matmul %mul3A_51, %get3A_751, %dot_general3A_755 {dimension_numbers = #tpu.dot_dimension_numbers<[1], [1], [0], [0], [0, 0, 1, 0], [], []>, transpose_lhs_hint = false} : vector<256x64xbf16>, vector<1024x64xbf16>, vector<256x1024xf32> -> vector<256x1024xf32>
      %exp3A_757 = math.exp %dot_general3A_756 : vector<256x1024xf32>
      %reduce_sum3A_758 = arith.constant dense<0.000000e+00> : vector<256xf32>
      %reduce_sum3A_759 = vector.multi_reduction <add>, %exp3A_757, %reduce_sum3A_758 [1] : vector<256x1024xf32> to vector<256xf32>
      %broadcast_in_dim3A_760 = vector.shape_cast %reduce_sum3A_759 : vector<256xf32> to vector<256x1xf32>
      %add3A_761 = arith.addf %while3A_594, %broadcast_in_dim3A_760 : vector<256x1xf32>
      %convert_element_type3A_762 = arith.truncf %exp3A_757 : vector<256x1024xf32> to vector<256x1024xbf16>
      %dot_general3A_763 = arith.constant dense<0.000000e+00> : vector<256x64xf32>
      %dot_general3A_764 = tpu.matmul %convert_element_type3A_762, %get3A_754, %dot_general3A_763 {dimension_numbers = #tpu.dot_dimension_numbers<[1], [0], [0], [1], [0, 0, 1, 1], [], []>, transpose_lhs_hint = false} : vector<256x1024xbf16>, vector<1024x64xbf16>, vector<256x64xf32> -> vector<256x64xf32>
      %add3A_765 = arith.addf %while3A_595, %dot_general3A_764 : vector<256x64xf32>
      %get3A_766 = arith.index_cast %multiple_of3A_612 : i32 to index
      %get3A_767 = arith.constant 256 : index
      %get3A_768 = vector.load %arg2[%get3A_766, %get3A_767] : memref<2048x512xbf16, #tpu.memory_space<vmem>>, vector<1024x64xbf16>
      %get3A_769 = arith.index_cast %multiple_of3A_612 : i32 to index
      %get3A_770 = arith.constant 256 : index
      %get3A_771 = vector.load %arg3[%get3A_769, %get3A_770] : memref<2048x512xbf16, #tpu.memory_space<vmem>>, vector<1024x64xbf16>
      %dot_general3A_772 = arith.constant dense<0.000000e+00> : vector<256x1024xf32>
      %dot_general3A_773 = tpu.matmul %mul3A_57, %get3A_768, %dot_general3A_772 {dimension_numbers = #tpu.dot_dimension_numbers<[1], [1], [0], [0], [0, 0, 1, 0], [], []>, transpose_lhs_hint = false} : vector<256x64xbf16>, vector<1024x64xbf16>, vector<256x1024xf32> -> vector<256x1024xf32>
      %exp3A_774 = math.exp %dot_general3A_773 : vector<256x1024xf32>
      %reduce_sum3A_775 = arith.constant dense<0.000000e+00> : vector<256xf32>
      %reduce_sum3A_776 = vector.multi_reduction <add>, %exp3A_774, %reduce_sum3A_775 [1] : vector<256x1024xf32> to vector<256xf32>
      %broadcast_in_dim3A_777 = vector.shape_cast %reduce_sum3A_776 : vector<256xf32> to vector<256x1xf32>
      %add3A_778 = arith.addf %while3A_596, %broadcast_in_dim3A_777 : vector<256x1xf32>
      %convert_element_type3A_779 = arith.truncf %exp3A_774 : vector<256x1024xf32> to vector<256x1024xbf16>
      %dot_general3A_780 = arith.constant dense<0.000000e+00> : vector<256x64xf32>
      %dot_general3A_781 = tpu.matmul %convert_element_type3A_779, %get3A_771, %dot_general3A_780 {dimension_numbers = #tpu.dot_dimension_numbers<[1], [0], [0], [1], [0, 0, 1, 1], [], []>, transpose_lhs_hint = false} : vector<256x1024xbf16>, vector<1024x64xbf16>, vector<256x64xf32> -> vector<256x64xf32>
      %add3A_782 = arith.addf %while3A_597, %dot_general3A_781 : vector<256x64xf32>
      %get3A_783 = arith.index_cast %multiple_of3A_612 : i32 to index
      %get3A_784 = arith.constant 320 : index
      %get3A_785 = vector.load %arg2[%get3A_783, %get3A_784] : memref<2048x512xbf16, #tpu.memory_space<vmem>>, vector<1024x64xbf16>
      %get3A_786 = arith.index_cast %multiple_of3A_612 : i32 to index
      %get3A_787 = arith.constant 320 : index
      %get3A_788 = vector.load %arg3[%get3A_786, %get3A_787] : memref<2048x512xbf16, #tpu.memory_space<vmem>>, vector<1024x64xbf16>
      %dot_general3A_789 = arith.constant dense<0.000000e+00> : vector<256x1024xf32>
      %dot_general3A_790 = tpu.matmul %mul3A_63, %get3A_785, %dot_general3A_789 {dimension_numbers = #tpu.dot_dimension_numbers<[1], [1], [0], [0], [0, 0, 1, 0], [], []>, transpose_lhs_hint = false} : vector<256x64xbf16>, vector<1024x64xbf16>, vector<256x1024xf32> -> vector<256x1024xf32>
      %exp3A_791 = math.exp %dot_general3A_790 : vector<256x1024xf32>
      %reduce_sum3A_792 = arith.constant dense<0.000000e+00> : vector<256xf32>
      %reduce_sum3A_793 = vector.multi_reduction <add>, %exp3A_791, %reduce_sum3A_792 [1] : vector<256x1024xf32> to vector<256xf32>
      %broadcast_in_dim3A_794 = vector.shape_cast %reduce_sum3A_793 : vector<256xf32> to vector<256x1xf32>
      %add3A_795 = arith.addf %while3A_598, %broadcast_in_dim3A_794 : vector<256x1xf32>
      %convert_element_type3A_796 = arith.truncf %exp3A_791 : vector<256x1024xf32> to vector<256x1024xbf16>
      %dot_general3A_797 = arith.constant dense<0.000000e+00> : vector<256x64xf32>
      %dot_general3A_798 = tpu.matmul %convert_element_type3A_796, %get3A_788, %dot_general3A_797 {dimension_numbers = #tpu.dot_dimension_numbers<[1], [0], [0], [1], [0, 0, 1, 1], [], []>, transpose_lhs_hint = false} : vector<256x1024xbf16>, vector<1024x64xbf16>, vector<256x64xf32> -> vector<256x64xf32>
      %add3A_799 = arith.addf %while3A_599, %dot_general3A_798 : vector<256x64xf32>
      %get3A_800 = arith.index_cast %multiple_of3A_612 : i32 to index
      %get3A_801 = arith.constant 320 : index
      %get3A_802 = vector.load %arg2[%get3A_800, %get3A_801] : memref<2048x512xbf16, #tpu.memory_space<vmem>>, vector<1024x64xbf16>
      %get3A_803 = arith.index_cast %multiple_of3A_612 : i32 to index
      %get3A_804 = arith.constant 320 : index
      %get3A_805 = vector.load %arg3[%get3A_803, %get3A_804] : memref<2048x512xbf16, #tpu.memory_space<vmem>>, vector<1024x64xbf16>
      %dot_general3A_806 = arith.constant dense<0.000000e+00> : vector<256x1024xf32>
      %dot_general3A_807 = tpu.matmul %mul3A_69, %get3A_802, %dot_general3A_806 {dimension_numbers = #tpu.dot_dimension_numbers<[1], [1], [0], [0], [0, 0, 1, 0], [], []>, transpose_lhs_hint = false} : vector<256x64xbf16>, vector<1024x64xbf16>, vector<256x1024xf32> -> vector<256x1024xf32>
      %exp3A_808 = math.exp %dot_general3A_807 : vector<256x1024xf32>
      %reduce_sum3A_809 = arith.constant dense<0.000000e+00> : vector<256xf32>
      %reduce_sum3A_810 = vector.multi_reduction <add>, %exp3A_808, %reduce_sum3A_809 [1] : vector<256x1024xf32> to vector<256xf32>
      %broadcast_in_dim3A_811 = vector.shape_cast %reduce_sum3A_810 : vector<256xf32> to vector<256x1xf32>
      %add3A_812 = arith.addf %while3A_600, %broadcast_in_dim3A_811 : vector<256x1xf32>
      %convert_element_type3A_813 = arith.truncf %exp3A_808 : vector<256x1024xf32> to vector<256x1024xbf16>
      %dot_general3A_814 = arith.constant dense<0.000000e+00> : vector<256x64xf32>
      %dot_general3A_815 = tpu.matmul %convert_element_type3A_813, %get3A_805, %dot_general3A_814 {dimension_numbers = #tpu.dot_dimension_numbers<[1], [0], [0], [1], [0, 0, 1, 1], [], []>, transpose_lhs_hint = false} : vector<256x1024xbf16>, vector<1024x64xbf16>, vector<256x64xf32> -> vector<256x64xf32>
      %add3A_816 = arith.addf %while3A_601, %dot_general3A_815 : vector<256x64xf32>
      %get3A_817 = arith.index_cast %multiple_of3A_612 : i32 to index
      %get3A_818 = arith.constant 384 : index
      %get3A_819 = vector.load %arg2[%get3A_817, %get3A_818] : memref<2048x512xbf16, #tpu.memory_space<vmem>>, vector<1024x64xbf16>
      %get3A_820 = arith.index_cast %multiple_of3A_612 : i32 to index
      %get3A_821 = arith.constant 384 : index
      %get3A_822 = vector.load %arg3[%get3A_820, %get3A_821] : memref<2048x512xbf16, #tpu.memory_space<vmem>>, vector<1024x64xbf16>
      %dot_general3A_823 = arith.constant dense<0.000000e+00> : vector<256x1024xf32>
      %dot_general3A_824 = tpu.matmul %mul3A_75, %get3A_819, %dot_general3A_823 {dimension_numbers = #tpu.dot_dimension_numbers<[1], [1], [0], [0], [0, 0, 1, 0], [], []>, transpose_lhs_hint = false} : vector<256x64xbf16>, vector<1024x64xbf16>, vector<256x1024xf32> -> vector<256x1024xf32>
      %exp3A_825 = math.exp %dot_general3A_824 : vector<256x1024xf32>
      %reduce_sum3A_826 = arith.constant dense<0.000000e+00> : vector<256xf32>
      %reduce_sum3A_827 = vector.multi_reduction <add>, %exp3A_825, %reduce_sum3A_826 [1] : vector<256x1024xf32> to vector<256xf32>
      %broadcast_in_dim3A_828 = vector.shape_cast %reduce_sum3A_827 : vector<256xf32> to vector<256x1xf32>
      %add3A_829 = arith.addf %while3A_602, %broadcast_in_dim3A_828 : vector<256x1xf32>
      %convert_element_type3A_830 = arith.truncf %exp3A_825 : vector<256x1024xf32> to vector<256x1024xbf16>
      %dot_general3A_831 = arith.constant dense<0.000000e+00> : vector<256x64xf32>
      %dot_general3A_832 = tpu.matmul %convert_element_type3A_830, %get3A_822, %dot_general3A_831 {dimension_numbers = #tpu.dot_dimension_numbers<[1], [0], [0], [1], [0, 0, 1, 1], [], []>, transpose_lhs_hint = false} : vector<256x1024xbf16>, vector<1024x64xbf16>, vector<256x64xf32> -> vector<256x64xf32>
      %add3A_833 = arith.addf %while3A_603, %dot_general3A_832 : vector<256x64xf32>
      %get3A_834 = arith.index_cast %multiple_of3A_612 : i32 to index
      %get3A_835 = arith.constant 384 : index
      %get3A_836 = vector.load %arg2[%get3A_834, %get3A_835] : memref<2048x512xbf16, #tpu.memory_space<vmem>>, vector<1024x64xbf16>
      %get3A_837 = arith.index_cast %multiple_of3A_612 : i32 to index
      %get3A_838 = arith.constant 384 : index
      %get3A_839 = vector.load %arg3[%get3A_837, %get3A_838] : memref<2048x512xbf16, #tpu.memory_space<vmem>>, vector<1024x64xbf16>
      %dot_general3A_840 = arith.constant dense<0.000000e+00> : vector<256x1024xf32>
      %dot_general3A_841 = tpu.matmul %mul3A_81, %get3A_836, %dot_general3A_840 {dimension_numbers = #tpu.dot_dimension_numbers<[1], [1], [0], [0], [0, 0, 1, 0], [], []>, transpose_lhs_hint = false} : vector<256x64xbf16>, vector<1024x64xbf16>, vector<256x1024xf32> -> vector<256x1024xf32>
      %exp3A_842 = math.exp %dot_general3A_841 : vector<256x1024xf32>
      %reduce_sum3A_843 = arith.constant dense<0.000000e+00> : vector<256xf32>
      %reduce_sum3A_844 = vector.multi_reduction <add>, %exp3A_842, %reduce_sum3A_843 [1] : vector<256x1024xf32> to vector<256xf32>
      %broadcast_in_dim3A_845 = vector.shape_cast %reduce_sum3A_844 : vector<256xf32> to vector<256x1xf32>
      %add3A_846 = arith.addf %while3A_604, %broadcast_in_dim3A_845 : vector<256x1xf32>
      %convert_element_type3A_847 = arith.truncf %exp3A_842 : vector<256x1024xf32> to vector<256x1024xbf16>
      %dot_general3A_848 = arith.constant dense<0.000000e+00> : vector<256x64xf32>
      %dot_general3A_849 = tpu.matmul %convert_element_type3A_847, %get3A_839, %dot_general3A_848 {dimension_numbers = #tpu.dot_dimension_numbers<[1], [0], [0], [1], [0, 0, 1, 1], [], []>, transpose_lhs_hint = false} : vector<256x1024xbf16>, vector<1024x64xbf16>, vector<256x64xf32> -> vector<256x64xf32>
      %add3A_850 = arith.addf %while3A_605, %dot_general3A_849 : vector<256x64xf32>
      %get3A_851 = arith.index_cast %multiple_of3A_612 : i32 to index
      %get3A_852 = arith.constant 448 : index
      %get3A_853 = vector.load %arg2[%get3A_851, %get3A_852] : memref<2048x512xbf16, #tpu.memory_space<vmem>>, vector<1024x64xbf16>
      %get3A_854 = arith.index_cast %multiple_of3A_612 : i32 to index
      %get3A_855 = arith.constant 448 : index
      %get3A_856 = vector.load %arg3[%get3A_854, %get3A_855] : memref<2048x512xbf16, #tpu.memory_space<vmem>>, vector<1024x64xbf16>
      %dot_general3A_857 = arith.constant dense<0.000000e+00> : vector<256x1024xf32>
      %dot_general3A_858 = tpu.matmul %mul3A_87, %get3A_853, %dot_general3A_857 {dimension_numbers = #tpu.dot_dimension_numbers<[1], [1], [0], [0], [0, 0, 1, 0], [], []>, transpose_lhs_hint = false} : vector<256x64xbf16>, vector<1024x64xbf16>, vector<256x1024xf32> -> vector<256x1024xf32>
      %exp3A_859 = math.exp %dot_general3A_858 : vector<256x1024xf32>
      %reduce_sum3A_860 = arith.constant dense<0.000000e+00> : vector<256xf32>
      %reduce_sum3A_861 = vector.multi_reduction <add>, %exp3A_859, %reduce_sum3A_860 [1] : vector<256x1024xf32> to vector<256xf32>
      %broadcast_in_dim3A_862 = vector.shape_cast %reduce_sum3A_861 : vector<256xf32> to vector<256x1xf32>
      %add3A_863 = arith.addf %while3A_606, %broadcast_in_dim3A_862 : vector<256x1xf32>
      %convert_element_type3A_864 = arith.truncf %exp3A_859 : vector<256x1024xf32> to vector<256x1024xbf16>
      %dot_general3A_865 = arith.constant dense<0.000000e+00> : vector<256x64xf32>
      %dot_general3A_866 = tpu.matmul %convert_element_type3A_864, %get3A_856, %dot_general3A_865 {dimension_numbers = #tpu.dot_dimension_numbers<[1], [0], [0], [1], [0, 0, 1, 1], [], []>, transpose_lhs_hint = false} : vector<256x1024xbf16>, vector<1024x64xbf16>, vector<256x64xf32> -> vector<256x64xf32>
      %add3A_867 = arith.addf %while3A_607, %dot_general3A_866 : vector<256x64xf32>
      %get3A_868 = arith.index_cast %multiple_of3A_612 : i32 to index
      %get3A_869 = arith.constant 448 : index
      %get3A_870 = vector.load %arg2[%get3A_868, %get3A_869] : memref<2048x512xbf16, #tpu.memory_space<vmem>>, vector<1024x64xbf16>
      %get3A_871 = arith.index_cast %multiple_of3A_612 : i32 to index
      %get3A_872 = arith.constant 448 : index
      %get3A_873 = vector.load %arg3[%get3A_871, %get3A_872] : memref<2048x512xbf16, #tpu.memory_space<vmem>>, vector<1024x64xbf16>
      %dot_general3A_874 = arith.constant dense<0.000000e+00> : vector<256x1024xf32>
      %dot_general3A_875 = tpu.matmul %mul3A_93, %get3A_870, %dot_general3A_874 {dimension_numbers = #tpu.dot_dimension_numbers<[1], [1], [0], [0], [0, 0, 1, 0], [], []>, transpose_lhs_hint = false} : vector<256x64xbf16>, vector<1024x64xbf16>, vector<256x1024xf32> -> vector<256x1024xf32>
      %exp3A_876 = math.exp %dot_general3A_875 : vector<256x1024xf32>
      %reduce_sum3A_877 = arith.constant dense<0.000000e+00> : vector<256xf32>
      %reduce_sum3A_878 = vector.multi_reduction <add>, %exp3A_876, %reduce_sum3A_877 [1] : vector<256x1024xf32> to vector<256xf32>
      %broadcast_in_dim3A_879 = vector.shape_cast %reduce_sum3A_878 : vector<256xf32> to vector<256x1xf32>
      %add3A_880 = arith.addf %while3A_608, %broadcast_in_dim3A_879 : vector<256x1xf32>
      %convert_element_type3A_881 = arith.truncf %exp3A_876 : vector<256x1024xf32> to vector<256x1024xbf16>
      %dot_general3A_882 = arith.constant dense<0.000000e+00> : vector<256x64xf32>
      %dot_general3A_883 = tpu.matmul %convert_element_type3A_881, %get3A_873, %dot_general3A_882 {dimension_numbers = #tpu.dot_dimension_numbers<[1], [0], [0], [1], [0, 0, 1, 1], [], []>, transpose_lhs_hint = false} : vector<256x1024xbf16>, vector<1024x64xbf16>, vector<256x64xf32> -> vector<256x64xf32>
      %add3A_884 = arith.addf %while3A_609, %dot_general3A_883 : vector<256x64xf32>
      scf.yield %add3A_625, %add3A_629, %add3A_642, %add3A_646, %add3A_659, %add3A_663, %add3A_676, %add3A_680, %add3A_693, %add3A_697, %add3A_710, %add3A_714, %add3A_727, %add3A_731, %add3A_744, %add3A_748, %add3A_761, %add3A_765, %add3A_778, %add3A_782, %add3A_795, %add3A_799, %add3A_812, %add3A_816, %add3A_829, %add3A_833, %add3A_846, %add3A_850, %add3A_863, %add3A_867, %add3A_880, %add3A_884 : vector<256x1xf32>, vector<256x64xf32>, vector<256x1xf32>, vector<256x64xf32>, vector<256x1xf32>, vector<256x64xf32>, vector<256x1xf32>, vector<256x64xf32>, vector<256x1xf32>, vector<256x64xf32>, vector<256x1xf32>, vector<256x64xf32>, vector<256x1xf32>, vector<256x64xf32>, vector<256x1xf32>, vector<256x64xf32>, vector<256x1xf32>, vector<256x64xf32>, vector<256x1xf32>, vector<256x64xf32>, vector<256x1xf32>, vector<256x64xf32>, vector<256x1xf32>, vector<256x64xf32>, vector<256x1xf32>, vector<256x64xf32>, vector<256x1xf32>, vector<256x64xf32>, vector<256x1xf32>, vector<256x64xf32>, vector<256x1xf32>, vector<256x64xf32>
    }
    %iota3A = tpu.iota {dimensions = array<i32: 0>} : vector<256x1024xi32>
    %mul3A_183 = arith.constant 256 : i32
    %mul3A_184 = arith.muli %arg0, %mul3A_183 : i32
    %add3A = vector.broadcast %mul3A_184 : i32 to vector<256x1024xi32>
    %add3A_185 = arith.addi %iota3A, %add3A : vector<256x1024xi32>
    %iota3A_186 = tpu.iota {dimensions = array<i32: 1>} : vector<256x1024xi32>
    %mul3A_187 = arith.constant 1024 : i32
    %mul3A_188 = arith.muli %select_n3A, %mul3A_187 : i32
    %add3A_189 = vector.broadcast %mul3A_188 : i32 to vector<256x1024xi32>
    %add3A_190 = arith.addi %iota3A_186, %add3A_189 : vector<256x1024xi32>
    %ge3A = arith.cmpi sge, %add3A_185, %add3A_190 : vector<256x1024xi32>
    %jit3A_191 = arith.constant 0.000000e+00 : f32
    %jit3A_192 = arith.constant -1.000000e+09 : f32
    %broadcast_in_dim3A_193 = vector.broadcast %jit3A_191 : f32 to vector<256x1024xf32>
    %broadcast_in_dim3A_194 = vector.broadcast %jit3A_192 : f32 to vector<256x1024xf32>
    %select_n3A_195 = arith.select %ge3A, %broadcast_in_dim3A_193, %broadcast_in_dim3A_194 : vector<256x1024xi1>, vector<256x1024xf32>
    %mul3A_196 = arith.constant 1024 : i32
    %mul3A_197 = arith.muli %select_n3A, %mul3A_196 : i32
    %multiple_of3A = tpu.assume_multiple %mul3A_197, 1024 : i32
    %get3A_198 = arith.index_cast %multiple_of3A : i32 to index
    %get3A_199 = arith.constant 0 : index
    %get3A_200 = vector.load %arg2[%get3A_198, %get3A_199] : memref<2048x512xbf16, #tpu.memory_space<vmem>>, vector<1024x64xbf16>
    %get3A_201 = arith.index_cast %multiple_of3A : i32 to index
    %get3A_202 = arith.constant 0 : index
    %get3A_203 = vector.load %arg3[%get3A_201, %get3A_202] : memref<2048x512xbf16, #tpu.memory_space<vmem>>, vector<1024x64xbf16>
    %dot_general3A = arith.constant dense<0.000000e+00> : vector<256x1024xf32>
    %dot_general3A_204 = tpu.matmul %mul3A_3, %get3A_200, %dot_general3A {dimension_numbers = #tpu.dot_dimension_numbers<[1], [1], [0], [0], [0, 0, 1, 0], [], []>, transpose_lhs_hint = false} : vector<256x64xbf16>, vector<1024x64xbf16>, vector<256x1024xf32> -> vector<256x1024xf32>
    %add3A_205 = arith.addf %dot_general3A_204, %select_n3A_195 : vector<256x1024xf32>
    %exp3A = math.exp %add3A_205 : vector<256x1024xf32>
    %reduce_sum3A = arith.constant dense<0.000000e+00> : vector<256xf32>
    %reduce_sum3A_206 = vector.multi_reduction <add>, %exp3A, %reduce_sum3A [1] : vector<256x1024xf32> to vector<256xf32>
    %broadcast_in_dim3A_207 = vector.shape_cast %reduce_sum3A_206 : vector<256xf32> to vector<256x1xf32>
    %add3A_208 = arith.addf %while3A_182#0, %broadcast_in_dim3A_207 : vector<256x1xf32>
    %convert_element_type3A = arith.truncf %exp3A : vector<256x1024xf32> to vector<256x1024xbf16>
    %dot_general3A_209 = arith.constant dense<0.000000e+00> : vector<256x64xf32>
    %dot_general3A_210 = tpu.matmul %convert_element_type3A, %get3A_203, %dot_general3A_209 {dimension_numbers = #tpu.dot_dimension_numbers<[1], [0], [0], [1], [0, 0, 1, 1], [], []>, transpose_lhs_hint = false} : vector<256x1024xbf16>, vector<1024x64xbf16>, vector<256x64xf32> -> vector<256x64xf32>
    %add3A_211 = arith.addf %while3A_182#1, %dot_general3A_210 : vector<256x64xf32>
    %get3A_212 = arith.index_cast %multiple_of3A : i32 to index
    %get3A_213 = arith.constant 0 : index
    %get3A_214 = vector.load %arg2[%get3A_212, %get3A_213] : memref<2048x512xbf16, #tpu.memory_space<vmem>>, vector<1024x64xbf16>
    %get3A_215 = arith.index_cast %multiple_of3A : i32 to index
    %get3A_216 = arith.constant 0 : index
    %get3A_217 = vector.load %arg3[%get3A_215, %get3A_216] : memref<2048x512xbf16, #tpu.memory_space<vmem>>, vector<1024x64xbf16>
    %dot_general3A_218 = arith.constant dense<0.000000e+00> : vector<256x1024xf32>
    %dot_general3A_219 = tpu.matmul %mul3A_9, %get3A_214, %dot_general3A_218 {dimension_numbers = #tpu.dot_dimension_numbers<[1], [1], [0], [0], [0, 0, 1, 0], [], []>, transpose_lhs_hint = false} : vector<256x64xbf16>, vector<1024x64xbf16>, vector<256x1024xf32> -> vector<256x1024xf32>
    %add3A_220 = arith.addf %dot_general3A_219, %select_n3A_195 : vector<256x1024xf32>
    %exp3A_221 = math.exp %add3A_220 : vector<256x1024xf32>
    %reduce_sum3A_222 = arith.constant dense<0.000000e+00> : vector<256xf32>
    %reduce_sum3A_223 = vector.multi_reduction <add>, %exp3A_221, %reduce_sum3A_222 [1] : vector<256x1024xf32> to vector<256xf32>
    %broadcast_in_dim3A_224 = vector.shape_cast %reduce_sum3A_223 : vector<256xf32> to vector<256x1xf32>
    %add3A_225 = arith.addf %while3A_182#2, %broadcast_in_dim3A_224 : vector<256x1xf32>
    %convert_element_type3A_226 = arith.truncf %exp3A_221 : vector<256x1024xf32> to vector<256x1024xbf16>
    %dot_general3A_227 = arith.constant dense<0.000000e+00> : vector<256x64xf32>
    %dot_general3A_228 = tpu.matmul %convert_element_type3A_226, %get3A_217, %dot_general3A_227 {dimension_numbers = #tpu.dot_dimension_numbers<[1], [0], [0], [1], [0, 0, 1, 1], [], []>, transpose_lhs_hint = false} : vector<256x1024xbf16>, vector<1024x64xbf16>, vector<256x64xf32> -> vector<256x64xf32>
    %add3A_229 = arith.addf %while3A_182#3, %dot_general3A_228 : vector<256x64xf32>
    %get3A_230 = arith.index_cast %multiple_of3A : i32 to index
    %get3A_231 = arith.constant 64 : index
    %get3A_232 = vector.load %arg2[%get3A_230, %get3A_231] : memref<2048x512xbf16, #tpu.memory_space<vmem>>, vector<1024x64xbf16>
    %get3A_233 = arith.index_cast %multiple_of3A : i32 to index
    %get3A_234 = arith.constant 64 : index
    %get3A_235 = vector.load %arg3[%get3A_233, %get3A_234] : memref<2048x512xbf16, #tpu.memory_space<vmem>>, vector<1024x64xbf16>
    %dot_general3A_236 = arith.constant dense<0.000000e+00> : vector<256x1024xf32>
    %dot_general3A_237 = tpu.matmul %mul3A_15, %get3A_232, %dot_general3A_236 {dimension_numbers = #tpu.dot_dimension_numbers<[1], [1], [0], [0], [0, 0, 1, 0], [], []>, transpose_lhs_hint = false} : vector<256x64xbf16>, vector<1024x64xbf16>, vector<256x1024xf32> -> vector<256x1024xf32>
    %add3A_238 = arith.addf %dot_general3A_237, %select_n3A_195 : vector<256x1024xf32>
    %exp3A_239 = math.exp %add3A_238 : vector<256x1024xf32>
    %reduce_sum3A_240 = arith.constant dense<0.000000e+00> : vector<256xf32>
    %reduce_sum3A_241 = vector.multi_reduction <add>, %exp3A_239, %reduce_sum3A_240 [1] : vector<256x1024xf32> to vector<256xf32>
    %broadcast_in_dim3A_242 = vector.shape_cast %reduce_sum3A_241 : vector<256xf32> to vector<256x1xf32>
    %add3A_243 = arith.addf %while3A_182#4, %broadcast_in_dim3A_242 : vector<256x1xf32>
    %convert_element_type3A_244 = arith.truncf %exp3A_239 : vector<256x1024xf32> to vector<256x1024xbf16>
    %dot_general3A_245 = arith.constant dense<0.000000e+00> : vector<256x64xf32>
    %dot_general3A_246 = tpu.matmul %convert_element_type3A_244, %get3A_235, %dot_general3A_245 {dimension_numbers = #tpu.dot_dimension_numbers<[1], [0], [0], [1], [0, 0, 1, 1], [], []>, transpose_lhs_hint = false} : vector<256x1024xbf16>, vector<1024x64xbf16>, vector<256x64xf32> -> vector<256x64xf32>
    %add3A_247 = arith.addf %while3A_182#5, %dot_general3A_246 : vector<256x64xf32>
    %get3A_248 = arith.index_cast %multiple_of3A : i32 to index
    %get3A_249 = arith.constant 64 : index
    %get3A_250 = vector.load %arg2[%get3A_248, %get3A_249] : memref<2048x512xbf16, #tpu.memory_space<vmem>>, vector<1024x64xbf16>
    %get3A_251 = arith.index_cast %multiple_of3A : i32 to index
    %get3A_252 = arith.constant 64 : index
    %get3A_253 = vector.load %arg3[%get3A_251, %get3A_252] : memref<2048x512xbf16, #tpu.memory_space<vmem>>, vector<1024x64xbf16>
    %dot_general3A_254 = arith.constant dense<0.000000e+00> : vector<256x1024xf32>
    %dot_general3A_255 = tpu.matmul %mul3A_21, %get3A_250, %dot_general3A_254 {dimension_numbers = #tpu.dot_dimension_numbers<[1], [1], [0], [0], [0, 0, 1, 0], [], []>, transpose_lhs_hint = false} : vector<256x64xbf16>, vector<1024x64xbf16>, vector<256x1024xf32> -> vector<256x1024xf32>
    %add3A_256 = arith.addf %dot_general3A_255, %select_n3A_195 : vector<256x1024xf32>
    %exp3A_257 = math.exp %add3A_256 : vector<256x1024xf32>
    %reduce_sum3A_258 = arith.constant dense<0.000000e+00> : vector<256xf32>
    %reduce_sum3A_259 = vector.multi_reduction <add>, %exp3A_257, %reduce_sum3A_258 [1] : vector<256x1024xf32> to vector<256xf32>
    %broadcast_in_dim3A_260 = vector.shape_cast %reduce_sum3A_259 : vector<256xf32> to vector<256x1xf32>
    %add3A_261 = arith.addf %while3A_182#6, %broadcast_in_dim3A_260 : vector<256x1xf32>
    %convert_element_type3A_262 = arith.truncf %exp3A_257 : vector<256x1024xf32> to vector<256x1024xbf16>
    %dot_general3A_263 = arith.constant dense<0.000000e+00> : vector<256x64xf32>
    %dot_general3A_264 = tpu.matmul %convert_element_type3A_262, %get3A_253, %dot_general3A_263 {dimension_numbers = #tpu.dot_dimension_numbers<[1], [0], [0], [1], [0, 0, 1, 1], [], []>, transpose_lhs_hint = false} : vector<256x1024xbf16>, vector<1024x64xbf16>, vector<256x64xf32> -> vector<256x64xf32>
    %add3A_265 = arith.addf %while3A_182#7, %dot_general3A_264 : vector<256x64xf32>
    %get3A_266 = arith.index_cast %multiple_of3A : i32 to index
    %get3A_267 = arith.constant 128 : index
    %get3A_268 = vector.load %arg2[%get3A_266, %get3A_267] : memref<2048x512xbf16, #tpu.memory_space<vmem>>, vector<1024x64xbf16>
    %get3A_269 = arith.index_cast %multiple_of3A : i32 to index
    %get3A_270 = arith.constant 128 : index
    %get3A_271 = vector.load %arg3[%get3A_269, %get3A_270] : memref<2048x512xbf16, #tpu.memory_space<vmem>>, vector<1024x64xbf16>
    %dot_general3A_272 = arith.constant dense<0.000000e+00> : vector<256x1024xf32>
    %dot_general3A_273 = tpu.matmul %mul3A_27, %get3A_268, %dot_general3A_272 {dimension_numbers = #tpu.dot_dimension_numbers<[1], [1], [0], [0], [0, 0, 1, 0], [], []>, transpose_lhs_hint = false} : vector<256x64xbf16>, vector<1024x64xbf16>, vector<256x1024xf32> -> vector<256x1024xf32>
    %add3A_274 = arith.addf %dot_general3A_273, %select_n3A_195 : vector<256x1024xf32>
    %exp3A_275 = math.exp %add3A_274 : vector<256x1024xf32>
    %reduce_sum3A_276 = arith.constant dense<0.000000e+00> : vector<256xf32>
    %reduce_sum3A_277 = vector.multi_reduction <add>, %exp3A_275, %reduce_sum3A_276 [1] : vector<256x1024xf32> to vector<256xf32>
    %broadcast_in_dim3A_278 = vector.shape_cast %reduce_sum3A_277 : vector<256xf32> to vector<256x1xf32>
    %add3A_279 = arith.addf %while3A_182#8, %broadcast_in_dim3A_278 : vector<256x1xf32>
    %convert_element_type3A_280 = arith.truncf %exp3A_275 : vector<256x1024xf32> to vector<256x1024xbf16>
    %dot_general3A_281 = arith.constant dense<0.000000e+00> : vector<256x64xf32>
    %dot_general3A_282 = tpu.matmul %convert_element_type3A_280, %get3A_271, %dot_general3A_281 {dimension_numbers = #tpu.dot_dimension_numbers<[1], [0], [0], [1], [0, 0, 1, 1], [], []>, transpose_lhs_hint = false} : vector<256x1024xbf16>, vector<1024x64xbf16>, vector<256x64xf32> -> vector<256x64xf32>
    %add3A_283 = arith.addf %while3A_182#9, %dot_general3A_282 : vector<256x64xf32>
    %get3A_284 = arith.index_cast %multiple_of3A : i32 to index
    %get3A_285 = arith.constant 128 : index
    %get3A_286 = vector.load %arg2[%get3A_284, %get3A_285] : memref<2048x512xbf16, #tpu.memory_space<vmem>>, vector<1024x64xbf16>
    %get3A_287 = arith.index_cast %multiple_of3A : i32 to index
    %get3A_288 = arith.constant 128 : index
    %get3A_289 = vector.load %arg3[%get3A_287, %get3A_288] : memref<2048x512xbf16, #tpu.memory_space<vmem>>, vector<1024x64xbf16>
    %dot_general3A_290 = arith.constant dense<0.000000e+00> : vector<256x1024xf32>
    %dot_general3A_291 = tpu.matmul %mul3A_33, %get3A_286, %dot_general3A_290 {dimension_numbers = #tpu.dot_dimension_numbers<[1], [1], [0], [0], [0, 0, 1, 0], [], []>, transpose_lhs_hint = false} : vector<256x64xbf16>, vector<1024x64xbf16>, vector<256x1024xf32> -> vector<256x1024xf32>
    %add3A_292 = arith.addf %dot_general3A_291, %select_n3A_195 : vector<256x1024xf32>
    %exp3A_293 = math.exp %add3A_292 : vector<256x1024xf32>
    %reduce_sum3A_294 = arith.constant dense<0.000000e+00> : vector<256xf32>
    %reduce_sum3A_295 = vector.multi_reduction <add>, %exp3A_293, %reduce_sum3A_294 [1] : vector<256x1024xf32> to vector<256xf32>
    %broadcast_in_dim3A_296 = vector.shape_cast %reduce_sum3A_295 : vector<256xf32> to vector<256x1xf32>
    %add3A_297 = arith.addf %while3A_182#10, %broadcast_in_dim3A_296 : vector<256x1xf32>
    %convert_element_type3A_298 = arith.truncf %exp3A_293 : vector<256x1024xf32> to vector<256x1024xbf16>
    %dot_general3A_299 = arith.constant dense<0.000000e+00> : vector<256x64xf32>
    %dot_general3A_300 = tpu.matmul %convert_element_type3A_298, %get3A_289, %dot_general3A_299 {dimension_numbers = #tpu.dot_dimension_numbers<[1], [0], [0], [1], [0, 0, 1, 1], [], []>, transpose_lhs_hint = false} : vector<256x1024xbf16>, vector<1024x64xbf16>, vector<256x64xf32> -> vector<256x64xf32>
    %add3A_301 = arith.addf %while3A_182#11, %dot_general3A_300 : vector<256x64xf32>
    %get3A_302 = arith.index_cast %multiple_of3A : i32 to index
    %get3A_303 = arith.constant 192 : index
    %get3A_304 = vector.load %arg2[%get3A_302, %get3A_303] : memref<2048x512xbf16, #tpu.memory_space<vmem>>, vector<1024x64xbf16>
    %get3A_305 = arith.index_cast %multiple_of3A : i32 to index
    %get3A_306 = arith.constant 192 : index
    %get3A_307 = vector.load %arg3[%get3A_305, %get3A_306] : memref<2048x512xbf16, #tpu.memory_space<vmem>>, vector<1024x64xbf16>
    %dot_general3A_308 = arith.constant dense<0.000000e+00> : vector<256x1024xf32>
    %dot_general3A_309 = tpu.matmul %mul3A_39, %get3A_304, %dot_general3A_308 {dimension_numbers = #tpu.dot_dimension_numbers<[1], [1], [0], [0], [0, 0, 1, 0], [], []>, transpose_lhs_hint = false} : vector<256x64xbf16>, vector<1024x64xbf16>, vector<256x1024xf32> -> vector<256x1024xf32>
    %add3A_310 = arith.addf %dot_general3A_309, %select_n3A_195 : vector<256x1024xf32>
    %exp3A_311 = math.exp %add3A_310 : vector<256x1024xf32>
    %reduce_sum3A_312 = arith.constant dense<0.000000e+00> : vector<256xf32>
    %reduce_sum3A_313 = vector.multi_reduction <add>, %exp3A_311, %reduce_sum3A_312 [1] : vector<256x1024xf32> to vector<256xf32>
    %broadcast_in_dim3A_314 = vector.shape_cast %reduce_sum3A_313 : vector<256xf32> to vector<256x1xf32>
    %add3A_315 = arith.addf %while3A_182#12, %broadcast_in_dim3A_314 : vector<256x1xf32>
    %convert_element_type3A_316 = arith.truncf %exp3A_311 : vector<256x1024xf32> to vector<256x1024xbf16>
    %dot_general3A_317 = arith.constant dense<0.000000e+00> : vector<256x64xf32>
    %dot_general3A_318 = tpu.matmul %convert_element_type3A_316, %get3A_307, %dot_general3A_317 {dimension_numbers = #tpu.dot_dimension_numbers<[1], [0], [0], [1], [0, 0, 1, 1], [], []>, transpose_lhs_hint = false} : vector<256x1024xbf16>, vector<1024x64xbf16>, vector<256x64xf32> -> vector<256x64xf32>
    %add3A_319 = arith.addf %while3A_182#13, %dot_general3A_318 : vector<256x64xf32>
    %get3A_320 = arith.index_cast %multiple_of3A : i32 to index
    %get3A_321 = arith.constant 192 : index
    %get3A_322 = vector.load %arg2[%get3A_320, %get3A_321] : memref<2048x512xbf16, #tpu.memory_space<vmem>>, vector<1024x64xbf16>
    %get3A_323 = arith.index_cast %multiple_of3A : i32 to index
    %get3A_324 = arith.constant 192 : index
    %get3A_325 = vector.load %arg3[%get3A_323, %get3A_324] : memref<2048x512xbf16, #tpu.memory_space<vmem>>, vector<1024x64xbf16>
    %dot_general3A_326 = arith.constant dense<0.000000e+00> : vector<256x1024xf32>
    %dot_general3A_327 = tpu.matmul %mul3A_45, %get3A_322, %dot_general3A_326 {dimension_numbers = #tpu.dot_dimension_numbers<[1], [1], [0], [0], [0, 0, 1, 0], [], []>, transpose_lhs_hint = false} : vector<256x64xbf16>, vector<1024x64xbf16>, vector<256x1024xf32> -> vector<256x1024xf32>
    %add3A_328 = arith.addf %dot_general3A_327, %select_n3A_195 : vector<256x1024xf32>
    %exp3A_329 = math.exp %add3A_328 : vector<256x1024xf32>
    %reduce_sum3A_330 = arith.constant dense<0.000000e+00> : vector<256xf32>
    %reduce_sum3A_331 = vector.multi_reduction <add>, %exp3A_329, %reduce_sum3A_330 [1] : vector<256x1024xf32> to vector<256xf32>
    %broadcast_in_dim3A_332 = vector.shape_cast %reduce_sum3A_331 : vector<256xf32> to vector<256x1xf32>
    %add3A_333 = arith.addf %while3A_182#14, %broadcast_in_dim3A_332 : vector<256x1xf32>
    %convert_element_type3A_334 = arith.truncf %exp3A_329 : vector<256x1024xf32> to vector<256x1024xbf16>
    %dot_general3A_335 = arith.constant dense<0.000000e+00> : vector<256x64xf32>
    %dot_general3A_336 = tpu.matmul %convert_element_type3A_334, %get3A_325, %dot_general3A_335 {dimension_numbers = #tpu.dot_dimension_numbers<[1], [0], [0], [1], [0, 0, 1, 1], [], []>, transpose_lhs_hint = false} : vector<256x1024xbf16>, vector<1024x64xbf16>, vector<256x64xf32> -> vector<256x64xf32>
    %add3A_337 = arith.addf %while3A_182#15, %dot_general3A_336 : vector<256x64xf32>
    %get3A_338 = arith.index_cast %multiple_of3A : i32 to index
    %get3A_339 = arith.constant 256 : index
    %get3A_340 = vector.load %arg2[%get3A_338, %get3A_339] : memref<2048x512xbf16, #tpu.memory_space<vmem>>, vector<1024x64xbf16>
    %get3A_341 = arith.index_cast %multiple_of3A : i32 to index
    %get3A_342 = arith.constant 256 : index
    %get3A_343 = vector.load %arg3[%get3A_341, %get3A_342] : memref<2048x512xbf16, #tpu.memory_space<vmem>>, vector<1024x64xbf16>
    %dot_general3A_344 = arith.constant dense<0.000000e+00> : vector<256x1024xf32>
    %dot_general3A_345 = tpu.matmul %mul3A_51, %get3A_340, %dot_general3A_344 {dimension_numbers = #tpu.dot_dimension_numbers<[1], [1], [0], [0], [0, 0, 1, 0], [], []>, transpose_lhs_hint = false} : vector<256x64xbf16>, vector<1024x64xbf16>, vector<256x1024xf32> -> vector<256x1024xf32>
    %add3A_346 = arith.addf %dot_general3A_345, %select_n3A_195 : vector<256x1024xf32>
    %exp3A_347 = math.exp %add3A_346 : vector<256x1024xf32>
    %reduce_sum3A_348 = arith.constant dense<0.000000e+00> : vector<256xf32>
    %reduce_sum3A_349 = vector.multi_reduction <add>, %exp3A_347, %reduce_sum3A_348 [1] : vector<256x1024xf32> to vector<256xf32>
    %broadcast_in_dim3A_350 = vector.shape_cast %reduce_sum3A_349 : vector<256xf32> to vector<256x1xf32>
    %add3A_351 = arith.addf %while3A_182#16, %broadcast_in_dim3A_350 : vector<256x1xf32>
    %convert_element_type3A_352 = arith.truncf %exp3A_347 : vector<256x1024xf32> to vector<256x1024xbf16>
    %dot_general3A_353 = arith.constant dense<0.000000e+00> : vector<256x64xf32>
    %dot_general3A_354 = tpu.matmul %convert_element_type3A_352, %get3A_343, %dot_general3A_353 {dimension_numbers = #tpu.dot_dimension_numbers<[1], [0], [0], [1], [0, 0, 1, 1], [], []>, transpose_lhs_hint = false} : vector<256x1024xbf16>, vector<1024x64xbf16>, vector<256x64xf32> -> vector<256x64xf32>
    %add3A_355 = arith.addf %while3A_182#17, %dot_general3A_354 : vector<256x64xf32>
    %get3A_356 = arith.index_cast %multiple_of3A : i32 to index
    %get3A_357 = arith.constant 256 : index
    %get3A_358 = vector.load %arg2[%get3A_356, %get3A_357] : memref<2048x512xbf16, #tpu.memory_space<vmem>>, vector<1024x64xbf16>
    %get3A_359 = arith.index_cast %multiple_of3A : i32 to index
    %get3A_360 = arith.constant 256 : index
    %get3A_361 = vector.load %arg3[%get3A_359, %get3A_360] : memref<2048x512xbf16, #tpu.memory_space<vmem>>, vector<1024x64xbf16>
    %dot_general3A_362 = arith.constant dense<0.000000e+00> : vector<256x1024xf32>
    %dot_general3A_363 = tpu.matmul %mul3A_57, %get3A_358, %dot_general3A_362 {dimension_numbers = #tpu.dot_dimension_numbers<[1], [1], [0], [0], [0, 0, 1, 0], [], []>, transpose_lhs_hint = false} : vector<256x64xbf16>, vector<1024x64xbf16>, vector<256x1024xf32> -> vector<256x1024xf32>
    %add3A_364 = arith.addf %dot_general3A_363, %select_n3A_195 : vector<256x1024xf32>
    %exp3A_365 = math.exp %add3A_364 : vector<256x1024xf32>
    %reduce_sum3A_366 = arith.constant dense<0.000000e+00> : vector<256xf32>
    %reduce_sum3A_367 = vector.multi_reduction <add>, %exp3A_365, %reduce_sum3A_366 [1] : vector<256x1024xf32> to vector<256xf32>
    %broadcast_in_dim3A_368 = vector.shape_cast %reduce_sum3A_367 : vector<256xf32> to vector<256x1xf32>
    %add3A_369 = arith.addf %while3A_182#18, %broadcast_in_dim3A_368 : vector<256x1xf32>
    %convert_element_type3A_370 = arith.truncf %exp3A_365 : vector<256x1024xf32> to vector<256x1024xbf16>
    %dot_general3A_371 = arith.constant dense<0.000000e+00> : vector<256x64xf32>
    %dot_general3A_372 = tpu.matmul %convert_element_type3A_370, %get3A_361, %dot_general3A_371 {dimension_numbers = #tpu.dot_dimension_numbers<[1], [0], [0], [1], [0, 0, 1, 1], [], []>, transpose_lhs_hint = false} : vector<256x1024xbf16>, vector<1024x64xbf16>, vector<256x64xf32> -> vector<256x64xf32>
    %add3A_373 = arith.addf %while3A_182#19, %dot_general3A_372 : vector<256x64xf32>
    %get3A_374 = arith.index_cast %multiple_of3A : i32 to index
    %get3A_375 = arith.constant 320 : index
    %get3A_376 = vector.load %arg2[%get3A_374, %get3A_375] : memref<2048x512xbf16, #tpu.memory_space<vmem>>, vector<1024x64xbf16>
    %get3A_377 = arith.index_cast %multiple_of3A : i32 to index
    %get3A_378 = arith.constant 320 : index
    %get3A_379 = vector.load %arg3[%get3A_377, %get3A_378] : memref<2048x512xbf16, #tpu.memory_space<vmem>>, vector<1024x64xbf16>
    %dot_general3A_380 = arith.constant dense<0.000000e+00> : vector<256x1024xf32>
    %dot_general3A_381 = tpu.matmul %mul3A_63, %get3A_376, %dot_general3A_380 {dimension_numbers = #tpu.dot_dimension_numbers<[1], [1], [0], [0], [0, 0, 1, 0], [], []>, transpose_lhs_hint = false} : vector<256x64xbf16>, vector<1024x64xbf16>, vector<256x1024xf32> -> vector<256x1024xf32>
    %add3A_382 = arith.addf %dot_general3A_381, %select_n3A_195 : vector<256x1024xf32>
    %exp3A_383 = math.exp %add3A_382 : vector<256x1024xf32>
    %reduce_sum3A_384 = arith.constant dense<0.000000e+00> : vector<256xf32>
    %reduce_sum3A_385 = vector.multi_reduction <add>, %exp3A_383, %reduce_sum3A_384 [1] : vector<256x1024xf32> to vector<256xf32>
    %broadcast_in_dim3A_386 = vector.shape_cast %reduce_sum3A_385 : vector<256xf32> to vector<256x1xf32>
    %add3A_387 = arith.addf %while3A_182#20, %broadcast_in_dim3A_386 : vector<256x1xf32>
    %convert_element_type3A_388 = arith.truncf %exp3A_383 : vector<256x1024xf32> to vector<256x1024xbf16>
    %dot_general3A_389 = arith.constant dense<0.000000e+00> : vector<256x64xf32>
    %dot_general3A_390 = tpu.matmul %convert_element_type3A_388, %get3A_379, %dot_general3A_389 {dimension_numbers = #tpu.dot_dimension_numbers<[1], [0], [0], [1], [0, 0, 1, 1], [], []>, transpose_lhs_hint = false} : vector<256x1024xbf16>, vector<1024x64xbf16>, vector<256x64xf32> -> vector<256x64xf32>
    %add3A_391 = arith.addf %while3A_182#21, %dot_general3A_390 : vector<256x64xf32>
    %get3A_392 = arith.index_cast %multiple_of3A : i32 to index
    %get3A_393 = arith.constant 320 : index
    %get3A_394 = vector.load %arg2[%get3A_392, %get3A_393] : memref<2048x512xbf16, #tpu.memory_space<vmem>>, vector<1024x64xbf16>
    %get3A_395 = arith.index_cast %multiple_of3A : i32 to index
    %get3A_396 = arith.constant 320 : index
    %get3A_397 = vector.load %arg3[%get3A_395, %get3A_396] : memref<2048x512xbf16, #tpu.memory_space<vmem>>, vector<1024x64xbf16>
    %dot_general3A_398 = arith.constant dense<0.000000e+00> : vector<256x1024xf32>
    %dot_general3A_399 = tpu.matmul %mul3A_69, %get3A_394, %dot_general3A_398 {dimension_numbers = #tpu.dot_dimension_numbers<[1], [1], [0], [0], [0, 0, 1, 0], [], []>, transpose_lhs_hint = false} : vector<256x64xbf16>, vector<1024x64xbf16>, vector<256x1024xf32> -> vector<256x1024xf32>
    %add3A_400 = arith.addf %dot_general3A_399, %select_n3A_195 : vector<256x1024xf32>
    %exp3A_401 = math.exp %add3A_400 : vector<256x1024xf32>
    %reduce_sum3A_402 = arith.constant dense<0.000000e+00> : vector<256xf32>
    %reduce_sum3A_403 = vector.multi_reduction <add>, %exp3A_401, %reduce_sum3A_402 [1] : vector<256x1024xf32> to vector<256xf32>
    %broadcast_in_dim3A_404 = vector.shape_cast %reduce_sum3A_403 : vector<256xf32> to vector<256x1xf32>
    %add3A_405 = arith.addf %while3A_182#22, %broadcast_in_dim3A_404 : vector<256x1xf32>
    %convert_element_type3A_406 = arith.truncf %exp3A_401 : vector<256x1024xf32> to vector<256x1024xbf16>
    %dot_general3A_407 = arith.constant dense<0.000000e+00> : vector<256x64xf32>
    %dot_general3A_408 = tpu.matmul %convert_element_type3A_406, %get3A_397, %dot_general3A_407 {dimension_numbers = #tpu.dot_dimension_numbers<[1], [0], [0], [1], [0, 0, 1, 1], [], []>, transpose_lhs_hint = false} : vector<256x1024xbf16>, vector<1024x64xbf16>, vector<256x64xf32> -> vector<256x64xf32>
    %add3A_409 = arith.addf %while3A_182#23, %dot_general3A_408 : vector<256x64xf32>
    %get3A_410 = arith.index_cast %multiple_of3A : i32 to index
    %get3A_411 = arith.constant 384 : index
    %get3A_412 = vector.load %arg2[%get3A_410, %get3A_411] : memref<2048x512xbf16, #tpu.memory_space<vmem>>, vector<1024x64xbf16>
    %get3A_413 = arith.index_cast %multiple_of3A : i32 to index
    %get3A_414 = arith.constant 384 : index
    %get3A_415 = vector.load %arg3[%get3A_413, %get3A_414] : memref<2048x512xbf16, #tpu.memory_space<vmem>>, vector<1024x64xbf16>
    %dot_general3A_416 = arith.constant dense<0.000000e+00> : vector<256x1024xf32>
    %dot_general3A_417 = tpu.matmul %mul3A_75, %get3A_412, %dot_general3A_416 {dimension_numbers = #tpu.dot_dimension_numbers<[1], [1], [0], [0], [0, 0, 1, 0], [], []>, transpose_lhs_hint = false} : vector<256x64xbf16>, vector<1024x64xbf16>, vector<256x1024xf32> -> vector<256x1024xf32>
    %add3A_418 = arith.addf %dot_general3A_417, %select_n3A_195 : vector<256x1024xf32>
    %exp3A_419 = math.exp %add3A_418 : vector<256x1024xf32>
    %reduce_sum3A_420 = arith.constant dense<0.000000e+00> : vector<256xf32>
    %reduce_sum3A_421 = vector.multi_reduction <add>, %exp3A_419, %reduce_sum3A_420 [1] : vector<256x1024xf32> to vector<256xf32>
    %broadcast_in_dim3A_422 = vector.shape_cast %reduce_sum3A_421 : vector<256xf32> to vector<256x1xf32>
    %add3A_423 = arith.addf %while3A_182#24, %broadcast_in_dim3A_422 : vector<256x1xf32>
    %convert_element_type3A_424 = arith.truncf %exp3A_419 : vector<256x1024xf32> to vector<256x1024xbf16>
    %dot_general3A_425 = arith.constant dense<0.000000e+00> : vector<256x64xf32>
    %dot_general3A_426 = tpu.matmul %convert_element_type3A_424, %get3A_415, %dot_general3A_425 {dimension_numbers = #tpu.dot_dimension_numbers<[1], [0], [0], [1], [0, 0, 1, 1], [], []>, transpose_lhs_hint = false} : vector<256x1024xbf16>, vector<1024x64xbf16>, vector<256x64xf32> -> vector<256x64xf32>
    %add3A_427 = arith.addf %while3A_182#25, %dot_general3A_426 : vector<256x64xf32>
    %get3A_428 = arith.index_cast %multiple_of3A : i32 to index
    %get3A_429 = arith.constant 384 : index
    %get3A_430 = vector.load %arg2[%get3A_428, %get3A_429] : memref<2048x512xbf16, #tpu.memory_space<vmem>>, vector<1024x64xbf16>
    %get3A_431 = arith.index_cast %multiple_of3A : i32 to index
    %get3A_432 = arith.constant 384 : index
    %get3A_433 = vector.load %arg3[%get3A_431, %get3A_432] : memref<2048x512xbf16, #tpu.memory_space<vmem>>, vector<1024x64xbf16>
    %dot_general3A_434 = arith.constant dense<0.000000e+00> : vector<256x1024xf32>
    %dot_general3A_435 = tpu.matmul %mul3A_81, %get3A_430, %dot_general3A_434 {dimension_numbers = #tpu.dot_dimension_numbers<[1], [1], [0], [0], [0, 0, 1, 0], [], []>, transpose_lhs_hint = false} : vector<256x64xbf16>, vector<1024x64xbf16>, vector<256x1024xf32> -> vector<256x1024xf32>
    %add3A_436 = arith.addf %dot_general3A_435, %select_n3A_195 : vector<256x1024xf32>
    %exp3A_437 = math.exp %add3A_436 : vector<256x1024xf32>
    %reduce_sum3A_438 = arith.constant dense<0.000000e+00> : vector<256xf32>
    %reduce_sum3A_439 = vector.multi_reduction <add>, %exp3A_437, %reduce_sum3A_438 [1] : vector<256x1024xf32> to vector<256xf32>
    %broadcast_in_dim3A_440 = vector.shape_cast %reduce_sum3A_439 : vector<256xf32> to vector<256x1xf32>
    %add3A_441 = arith.addf %while3A_182#26, %broadcast_in_dim3A_440 : vector<256x1xf32>
    %convert_element_type3A_442 = arith.truncf %exp3A_437 : vector<256x1024xf32> to vector<256x1024xbf16>
    %dot_general3A_443 = arith.constant dense<0.000000e+00> : vector<256x64xf32>
    %dot_general3A_444 = tpu.matmul %convert_element_type3A_442, %get3A_433, %dot_general3A_443 {dimension_numbers = #tpu.dot_dimension_numbers<[1], [0], [0], [1], [0, 0, 1, 1], [], []>, transpose_lhs_hint = false} : vector<256x1024xbf16>, vector<1024x64xbf16>, vector<256x64xf32> -> vector<256x64xf32>
    %add3A_445 = arith.addf %while3A_182#27, %dot_general3A_444 : vector<256x64xf32>
    %get3A_446 = arith.index_cast %multiple_of3A : i32 to index
    %get3A_447 = arith.constant 448 : index
    %get3A_448 = vector.load %arg2[%get3A_446, %get3A_447] : memref<2048x512xbf16, #tpu.memory_space<vmem>>, vector<1024x64xbf16>
    %get3A_449 = arith.index_cast %multiple_of3A : i32 to index
    %get3A_450 = arith.constant 448 : index
    %get3A_451 = vector.load %arg3[%get3A_449, %get3A_450] : memref<2048x512xbf16, #tpu.memory_space<vmem>>, vector<1024x64xbf16>
    %dot_general3A_452 = arith.constant dense<0.000000e+00> : vector<256x1024xf32>
    %dot_general3A_453 = tpu.matmul %mul3A_87, %get3A_448, %dot_general3A_452 {dimension_numbers = #tpu.dot_dimension_numbers<[1], [1], [0], [0], [0, 0, 1, 0], [], []>, transpose_lhs_hint = false} : vector<256x64xbf16>, vector<1024x64xbf16>, vector<256x1024xf32> -> vector<256x1024xf32>
    %add3A_454 = arith.addf %dot_general3A_453, %select_n3A_195 : vector<256x1024xf32>
    %exp3A_455 = math.exp %add3A_454 : vector<256x1024xf32>
    %reduce_sum3A_456 = arith.constant dense<0.000000e+00> : vector<256xf32>
    %reduce_sum3A_457 = vector.multi_reduction <add>, %exp3A_455, %reduce_sum3A_456 [1] : vector<256x1024xf32> to vector<256xf32>
    %broadcast_in_dim3A_458 = vector.shape_cast %reduce_sum3A_457 : vector<256xf32> to vector<256x1xf32>
    %add3A_459 = arith.addf %while3A_182#28, %broadcast_in_dim3A_458 : vector<256x1xf32>
    %convert_element_type3A_460 = arith.truncf %exp3A_455 : vector<256x1024xf32> to vector<256x1024xbf16>
    %dot_general3A_461 = arith.constant dense<0.000000e+00> : vector<256x64xf32>
    %dot_general3A_462 = tpu.matmul %convert_element_type3A_460, %get3A_451, %dot_general3A_461 {dimension_numbers = #tpu.dot_dimension_numbers<[1], [0], [0], [1], [0, 0, 1, 1], [], []>, transpose_lhs_hint = false} : vector<256x1024xbf16>, vector<1024x64xbf16>, vector<256x64xf32> -> vector<256x64xf32>
    %add3A_463 = arith.addf %while3A_182#29, %dot_general3A_462 : vector<256x64xf32>
    %get3A_464 = arith.index_cast %multiple_of3A : i32 to index
    %get3A_465 = arith.constant 448 : index
    %get3A_466 = vector.load %arg2[%get3A_464, %get3A_465] : memref<2048x512xbf16, #tpu.memory_space<vmem>>, vector<1024x64xbf16>
    %get3A_467 = arith.index_cast %multiple_of3A : i32 to index
    %get3A_468 = arith.constant 448 : index
    %get3A_469 = vector.load %arg3[%get3A_467, %get3A_468] : memref<2048x512xbf16, #tpu.memory_space<vmem>>, vector<1024x64xbf16>
    %dot_general3A_470 = arith.constant dense<0.000000e+00> : vector<256x1024xf32>
    %dot_general3A_471 = tpu.matmul %mul3A_93, %get3A_466, %dot_general3A_470 {dimension_numbers = #tpu.dot_dimension_numbers<[1], [1], [0], [0], [0, 0, 1, 0], [], []>, transpose_lhs_hint = false} : vector<256x64xbf16>, vector<1024x64xbf16>, vector<256x1024xf32> -> vector<256x1024xf32>
    %add3A_472 = arith.addf %dot_general3A_471, %select_n3A_195 : vector<256x1024xf32>
    %exp3A_473 = math.exp %add3A_472 : vector<256x1024xf32>
    %reduce_sum3A_474 = arith.constant dense<0.000000e+00> : vector<256xf32>
    %reduce_sum3A_475 = vector.multi_reduction <add>, %exp3A_473, %reduce_sum3A_474 [1] : vector<256x1024xf32> to vector<256xf32>
    %broadcast_in_dim3A_476 = vector.shape_cast %reduce_sum3A_475 : vector<256xf32> to vector<256x1xf32>
    %add3A_477 = arith.addf %while3A_182#30, %broadcast_in_dim3A_476 : vector<256x1xf32>
    %convert_element_type3A_478 = arith.truncf %exp3A_473 : vector<256x1024xf32> to vector<256x1024xbf16>
    %dot_general3A_479 = arith.constant dense<0.000000e+00> : vector<256x64xf32>
    %dot_general3A_480 = tpu.matmul %convert_element_type3A_478, %get3A_469, %dot_general3A_479 {dimension_numbers = #tpu.dot_dimension_numbers<[1], [0], [0], [1], [0, 0, 1, 1], [], []>, transpose_lhs_hint = false} : vector<256x1024xbf16>, vector<1024x64xbf16>, vector<256x64xf32> -> vector<256x64xf32>
    %add3A_481 = arith.addf %while3A_182#31, %dot_general3A_480 : vector<256x64xf32>
    %div3A_482 = vector.broadcast %add3A_208 : vector<256x1xf32> to vector<256x64xf32>
    %div3A_483 = arith.divf %add3A_211, %div3A_482 : vector<256x64xf32>
    %convert_element_type3A_484 = arith.truncf %div3A_483 : vector<256x64xf32> to vector<256x64xbf16>
    %swap3A = arith.constant 0 : index
    %swap3A_485 = arith.constant 0 : index
    %swap3A_486 = vector.load %arg4[%swap3A, %swap3A_485] : memref<256x1024xbf16, #tpu.memory_space<vmem>>, vector<256x64xbf16>
    tpu.vector_store %arg4[%swap3A, %swap3A_485], %convert_element_type3A_484 {strides = array<i32>} : memref<256x1024xbf16, #tpu.memory_space<vmem>>, vector<256x64xbf16>,
    %div3A_487 = vector.broadcast %add3A_225 : vector<256x1xf32> to vector<256x64xf32>
    %div3A_488 = arith.divf %add3A_229, %div3A_487 : vector<256x64xf32>
    %convert_element_type3A_489 = arith.truncf %div3A_488 : vector<256x64xf32> to vector<256x64xbf16>
    %swap3A_490 = arith.constant 0 : index
    %swap3A_491 = arith.constant 64 : index
    %swap3A_492 = vector.load %arg4[%swap3A_490, %swap3A_491] : memref<256x1024xbf16, #tpu.memory_space<vmem>>, vector<256x64xbf16>
    tpu.vector_store %arg4[%swap3A_490, %swap3A_491], %convert_element_type3A_489 {strides = array<i32>} : memref<256x1024xbf16, #tpu.memory_space<vmem>>, vector<256x64xbf16>,
    %div3A_493 = vector.broadcast %add3A_243 : vector<256x1xf32> to vector<256x64xf32>
    %div3A_494 = arith.divf %add3A_247, %div3A_493 : vector<256x64xf32>
    %convert_element_type3A_495 = arith.truncf %div3A_494 : vector<256x64xf32> to vector<256x64xbf16>
    %swap3A_496 = arith.constant 0 : index
    %swap3A_497 = arith.constant 128 : index
    %swap3A_498 = vector.load %arg4[%swap3A_496, %swap3A_497] : memref<256x1024xbf16, #tpu.memory_space<vmem>>, vector<256x64xbf16>
    tpu.vector_store %arg4[%swap3A_496, %swap3A_497], %convert_element_type3A_495 {strides = array<i32>} : memref<256x1024xbf16, #tpu.memory_space<vmem>>, vector<256x64xbf16>,
    %div3A_499 = vector.broadcast %add3A_261 : vector<256x1xf32> to vector<256x64xf32>
    %div3A_500 = arith.divf %add3A_265, %div3A_499 : vector<256x64xf32>
    %convert_element_type3A_501 = arith.truncf %div3A_500 : vector<256x64xf32> to vector<256x64xbf16>
    %swap3A_502 = arith.constant 0 : index
    %swap3A_503 = arith.constant 192 : index
    %swap3A_504 = vector.load %arg4[%swap3A_502, %swap3A_503] : memref<256x1024xbf16, #tpu.memory_space<vmem>>, vector<256x64xbf16>
    tpu.vector_store %arg4[%swap3A_502, %swap3A_503], %convert_element_type3A_501 {strides = array<i32>} : memref<256x1024xbf16, #tpu.memory_space<vmem>>, vector<256x64xbf16>,
    %div3A_505 = vector.broadcast %add3A_279 : vector<256x1xf32> to vector<256x64xf32>
    %div3A_506 = arith.divf %add3A_283, %div3A_505 : vector<256x64xf32>
    %convert_element_type3A_507 = arith.truncf %div3A_506 : vector<256x64xf32> to vector<256x64xbf16>
    %swap3A_508 = arith.constant 0 : index
    %swap3A_509 = arith.constant 256 : index
    %swap3A_510 = vector.load %arg4[%swap3A_508, %swap3A_509] : memref<256x1024xbf16, #tpu.memory_space<vmem>>, vector<256x64xbf16>
    tpu.vector_store %arg4[%swap3A_508, %swap3A_509], %convert_element_type3A_507 {strides = array<i32>} : memref<256x1024xbf16, #tpu.memory_space<vmem>>, vector<256x64xbf16>,
    %div3A_511 = vector.broadcast %add3A_297 : vector<256x1xf32> to vector<256x64xf32>
    %div3A_512 = arith.divf %add3A_301, %div3A_511 : vector<256x64xf32>
    %convert_element_type3A_513 = arith.truncf %div3A_512 : vector<256x64xf32> to vector<256x64xbf16>
    %swap3A_514 = arith.constant 0 : index
    %swap3A_515 = arith.constant 320 : index
    %swap3A_516 = vector.load %arg4[%swap3A_514, %swap3A_515] : memref<256x1024xbf16, #tpu.memory_space<vmem>>, vector<256x64xbf16>
    tpu.vector_store %arg4[%swap3A_514, %swap3A_515], %convert_element_type3A_513 {strides = array<i32>} : memref<256x1024xbf16, #tpu.memory_space<vmem>>, vector<256x64xbf16>,
    %div3A_517 = vector.broadcast %add3A_315 : vector<256x1xf32> to vector<256x64xf32>
    %div3A_518 = arith.divf %add3A_319, %div3A_517 : vector<256x64xf32>
    %convert_element_type3A_519 = arith.truncf %div3A_518 : vector<256x64xf32> to vector<256x64xbf16>
    %swap3A_520 = arith.constant 0 : index
    %swap3A_521 = arith.constant 384 : index
    %swap3A_522 = vector.load %arg4[%swap3A_520, %swap3A_521] : memref<256x1024xbf16, #tpu.memory_space<vmem>>, vector<256x64xbf16>
    tpu.vector_store %arg4[%swap3A_520, %swap3A_521], %convert_element_type3A_519 {strides = array<i32>} : memref<256x1024xbf16, #tpu.memory_space<vmem>>, vector<256x64xbf16>,
    %div3A_523 = vector.broadcast %add3A_333 : vector<256x1xf32> to vector<256x64xf32>
    %div3A_524 = arith.divf %add3A_337, %div3A_523 : vector<256x64xf32>
    %convert_element_type3A_525 = arith.truncf %div3A_524 : vector<256x64xf32> to vector<256x64xbf16>
    %swap3A_526 = arith.constant 0 : index
    %swap3A_527 = arith.constant 448 : index
    %swap3A_528 = vector.load %arg4[%swap3A_526, %swap3A_527] : memref<256x1024xbf16, #tpu.memory_space<vmem>>, vector<256x64xbf16>
    tpu.vector_store %arg4[%swap3A_526, %swap3A_527], %convert_element_type3A_525 {strides = array<i32>} : memref<256x1024xbf16, #tpu.memory_space<vmem>>, vector<256x64xbf16>,
    %div3A_529 = vector.broadcast %add3A_351 : vector<256x1xf32> to vector<256x64xf32>
    %div3A_530 = arith.divf %add3A_355, %div3A_529 : vector<256x64xf32>
    %convert_element_type3A_531 = arith.truncf %div3A_530 : vector<256x64xf32> to vector<256x64xbf16>
    %swap3A_532 = arith.constant 0 : index
    %swap3A_533 = arith.constant 512 : index
    %swap3A_534 = vector.load %arg4[%swap3A_532, %swap3A_533] : memref<256x1024xbf16, #tpu.memory_space<vmem>>, vector<256x64xbf16>
    tpu.vector_store %arg4[%swap3A_532, %swap3A_533], %convert_element_type3A_531 {strides = array<i32>} : memref<256x1024xbf16, #tpu.memory_space<vmem>>, vector<256x64xbf16>,
    %div3A_535 = vector.broadcast %add3A_369 : vector<256x1xf32> to vector<256x64xf32>
    %div3A_536 = arith.divf %add3A_373, %div3A_535 : vector<256x64xf32>
    %convert_element_type3A_537 = arith.truncf %div3A_536 : vector<256x64xf32> to vector<256x64xbf16>
    %swap3A_538 = arith.constant 0 : index
    %swap3A_539 = arith.constant 576 : index
    %swap3A_540 = vector.load %arg4[%swap3A_538, %swap3A_539] : memref<256x1024xbf16, #tpu.memory_space<vmem>>, vector<256x64xbf16>
    tpu.vector_store %arg4[%swap3A_538, %swap3A_539], %convert_element_type3A_537 {strides = array<i32>} : memref<256x1024xbf16, #tpu.memory_space<vmem>>, vector<256x64xbf16>,
    %div3A_541 = vector.broadcast %add3A_387 : vector<256x1xf32> to vector<256x64xf32>
    %div3A_542 = arith.divf %add3A_391, %div3A_541 : vector<256x64xf32>
    %convert_element_type3A_543 = arith.truncf %div3A_542 : vector<256x64xf32> to vector<256x64xbf16>
    %swap3A_544 = arith.constant 0 : index
    %swap3A_545 = arith.constant 640 : index
    %swap3A_546 = vector.load %arg4[%swap3A_544, %swap3A_545] : memref<256x1024xbf16, #tpu.memory_space<vmem>>, vector<256x64xbf16>
    tpu.vector_store %arg4[%swap3A_544, %swap3A_545], %convert_element_type3A_543 {strides = array<i32>} : memref<256x1024xbf16, #tpu.memory_space<vmem>>, vector<256x64xbf16>,
    %div3A_547 = vector.broadcast %add3A_405 : vector<256x1xf32> to vector<256x64xf32>
    %div3A_548 = arith.divf %add3A_409, %div3A_547 : vector<256x64xf32>
    %convert_element_type3A_549 = arith.truncf %div3A_548 : vector<256x64xf32> to vector<256x64xbf16>
    %swap3A_550 = arith.constant 0 : index
    %swap3A_551 = arith.constant 704 : index
    %swap3A_552 = vector.load %arg4[%swap3A_550, %swap3A_551] : memref<256x1024xbf16, #tpu.memory_space<vmem>>, vector<256x64xbf16>
    tpu.vector_store %arg4[%swap3A_550, %swap3A_551], %convert_element_type3A_549 {strides = array<i32>} : memref<256x1024xbf16, #tpu.memory_space<vmem>>, vector<256x64xbf16>,
    %div3A_553 = vector.broadcast %add3A_423 : vector<256x1xf32> to vector<256x64xf32>
    %div3A_554 = arith.divf %add3A_427, %div3A_553 : vector<256x64xf32>
    %convert_element_type3A_555 = arith.truncf %div3A_554 : vector<256x64xf32> to vector<256x64xbf16>
    %swap3A_556 = arith.constant 0 : index
    %swap3A_557 = arith.constant 768 : index
    %swap3A_558 = vector.load %arg4[%swap3A_556, %swap3A_557] : memref<256x1024xbf16, #tpu.memory_space<vmem>>, vector<256x64xbf16>
    tpu.vector_store %arg4[%swap3A_556, %swap3A_557], %convert_element_type3A_555 {strides = array<i32>} : memref<256x1024xbf16, #tpu.memory_space<vmem>>, vector<256x64xbf16>,
    %div3A_559 = vector.broadcast %add3A_441 : vector<256x1xf32> to vector<256x64xf32>
    %div3A_560 = arith.divf %add3A_445, %div3A_559 : vector<256x64xf32>
    %convert_element_type3A_561 = arith.truncf %div3A_560 : vector<256x64xf32> to vector<256x64xbf16>
    %swap3A_562 = arith.constant 0 : index
    %swap3A_563 = arith.constant 832 : index
    %swap3A_564 = vector.load %arg4[%swap3A_562, %swap3A_563] : memref<256x1024xbf16, #tpu.memory_space<vmem>>, vector<256x64xbf16>
    tpu.vector_store %arg4[%swap3A_562, %swap3A_563], %convert_element_type3A_561 {strides = array<i32>} : memref<256x1024xbf16, #tpu.memory_space<vmem>>, vector<256x64xbf16>,
    %div3A_565 = vector.broadcast %add3A_459 : vector<256x1xf32> to vector<256x64xf32>
    %div3A_566 = arith.divf %add3A_463, %div3A_565 : vector<256x64xf32>
    %convert_element_type3A_567 = arith.truncf %div3A_566 : vector<256x64xf32> to vector<256x64xbf16>
    %swap3A_568 = arith.constant 0 : index
    %swap3A_569 = arith.constant 896 : index
    %swap3A_570 = vector.load %arg4[%swap3A_568, %swap3A_569] : memref<256x1024xbf16, #tpu.memory_space<vmem>>, vector<256x64xbf16>
    tpu.vector_store %arg4[%swap3A_568, %swap3A_569], %convert_element_type3A_567 {strides = array<i32>} : memref<256x1024xbf16, #tpu.memory_space<vmem>>, vector<256x64xbf16>,
    %div3A_571 = vector.broadcast %add3A_477 : vector<256x1xf32> to vector<256x64xf32>
    %div3A_572 = arith.divf %add3A_481, %div3A_571 : vector<256x64xf32>
    %convert_element_type3A_573 = arith.truncf %div3A_572 : vector<256x64xf32> to vector<256x64xbf16>
    %swap3A_574 = arith.constant 0 : index
    %swap3A_575 = arith.constant 960 : index
    %swap3A_576 = vector.load %arg4[%swap3A_574, %swap3A_575] : memref<256x1024xbf16, #tpu.memory_space<vmem>>, vector<256x64xbf16>
    tpu.vector_store %arg4[%swap3A_574, %swap3A_575], %convert_element_type3A_573 {strides = array<i32>} : memref<256x1024xbf16, #tpu.memory_space<vmem>>, vector<256x64xbf16>,
    return
  }
  func.func @transform_0(%arg0: i32) -> (i32, i32) {
    %c0_i32 = arith.constant 0 : i32
    %c0_i32_0 = arith.constant 0 : i32
    return %arg0, %c0_i32 : i32, i32
  }
  func.func @transform_1(%arg0: i32) -> (i32, i32) {
    %c0_i32 = arith.constant 0 : i32
    %c0_i32_0 = arith.constant 0 : i32
    %c0_i32_1 = arith.constant 0 : i32
    return %c0_i32, %c0_i32_0 : i32, i32
  }
  func.func @transform_2(%arg0: i32) -> (i32, i32) {
    %c0_i32 = arith.constant 0 : i32
    %c0_i32_0 = arith.constant 0 : i32
    %c0_i32_1 = arith.constant 0 : i32
    return %c0_i32, %c0_i32_0 : i32, i32
  }
  func.func @transform_3(%arg0: i32) -> (i32, i32) {
    %c0_i32 = arith.constant 0 : i32
    %c0_i32_0 = arith.constant 0 : i32
    return %arg0, %c0_i32 : i32, i32
  }
}

module attributes {stable_mosaic.version = 14 : i64} {
  func.func @_mid_body(%arg0: i32, %arg1: memref<512x1024xf32, #tpu.memory_space<vmem>>, %arg2: memref<512x1024xbf16, #tpu.memory_space<vmem>>, %arg3: memref<1024x1024xbf16, #tpu.memory_space<vmem>>, %arg4: memref<1x1024xf32, #tpu.memory_space<vmem>>, %arg5: memref<128x1024xf32, #tpu.memory_space<vmem>>, %arg6: memref<512x1024xf32, #tpu.memory_space<vmem>>, %arg7: memref<512x1024xf32, #tpu.memory_space<vmem>>, %arg8: memref<512x128xf32, #tpu.memory_space<vmem>>) attributes {dimension_semantics = [#tpu.dimension_semantics<parallel>], iteration_bounds = array<i64: 4>, scalar_prefetch = 0 : i64, scratch_operands = 0 : i64, tpu.core_type = #tpu.core_type<tc>, window_params = [{transform_indices = @transform_0, window_bounds = array<i64: 512, 1024>}, {transform_indices = @transform_1, window_bounds = array<i64: 512, 1024>}, {pipeline_mode = #tpu.pipeline_mode<synchronous>, transform_indices = @transform_2, window_bounds = array<i64: 1024, 1024>}, {pipeline_mode = #tpu.pipeline_mode<synchronous>, transform_indices = @transform_3, window_bounds = array<i64: 1, 1024>}, {pipeline_mode = #tpu.pipeline_mode<synchronous>, transform_indices = @transform_4, window_bounds = array<i64: 128, 1024>}, {transform_indices = @transform_5, window_bounds = array<i64: 512, 1024>}, {transform_indices = @transform_6, window_bounds = array<i64: 512, 1024>}, {transform_indices = @transform_7, window_bounds = array<i64: 512, 128>}]} {
    %get3A = arith.constant 0 : index
    %get3A_0 = arith.constant 0 : index
    %get3A_1 = vector.load %arg1[%get3A, %get3A_0] : memref<512x1024xf32, #tpu.memory_space<vmem>>, vector<512x1024xf32>
    %get3A_2 = arith.constant 0 : index
    %get3A_3 = arith.constant 0 : index
    %get3A_4 = vector.load %arg2[%get3A_2, %get3A_3] : memref<512x1024xbf16, #tpu.memory_space<vmem>>, vector<512x1024xbf16>
    %get3A_5 = arith.constant 0 : index
    %get3A_6 = arith.constant 0 : index
    %get3A_7 = vector.load %arg3[%get3A_5, %get3A_6] : memref<1024x1024xbf16, #tpu.memory_space<vmem>>, vector<1024x1024xbf16>
    %dot_general3A = arith.constant dense<0.000000e+00> : vector<512x1024xf32>
    %dot_general3A_8 = tpu.matmul %get3A_4, %get3A_7, %dot_general3A {dimension_numbers = #tpu.dot_dimension_numbers<[1], [1], [0], [0], [0, 0, 1, 0], [], []>, transpose_lhs_hint = false} : vector<512x1024xbf16>, vector<1024x1024xbf16>, vector<512x1024xf32> -> vector<512x1024xf32>
    %add3A = arith.addf %get3A_1, %dot_general3A_8 : vector<512x1024xf32>
    %swap3A = arith.constant 0 : index
    %swap3A_9 = arith.constant 0 : index
    %swap3A_10 = vector.load %arg6[%swap3A, %swap3A_9] : memref<512x1024xf32, #tpu.memory_space<vmem>>, vector<512x1024xf32>
    tpu.vector_store %arg6[%swap3A, %swap3A_9], %add3A {strides = array<i32>} : memref<512x1024xf32, #tpu.memory_space<vmem>>, vector<512x1024xf32>,
    %mul3A = arith.mulf %add3A, %add3A : vector<512x1024xf32>
    %reduce_sum3A = arith.constant dense<0.000000e+00> : vector<512xf32>
    %reduce_sum3A_11 = vector.multi_reduction <add>, %mul3A, %reduce_sum3A [1] : vector<512x1024xf32> to vector<512xf32>
    %broadcast_in_dim3A = vector.shape_cast %reduce_sum3A_11 : vector<512xf32> to vector<512x1xf32>
    %div3A = arith.constant 1.024000e+03 : f32
    %div3A_12 = vector.broadcast %div3A : f32 to vector<512x1xf32>
    %div3A_13 = arith.divf %broadcast_in_dim3A, %div3A_12 : vector<512x1xf32>
    %add3A_14 = arith.constant 9.99999997E-7 : f32
    %add3A_15 = vector.broadcast %add3A_14 : f32 to vector<512x1xf32>
    %add3A_16 = arith.addf %div3A_13, %add3A_15 : vector<512x1xf32>
    %rsqrt3A = math.rsqrt %add3A_16 : vector<512x1xf32>
    %mul3A_17 = vector.broadcast %rsqrt3A : vector<512x1xf32> to vector<512x1024xf32>
    %mul3A_18 = arith.mulf %add3A, %mul3A_17 : vector<512x1024xf32>
    %get3A_19 = arith.constant 0 : index
    %get3A_20 = arith.constant 0 : index
    %get3A_21 = vector.load %arg4[%get3A_19, %get3A_20] : memref<1x1024xf32, #tpu.memory_space<vmem>>, vector<1x1024xf32>
    %mul3A_22 = vector.broadcast %get3A_21 : vector<1x1024xf32> to vector<512x1024xf32>
    %mul3A_23 = arith.mulf %mul3A_18, %mul3A_22 : vector<512x1024xf32>
    %swap3A_24 = arith.constant 0 : index
    %swap3A_25 = arith.constant 0 : index
    %swap3A_26 = vector.load %arg7[%swap3A_24, %swap3A_25] : memref<512x1024xf32, #tpu.memory_space<vmem>>, vector<512x1024xf32>
    tpu.vector_store %arg7[%swap3A_24, %swap3A_25], %mul3A_23 {strides = array<i32>} : memref<512x1024xf32, #tpu.memory_space<vmem>>, vector<512x1024xf32>,
    %get3A_27 = arith.constant 0 : index
    %get3A_28 = arith.constant 0 : index
    %get3A_29 = vector.load %arg5[%get3A_27, %get3A_28] : memref<128x1024xf32, #tpu.memory_space<vmem>>, vector<128x1024xf32>
    %dot_general3A_30 = arith.constant dense<0.000000e+00> : vector<512x128xf32>
    %dot_general3A_31 = tpu.matmul %mul3A_23, %get3A_29, %dot_general3A_30 {dimension_numbers = #tpu.dot_dimension_numbers<[1], [1], [0], [0], [0, 0, 1, 0], [], []>, transpose_lhs_hint = false} : vector<512x1024xf32>, vector<128x1024xf32>, vector<512x128xf32> -> vector<512x128xf32>
    %swap3A_32 = arith.constant 0 : index
    %swap3A_33 = arith.constant 0 : index
    %swap3A_34 = vector.load %arg8[%swap3A_32, %swap3A_33] : memref<512x128xf32, #tpu.memory_space<vmem>>, vector<512x128xf32>
    tpu.vector_store %arg8[%swap3A_32, %swap3A_33], %dot_general3A_31 {strides = array<i32>} : memref<512x128xf32, #tpu.memory_space<vmem>>, vector<512x128xf32>,
    return
  }
  func.func @transform_0(%arg0: i32) -> (i32, i32) {
    %c0_i32 = arith.constant 0 : i32
    %c0_i32_0 = arith.constant 0 : i32
    return %arg0, %c0_i32 : i32, i32
  }
  func.func @transform_1(%arg0: i32) -> (i32, i32) {
    %c0_i32 = arith.constant 0 : i32
    %c0_i32_0 = arith.constant 0 : i32
    return %arg0, %c0_i32 : i32, i32
  }
  func.func @transform_2(%arg0: i32) -> (i32, i32) {
    %c0_i32 = arith.constant 0 : i32
    %c0_i32_0 = arith.constant 0 : i32
    %c0_i32_1 = arith.constant 0 : i32
    return %c0_i32, %c0_i32_0 : i32, i32
  }
  func.func @transform_3(%arg0: i32) -> (i32, i32) {
    %c0_i32 = arith.constant 0 : i32
    %c0_i32_0 = arith.constant 0 : i32
    %c0_i32_1 = arith.constant 0 : i32
    return %c0_i32, %c0_i32_0 : i32, i32
  }
  func.func @transform_4(%arg0: i32) -> (i32, i32) {
    %c0_i32 = arith.constant 0 : i32
    %c0_i32_0 = arith.constant 0 : i32
    %c0_i32_1 = arith.constant 0 : i32
    return %c0_i32, %c0_i32_0 : i32, i32
  }
  func.func @transform_5(%arg0: i32) -> (i32, i32) {
    %c0_i32 = arith.constant 0 : i32
    %c0_i32_0 = arith.constant 0 : i32
    return %arg0, %c0_i32 : i32, i32
  }
  func.func @transform_6(%arg0: i32) -> (i32, i32) {
    %c0_i32 = arith.constant 0 : i32
    %c0_i32_0 = arith.constant 0 : i32
    return %arg0, %c0_i32 : i32, i32
  }
  func.func @transform_7(%arg0: i32) -> (i32, i32) {
    %c0_i32 = arith.constant 0 : i32
    %c0_i32_0 = arith.constant 0 : i32
    return %arg0, %c0_i32 : i32, i32
  }
}

module attributes {stable_mosaic.version = 14 : i64} {
  func.func @_route_body(%arg0: memref<2048x128xf32, #tpu.memory_space<vmem>>, %arg1: memref<2048x1xf32, #tpu.memory_space<vmem>>, %arg2: memref<2048x1xf32, #tpu.memory_space<vmem>>, %arg3: memref<2048x1xi32, #tpu.memory_space<vmem>>, %arg4: memref<2048x1xi32, #tpu.memory_space<vmem>>, %arg5: memref<2048x1xi32, #tpu.memory_space<vmem>>, %arg6: memref<2048x1xi32, #tpu.memory_space<vmem>>, %arg7: memref<32x1xi32, #tpu.memory_space<vmem>>, %arg8: memref<32x1xi32, #tpu.memory_space<vmem>>) attributes {dimension_semantics = [], scalar_prefetch = 0 : i64, scratch_operands = 0 : i64, tpu.core_type = #tpu.core_type<tc>} {
    %iota3A = tpu.iota {dimensions = array<i32: 1>} : vector<2048x128xi32>
    %lt3A = arith.constant 8 : i32
    %lt3A_0 = vector.broadcast %lt3A : i32 to vector<2048x128xi32>
    %lt3A_1 = arith.cmpi slt, %iota3A, %lt3A_0 : vector<2048x128xi32>
    %get3A = arith.constant 0 : index
    %get3A_2 = arith.constant 0 : index
    %get3A_3 = vector.load %arg0[%get3A, %get3A_2] : memref<2048x128xf32, #tpu.memory_space<vmem>>, vector<2048x128xf32>
    %jit3A = arith.constant -1.000000e+30 : f32
    %broadcast_in_dim3A = vector.broadcast %jit3A : f32 to vector<2048x128xf32>
    %select_n3A = arith.select %lt3A_1, %get3A_3, %broadcast_in_dim3A : vector<2048x128xi1>, vector<2048x128xf32>
    %reduce_max3A = arith.constant dense<0xFF800000> : vector<2048xf32>
    %reduce_max3A_4 = vector.multi_reduction <maximumf>, %select_n3A, %reduce_max3A [1] : vector<2048x128xf32> to vector<2048xf32>
    %broadcast_in_dim3A_5 = vector.shape_cast %reduce_max3A_4 : vector<2048xf32> to vector<2048x1xf32>
    %eq3A = vector.broadcast %broadcast_in_dim3A_5 : vector<2048x1xf32> to vector<2048x128xf32>
    %eq3A_6 = arith.cmpf oeq, %select_n3A, %eq3A : vector<2048x128xf32>
    %jit3A_7 = arith.constant 9999 : i32
    %broadcast_in_dim3A_8 = vector.broadcast %jit3A_7 : i32 to vector<2048x128xi32>
    %select_n3A_9 = arith.select %eq3A_6, %iota3A, %broadcast_in_dim3A_8 : vector<2048x128xi1>, vector<2048x128xi32>
    %reduce_min3A = arith.constant dense<2147483647> : vector<2048xi32>
    %reduce_min3A_10 = vector.multi_reduction <minsi>, %select_n3A_9, %reduce_min3A [1] : vector<2048x128xi32> to vector<2048xi32>
    %broadcast_in_dim3A_11 = vector.shape_cast %reduce_min3A_10 : vector<2048xi32> to vector<2048x1xi32>
    %eq3A_12 = vector.broadcast %broadcast_in_dim3A_11 : vector<2048x1xi32> to vector<2048x128xi32>
    %eq3A_13 = arith.cmpi eq, %iota3A, %eq3A_12 : vector<2048x128xi32>
    %jit3A_14 = arith.constant -1.000000e+30 : f32
    %broadcast_in_dim3A_15 = vector.broadcast %jit3A_14 : f32 to vector<2048x128xf32>
    %select_n3A_16 = arith.select %eq3A_13, %broadcast_in_dim3A_15, %select_n3A : vector<2048x128xi1>, vector<2048x128xf32>
    %reduce_max3A_17 = arith.constant dense<0xFF800000> : vector<2048xf32>
    %reduce_max3A_18 = vector.multi_reduction <maximumf>, %select_n3A_16, %reduce_max3A_17 [1] : vector<2048x128xf32> to vector<2048xf32>
    %broadcast_in_dim3A_19 = vector.shape_cast %reduce_max3A_18 : vector<2048xf32> to vector<2048x1xf32>
    %eq3A_20 = vector.broadcast %broadcast_in_dim3A_19 : vector<2048x1xf32> to vector<2048x128xf32>
    %eq3A_21 = arith.cmpf oeq, %select_n3A_16, %eq3A_20 : vector<2048x128xf32>
    %jit3A_22 = arith.constant 9999 : i32
    %broadcast_in_dim3A_23 = vector.broadcast %jit3A_22 : i32 to vector<2048x128xi32>
    %select_n3A_24 = arith.select %eq3A_21, %iota3A, %broadcast_in_dim3A_23 : vector<2048x128xi1>, vector<2048x128xi32>
    %reduce_min3A_25 = arith.constant dense<2147483647> : vector<2048xi32>
    %reduce_min3A_26 = vector.multi_reduction <minsi>, %select_n3A_24, %reduce_min3A_25 [1] : vector<2048x128xi32> to vector<2048xi32>
    %broadcast_in_dim3A_27 = vector.shape_cast %reduce_min3A_26 : vector<2048xi32> to vector<2048x1xi32>
    %eq3A_28 = vector.broadcast %broadcast_in_dim3A_27 : vector<2048x1xi32> to vector<2048x128xi32>
    %eq3A_29 = arith.cmpi eq, %iota3A, %eq3A_28 : vector<2048x128xi32>
    %sub3A = arith.subf %broadcast_in_dim3A_5, %broadcast_in_dim3A_19 : vector<2048x1xf32>
    %logistic3A = arith.negf %sub3A : vector<2048x1xf32>
    %logistic3A_30 = math.exp %logistic3A : vector<2048x1xf32>
    %logistic3A_31 = arith.constant 1.000000e+00 : f32
    %logistic3A_32 = vector.broadcast %logistic3A_31 : f32 to vector<2048x1xf32>
    %logistic3A_33 = arith.addf %logistic3A_32, %logistic3A_30 : vector<2048x1xf32>
    %logistic3A_34 = arith.divf %logistic3A_32, %logistic3A_33 : vector<2048x1xf32>
    %swap3A = arith.constant 0 : index
    %swap3A_35 = arith.constant 0 : index
    %swap3A_36 = vector.load %arg1[%swap3A, %swap3A_35] : memref<2048x1xf32, #tpu.memory_space<vmem>>, vector<2048x1xf32>
    tpu.vector_store %arg1[%swap3A, %swap3A_35], %logistic3A_34 {strides = array<i32>} : memref<2048x1xf32, #tpu.memory_space<vmem>>, vector<2048x1xf32>,
    %sub3A_37 = arith.subf %broadcast_in_dim3A_19, %broadcast_in_dim3A_5 : vector<2048x1xf32>
    %logistic3A_38 = arith.negf %sub3A_37 : vector<2048x1xf32>
    %logistic3A_39 = math.exp %logistic3A_38 : vector<2048x1xf32>
    %logistic3A_40 = arith.constant 1.000000e+00 : f32
    %logistic3A_41 = vector.broadcast %logistic3A_40 : f32 to vector<2048x1xf32>
    %logistic3A_42 = arith.addf %logistic3A_41, %logistic3A_39 : vector<2048x1xf32>
    %logistic3A_43 = arith.divf %logistic3A_41, %logistic3A_42 : vector<2048x1xf32>
    %swap3A_44 = arith.constant 0 : index
    %swap3A_45 = arith.constant 0 : index
    %swap3A_46 = vector.load %arg2[%swap3A_44, %swap3A_45] : memref<2048x1xf32, #tpu.memory_space<vmem>>, vector<2048x1xf32>
    tpu.vector_store %arg2[%swap3A_44, %swap3A_45], %logistic3A_43 {strides = array<i32>} : memref<2048x1xf32, #tpu.memory_space<vmem>>, vector<2048x1xf32>,
    %swap3A_47 = arith.constant 0 : index
    %swap3A_48 = arith.constant 0 : index
    %swap3A_49 = vector.load %arg3[%swap3A_47, %swap3A_48] : memref<2048x1xi32, #tpu.memory_space<vmem>>, vector<2048x1xi32>
    tpu.vector_store %arg3[%swap3A_47, %swap3A_48], %broadcast_in_dim3A_11 {strides = array<i32>} : memref<2048x1xi32, #tpu.memory_space<vmem>>, vector<2048x1xi32>,
    %swap3A_50 = arith.constant 0 : index
    %swap3A_51 = arith.constant 0 : index
    %swap3A_52 = vector.load %arg4[%swap3A_50, %swap3A_51] : memref<2048x1xi32, #tpu.memory_space<vmem>>, vector<2048x1xi32>
    tpu.vector_store %arg4[%swap3A_50, %swap3A_51], %broadcast_in_dim3A_27 {strides = array<i32>} : memref<2048x1xi32, #tpu.memory_space<vmem>>, vector<2048x1xi32>,
    %convert_element_type3A = arith.extui %eq3A_13 : vector<2048x128xi1> to vector<2048x128xi32>
    %convert_element_type3A_53 = arith.sitofp %convert_element_type3A : vector<2048x128xi32> to vector<2048x128xf32>
    %convert_element_type3A_54 = arith.extui %eq3A_29 : vector<2048x128xi1> to vector<2048x128xi32>
    %convert_element_type3A_55 = arith.sitofp %convert_element_type3A_54 : vector<2048x128xi32> to vector<2048x128xf32>
    %broadcast_in_dim3A_56 = arith.constant 0.000000e+00 : f32
    %broadcast_in_dim3A_57 = vector.broadcast %broadcast_in_dim3A_56 : f32 to vector<1x128xf32>
    %slice3A = vector.extract_strided_slice %convert_element_type3A_53 {offsets = [0, 0], sizes = [2047, 128], strides = [1, 1]} : vector<2048x128xf32> to vector<2047x128xf32>
    %concatenate3A = tpu.concatenate %broadcast_in_dim3A_57, %slice3A in 0 : vector<1x128xf32>, vector<2047x128xf32> -> vector<2048x128xf32>
    %add3A = arith.addf %convert_element_type3A_53, %concatenate3A : vector<2048x128xf32>
    %broadcast_in_dim3A_58 = arith.constant 0.000000e+00 : f32
    %broadcast_in_dim3A_59 = vector.broadcast %broadcast_in_dim3A_58 : f32 to vector<2x128xf32>
    %slice3A_60 = vector.extract_strided_slice %add3A {offsets = [0, 0], sizes = [2046, 128], strides = [1, 1]} : vector<2048x128xf32> to vector<2046x128xf32>
    %concatenate3A_61 = tpu.concatenate %broadcast_in_dim3A_59, %slice3A_60 in 0 : vector<2x128xf32>, vector<2046x128xf32> -> vector<2048x128xf32>
    %add3A_62 = arith.addf %add3A, %concatenate3A_61 : vector<2048x128xf32>
    %broadcast_in_dim3A_63 = arith.constant 0.000000e+00 : f32
    %broadcast_in_dim3A_64 = vector.broadcast %broadcast_in_dim3A_63 : f32 to vector<4x128xf32>
    %slice3A_65 = vector.extract_strided_slice %add3A_62 {offsets = [0, 0], sizes = [2044, 128], strides = [1, 1]} : vector<2048x128xf32> to vector<2044x128xf32>
    %concatenate3A_66 = tpu.concatenate %broadcast_in_dim3A_64, %slice3A_65 in 0 : vector<4x128xf32>, vector<2044x128xf32> -> vector<2048x128xf32>
    %add3A_67 = arith.addf %add3A_62, %concatenate3A_66 : vector<2048x128xf32>
    %broadcast_in_dim3A_68 = arith.constant 0.000000e+00 : f32
    %broadcast_in_dim3A_69 = vector.broadcast %broadcast_in_dim3A_68 : f32 to vector<8x128xf32>
    %slice3A_70 = vector.extract_strided_slice %add3A_67 {offsets = [0, 0], sizes = [2040, 128], strides = [1, 1]} : vector<2048x128xf32> to vector<2040x128xf32>
    %concatenate3A_71 = tpu.concatenate %broadcast_in_dim3A_69, %slice3A_70 in 0 : vector<8x128xf32>, vector<2040x128xf32> -> vector<2048x128xf32>
    %add3A_72 = arith.addf %add3A_67, %concatenate3A_71 : vector<2048x128xf32>
    %broadcast_in_dim3A_73 = arith.constant 0.000000e+00 : f32
    %broadcast_in_dim3A_74 = vector.broadcast %broadcast_in_dim3A_73 : f32 to vector<16x128xf32>
    %slice3A_75 = vector.extract_strided_slice %add3A_72 {offsets = [0, 0], sizes = [2032, 128], strides = [1, 1]} : vector<2048x128xf32> to vector<2032x128xf32>
    %concatenate3A_76 = tpu.concatenate %broadcast_in_dim3A_74, %slice3A_75 in 0 : vector<16x128xf32>, vector<2032x128xf32> -> vector<2048x128xf32>
    %add3A_77 = arith.addf %add3A_72, %concatenate3A_76 : vector<2048x128xf32>
    %broadcast_in_dim3A_78 = arith.constant 0.000000e+00 : f32
    %broadcast_in_dim3A_79 = vector.broadcast %broadcast_in_dim3A_78 : f32 to vector<32x128xf32>
    %slice3A_80 = vector.extract_strided_slice %add3A_77 {offsets = [0, 0], sizes = [2016, 128], strides = [1, 1]} : vector<2048x128xf32> to vector<2016x128xf32>
    %concatenate3A_81 = tpu.concatenate %broadcast_in_dim3A_79, %slice3A_80 in 0 : vector<32x128xf32>, vector<2016x128xf32> -> vector<2048x128xf32>
    %add3A_82 = arith.addf %add3A_77, %concatenate3A_81 : vector<2048x128xf32>
    %broadcast_in_dim3A_83 = arith.constant 0.000000e+00 : f32
    %broadcast_in_dim3A_84 = vector.broadcast %broadcast_in_dim3A_83 : f32 to vector<64x128xf32>
    %slice3A_85 = vector.extract_strided_slice %add3A_82 {offsets = [0, 0], sizes = [1984, 128], strides = [1, 1]} : vector<2048x128xf32> to vector<1984x128xf32>
    %concatenate3A_86 = tpu.concatenate %broadcast_in_dim3A_84, %slice3A_85 in 0 : vector<64x128xf32>, vector<1984x128xf32> -> vector<2048x128xf32>
    %add3A_87 = arith.addf %add3A_82, %concatenate3A_86 : vector<2048x128xf32>
    %broadcast_in_dim3A_88 = arith.constant 0.000000e+00 : f32
    %broadcast_in_dim3A_89 = vector.broadcast %broadcast_in_dim3A_88 : f32 to vector<128x128xf32>
    %slice3A_90 = vector.extract_strided_slice %add3A_87 {offsets = [0, 0], sizes = [1920, 128], strides = [1, 1]} : vector<2048x128xf32> to vector<1920x128xf32>
    %concatenate3A_91 = tpu.concatenate %broadcast_in_dim3A_89, %slice3A_90 in 0 : vector<128x128xf32>, vector<1920x128xf32> -> vector<2048x128xf32>
    %add3A_92 = arith.addf %add3A_87, %concatenate3A_91 : vector<2048x128xf32>
    %broadcast_in_dim3A_93 = arith.constant 0.000000e+00 : f32
    %broadcast_in_dim3A_94 = vector.broadcast %broadcast_in_dim3A_93 : f32 to vector<256x128xf32>
    %slice3A_95 = vector.extract_strided_slice %add3A_92 {offsets = [0, 0], sizes = [1792, 128], strides = [1, 1]} : vector<2048x128xf32> to vector<1792x128xf32>
    %concatenate3A_96 = tpu.concatenate %broadcast_in_dim3A_94, %slice3A_95 in 0 : vector<256x128xf32>, vector<1792x128xf32> -> vector<2048x128xf32>
    %add3A_97 = arith.addf %add3A_92, %concatenate3A_96 : vector<2048x128xf32>
    %broadcast_in_dim3A_98 = arith.constant 0.000000e+00 : f32
    %broadcast_in_dim3A_99 = vector.broadcast %broadcast_in_dim3A_98 : f32 to vector<512x128xf32>
    %slice3A_100 = vector.extract_strided_slice %add3A_97 {offsets = [0, 0], sizes = [1536, 128], strides = [1, 1]} : vector<2048x128xf32> to vector<1536x128xf32>
    %concatenate3A_101 = tpu.concatenate %broadcast_in_dim3A_99, %slice3A_100 in 0 : vector<512x128xf32>, vector<1536x128xf32> -> vector<2048x128xf32>
    %add3A_102 = arith.addf %add3A_97, %concatenate3A_101 : vector<2048x128xf32>
    %broadcast_in_dim3A_103 = arith.constant 0.000000e+00 : f32
    %broadcast_in_dim3A_104 = vector.broadcast %broadcast_in_dim3A_103 : f32 to vector<1024x128xf32>
    %slice3A_105 = vector.extract_strided_slice %add3A_102 {offsets = [0, 0], sizes = [1024, 128], strides = [1, 1]} : vector<2048x128xf32> to vector<1024x128xf32>
    %concatenate3A_106 = tpu.concatenate %broadcast_in_dim3A_104, %slice3A_105 in 0 : vector<1024x128xf32>, vector<1024x128xf32> -> vector<2048x128xf32>
    %add3A_107 = arith.addf %add3A_102, %concatenate3A_106 : vector<2048x128xf32>
    %broadcast_in_dim3A_108 = arith.constant 0.000000e+00 : f32
    %broadcast_in_dim3A_109 = vector.broadcast %broadcast_in_dim3A_108 : f32 to vector<1x128xf32>
    %slice3A_110 = vector.extract_strided_slice %convert_element_type3A_55 {offsets = [0, 0], sizes = [2047, 128], strides = [1, 1]} : vector<2048x128xf32> to vector<2047x128xf32>
    %concatenate3A_111 = tpu.concatenate %broadcast_in_dim3A_109, %slice3A_110 in 0 : vector<1x128xf32>, vector<2047x128xf32> -> vector<2048x128xf32>
    %add3A_112 = arith.addf %convert_element_type3A_55, %concatenate3A_111 : vector<2048x128xf32>
    %broadcast_in_dim3A_113 = arith.constant 0.000000e+00 : f32
    %broadcast_in_dim3A_114 = vector.broadcast %broadcast_in_dim3A_113 : f32 to vector<2x128xf32>
    %slice3A_115 = vector.extract_strided_slice %add3A_112 {offsets = [0, 0], sizes = [2046, 128], strides = [1, 1]} : vector<2048x128xf32> to vector<2046x128xf32>
    %concatenate3A_116 = tpu.concatenate %broadcast_in_dim3A_114, %slice3A_115 in 0 : vector<2x128xf32>, vector<2046x128xf32> -> vector<2048x128xf32>
    %add3A_117 = arith.addf %add3A_112, %concatenate3A_116 : vector<2048x128xf32>
    %broadcast_in_dim3A_118 = arith.constant 0.000000e+00 : f32
    %broadcast_in_dim3A_119 = vector.broadcast %broadcast_in_dim3A_118 : f32 to vector<4x128xf32>
    %slice3A_120 = vector.extract_strided_slice %add3A_117 {offsets = [0, 0], sizes = [2044, 128], strides = [1, 1]} : vector<2048x128xf32> to vector<2044x128xf32>
    %concatenate3A_121 = tpu.concatenate %broadcast_in_dim3A_119, %slice3A_120 in 0 : vector<4x128xf32>, vector<2044x128xf32> -> vector<2048x128xf32>
    %add3A_122 = arith.addf %add3A_117, %concatenate3A_121 : vector<2048x128xf32>
    %broadcast_in_dim3A_123 = arith.constant 0.000000e+00 : f32
    %broadcast_in_dim3A_124 = vector.broadcast %broadcast_in_dim3A_123 : f32 to vector<8x128xf32>
    %slice3A_125 = vector.extract_strided_slice %add3A_122 {offsets = [0, 0], sizes = [2040, 128], strides = [1, 1]} : vector<2048x128xf32> to vector<2040x128xf32>
    %concatenate3A_126 = tpu.concatenate %broadcast_in_dim3A_124, %slice3A_125 in 0 : vector<8x128xf32>, vector<2040x128xf32> -> vector<2048x128xf32>
    %add3A_127 = arith.addf %add3A_122, %concatenate3A_126 : vector<2048x128xf32>
    %broadcast_in_dim3A_128 = arith.constant 0.000000e+00 : f32
    %broadcast_in_dim3A_129 = vector.broadcast %broadcast_in_dim3A_128 : f32 to vector<16x128xf32>
    %slice3A_130 = vector.extract_strided_slice %add3A_127 {offsets = [0, 0], sizes = [2032, 128], strides = [1, 1]} : vector<2048x128xf32> to vector<2032x128xf32>
    %concatenate3A_131 = tpu.concatenate %broadcast_in_dim3A_129, %slice3A_130 in 0 : vector<16x128xf32>, vector<2032x128xf32> -> vector<2048x128xf32>
    %add3A_132 = arith.addf %add3A_127, %concatenate3A_131 : vector<2048x128xf32>
    %broadcast_in_dim3A_133 = arith.constant 0.000000e+00 : f32
    %broadcast_in_dim3A_134 = vector.broadcast %broadcast_in_dim3A_133 : f32 to vector<32x128xf32>
    %slice3A_135 = vector.extract_strided_slice %add3A_132 {offsets = [0, 0], sizes = [2016, 128], strides = [1, 1]} : vector<2048x128xf32> to vector<2016x128xf32>
    %concatenate3A_136 = tpu.concatenate %broadcast_in_dim3A_134, %slice3A_135 in 0 : vector<32x128xf32>, vector<2016x128xf32> -> vector<2048x128xf32>
    %add3A_137 = arith.addf %add3A_132, %concatenate3A_136 : vector<2048x128xf32>
    %broadcast_in_dim3A_138 = arith.constant 0.000000e+00 : f32
    %broadcast_in_dim3A_139 = vector.broadcast %broadcast_in_dim3A_138 : f32 to vector<64x128xf32>
    %slice3A_140 = vector.extract_strided_slice %add3A_137 {offsets = [0, 0], sizes = [1984, 128], strides = [1, 1]} : vector<2048x128xf32> to vector<1984x128xf32>
    %concatenate3A_141 = tpu.concatenate %broadcast_in_dim3A_139, %slice3A_140 in 0 : vector<64x128xf32>, vector<1984x128xf32> -> vector<2048x128xf32>
    %add3A_142 = arith.addf %add3A_137, %concatenate3A_141 : vector<2048x128xf32>
    %broadcast_in_dim3A_143 = arith.constant 0.000000e+00 : f32
    %broadcast_in_dim3A_144 = vector.broadcast %broadcast_in_dim3A_143 : f32 to vector<128x128xf32>
    %slice3A_145 = vector.extract_strided_slice %add3A_142 {offsets = [0, 0], sizes = [1920, 128], strides = [1, 1]} : vector<2048x128xf32> to vector<1920x128xf32>
    %concatenate3A_146 = tpu.concatenate %broadcast_in_dim3A_144, %slice3A_145 in 0 : vector<128x128xf32>, vector<1920x128xf32> -> vector<2048x128xf32>
    %add3A_147 = arith.addf %add3A_142, %concatenate3A_146 : vector<2048x128xf32>
    %broadcast_in_dim3A_148 = arith.constant 0.000000e+00 : f32
    %broadcast_in_dim3A_149 = vector.broadcast %broadcast_in_dim3A_148 : f32 to vector<256x128xf32>
    %slice3A_150 = vector.extract_strided_slice %add3A_147 {offsets = [0, 0], sizes = [1792, 128], strides = [1, 1]} : vector<2048x128xf32> to vector<1792x128xf32>
    %concatenate3A_151 = tpu.concatenate %broadcast_in_dim3A_149, %slice3A_150 in 0 : vector<256x128xf32>, vector<1792x128xf32> -> vector<2048x128xf32>
    %add3A_152 = arith.addf %add3A_147, %concatenate3A_151 : vector<2048x128xf32>
    %broadcast_in_dim3A_153 = arith.constant 0.000000e+00 : f32
    %broadcast_in_dim3A_154 = vector.broadcast %broadcast_in_dim3A_153 : f32 to vector<512x128xf32>
    %slice3A_155 = vector.extract_strided_slice %add3A_152 {offsets = [0, 0], sizes = [1536, 128], strides = [1, 1]} : vector<2048x128xf32> to vector<1536x128xf32>
    %concatenate3A_156 = tpu.concatenate %broadcast_in_dim3A_154, %slice3A_155 in 0 : vector<512x128xf32>, vector<1536x128xf32> -> vector<2048x128xf32>
    %add3A_157 = arith.addf %add3A_152, %concatenate3A_156 : vector<2048x128xf32>
    %broadcast_in_dim3A_158 = arith.constant 0.000000e+00 : f32
    %broadcast_in_dim3A_159 = vector.broadcast %broadcast_in_dim3A_158 : f32 to vector<1024x128xf32>
    %slice3A_160 = vector.extract_strided_slice %add3A_157 {offsets = [0, 0], sizes = [1024, 128], strides = [1, 1]} : vector<2048x128xf32> to vector<1024x128xf32>
    %concatenate3A_161 = tpu.concatenate %broadcast_in_dim3A_159, %slice3A_160 in 0 : vector<1024x128xf32>, vector<1024x128xf32> -> vector<2048x128xf32>
    %add3A_162 = arith.addf %add3A_157, %concatenate3A_161 : vector<2048x128xf32>
    %reduce_sum3A = arith.constant dense<0.000000e+00> : vector<128xf32>
    %reduce_sum3A_163 = vector.multi_reduction <add>, %convert_element_type3A_53, %reduce_sum3A [0] : vector<2048x128xf32> to vector<128xf32>
    %broadcast_in_dim3A_164 = vector.shape_cast %reduce_sum3A_163 : vector<128xf32> to vector<1x128xf32>
    %reduce_sum3A_165 = arith.constant dense<0.000000e+00> : vector<128xf32>
    %reduce_sum3A_166 = vector.multi_reduction <add>, %convert_element_type3A_55, %reduce_sum3A_165 [0] : vector<2048x128xf32> to vector<128xf32>
    %broadcast_in_dim3A_167 = vector.shape_cast %reduce_sum3A_166 : vector<128xf32> to vector<1x128xf32>
    %add3A_168 = arith.addf %broadcast_in_dim3A_164, %broadcast_in_dim3A_167 : vector<1x128xf32>
    %div3A = arith.constant 5.120000e+02 : f32
    %div3A_169 = vector.broadcast %div3A : f32 to vector<1x128xf32>
    %div3A_170 = arith.divf %add3A_168, %div3A_169 : vector<1x128xf32>
    %ceil3A = math.ceil %div3A_170 : vector<1x128xf32>
    %mul3A = arith.constant 5.120000e+02 : f32
    %mul3A_171 = vector.broadcast %mul3A : f32 to vector<1x128xf32>
    %mul3A_172 = arith.mulf %ceil3A, %mul3A_171 : vector<1x128xf32>
    %broadcast_in_dim3A_173 = arith.constant 0.000000e+00 : f32
    %broadcast_in_dim3A_174 = vector.broadcast %broadcast_in_dim3A_173 : f32 to vector<1x1xf32>
    %slice3A_175 = vector.extract_strided_slice %mul3A_172 {offsets = [0, 0], sizes = [1, 127], strides = [1, 1]} : vector<1x128xf32> to vector<1x127xf32>
    %concatenate3A_176 = tpu.concatenate %broadcast_in_dim3A_174, %slice3A_175 in 1 : vector<1x1xf32>, vector<1x127xf32> -> vector<1x128xf32>
    %add3A_177 = arith.addf %mul3A_172, %concatenate3A_176 : vector<1x128xf32>
    %broadcast_in_dim3A_178 = arith.constant 0.000000e+00 : f32
    %broadcast_in_dim3A_179 = vector.broadcast %broadcast_in_dim3A_178 : f32 to vector<1x2xf32>
    %slice3A_180 = vector.extract_strided_slice %add3A_177 {offsets = [0, 0], sizes = [1, 126], strides = [1, 1]} : vector<1x128xf32> to vector<1x126xf32>
    %concatenate3A_181 = tpu.concatenate %broadcast_in_dim3A_179, %slice3A_180 in 1 : vector<1x2xf32>, vector<1x126xf32> -> vector<1x128xf32>
    %add3A_182 = arith.addf %add3A_177, %concatenate3A_181 : vector<1x128xf32>
    %broadcast_in_dim3A_183 = arith.constant 0.000000e+00 : f32
    %broadcast_in_dim3A_184 = vector.broadcast %broadcast_in_dim3A_183 : f32 to vector<1x4xf32>
    %slice3A_185 = vector.extract_strided_slice %add3A_182 {offsets = [0, 0], sizes = [1, 124], strides = [1, 1]} : vector<1x128xf32> to vector<1x124xf32>
    %concatenate3A_186 = tpu.concatenate %broadcast_in_dim3A_184, %slice3A_185 in 1 : vector<1x4xf32>, vector<1x124xf32> -> vector<1x128xf32>
    %add3A_187 = arith.addf %add3A_182, %concatenate3A_186 : vector<1x128xf32>
    %broadcast_in_dim3A_188 = arith.constant 0.000000e+00 : f32
    %broadcast_in_dim3A_189 = vector.broadcast %broadcast_in_dim3A_188 : f32 to vector<1x8xf32>
    %slice3A_190 = vector.extract_strided_slice %add3A_187 {offsets = [0, 0], sizes = [1, 120], strides = [1, 1]} : vector<1x128xf32> to vector<1x120xf32>
    %concatenate3A_191 = tpu.concatenate %broadcast_in_dim3A_189, %slice3A_190 in 1 : vector<1x8xf32>, vector<1x120xf32> -> vector<1x128xf32>
    %add3A_192 = arith.addf %add3A_187, %concatenate3A_191 : vector<1x128xf32>
    %broadcast_in_dim3A_193 = arith.constant 0.000000e+00 : f32
    %broadcast_in_dim3A_194 = vector.broadcast %broadcast_in_dim3A_193 : f32 to vector<1x16xf32>
    %slice3A_195 = vector.extract_strided_slice %add3A_192 {offsets = [0, 0], sizes = [1, 112], strides = [1, 1]} : vector<1x128xf32> to vector<1x112xf32>
    %concatenate3A_196 = tpu.concatenate %broadcast_in_dim3A_194, %slice3A_195 in 1 : vector<1x16xf32>, vector<1x112xf32> -> vector<1x128xf32>
    %add3A_197 = arith.addf %add3A_192, %concatenate3A_196 : vector<1x128xf32>
    %broadcast_in_dim3A_198 = arith.constant 0.000000e+00 : f32
    %broadcast_in_dim3A_199 = vector.broadcast %broadcast_in_dim3A_198 : f32 to vector<1x32xf32>
    %slice3A_200 = vector.extract_strided_slice %add3A_197 {offsets = [0, 0], sizes = [1, 96], strides = [1, 1]} : vector<1x128xf32> to vector<1x96xf32>
    %concatenate3A_201 = tpu.concatenate %broadcast_in_dim3A_199, %slice3A_200 in 1 : vector<1x32xf32>, vector<1x96xf32> -> vector<1x128xf32>
    %add3A_202 = arith.addf %add3A_197, %concatenate3A_201 : vector<1x128xf32>
    %broadcast_in_dim3A_203 = arith.constant 0.000000e+00 : f32
    %broadcast_in_dim3A_204 = vector.broadcast %broadcast_in_dim3A_203 : f32 to vector<1x64xf32>
    %slice3A_205 = vector.extract_strided_slice %add3A_202 {offsets = [0, 0], sizes = [1, 64], strides = [1, 1]} : vector<1x128xf32> to vector<1x64xf32>
    %concatenate3A_206 = tpu.concatenate %broadcast_in_dim3A_204, %slice3A_205 in 1 : vector<1x64xf32>, vector<1x64xf32> -> vector<1x128xf32>
    %add3A_207 = arith.addf %add3A_202, %concatenate3A_206 : vector<1x128xf32>
    %sub3A_208 = arith.subf %add3A_207, %mul3A_172 : vector<1x128xf32>
    %sub3A_209 = arith.subf %add3A_107, %convert_element_type3A_53 : vector<2048x128xf32>
    %mul3A_210 = arith.mulf %sub3A_209, %convert_element_type3A_53 : vector<2048x128xf32>
    %reduce_sum3A_211 = arith.constant dense<0.000000e+00> : vector<2048xf32>
    %reduce_sum3A_212 = vector.multi_reduction <add>, %mul3A_210, %reduce_sum3A_211 [1] : vector<2048x128xf32> to vector<2048xf32>
    %broadcast_in_dim3A_213 = vector.shape_cast %reduce_sum3A_212 : vector<2048xf32> to vector<2048x1xf32>
    %add3A_214 = vector.broadcast %broadcast_in_dim3A_164 : vector<1x128xf32> to vector<2048x128xf32>
    %add3A_215 = arith.addf %add3A_214, %add3A_162 : vector<2048x128xf32>
    %sub3A_216 = arith.subf %add3A_215, %convert_element_type3A_55 : vector<2048x128xf32>
    %mul3A_217 = arith.mulf %sub3A_216, %convert_element_type3A_55 : vector<2048x128xf32>
    %reduce_sum3A_218 = arith.constant dense<0.000000e+00> : vector<2048xf32>
    %reduce_sum3A_219 = vector.multi_reduction <add>, %mul3A_217, %reduce_sum3A_218 [1] : vector<2048x128xf32> to vector<2048xf32>
    %broadcast_in_dim3A_220 = vector.shape_cast %reduce_sum3A_219 : vector<2048xf32> to vector<2048x1xf32>
    %mul3A_221 = vector.broadcast %sub3A_208 : vector<1x128xf32> to vector<2048x128xf32>
    %mul3A_222 = arith.mulf %mul3A_221, %convert_element_type3A_53 : vector<2048x128xf32>
    %reduce_sum3A_223 = arith.constant dense<0.000000e+00> : vector<2048xf32>
    %reduce_sum3A_224 = vector.multi_reduction <add>, %mul3A_222, %reduce_sum3A_223 [1] : vector<2048x128xf32> to vector<2048xf32>
    %broadcast_in_dim3A_225 = vector.shape_cast %reduce_sum3A_224 : vector<2048xf32> to vector<2048x1xf32>
    %mul3A_226 = vector.broadcast %sub3A_208 : vector<1x128xf32> to vector<2048x128xf32>
    %mul3A_227 = arith.mulf %mul3A_226, %convert_element_type3A_55 : vector<2048x128xf32>
    %reduce_sum3A_228 = arith.constant dense<0.000000e+00> : vector<2048xf32>
    %reduce_sum3A_229 = vector.multi_reduction <add>, %mul3A_227, %reduce_sum3A_228 [1] : vector<2048x128xf32> to vector<2048xf32>
    %broadcast_in_dim3A_230 = vector.shape_cast %reduce_sum3A_229 : vector<2048xf32> to vector<2048x1xf32>
    %add3A_231 = arith.addf %broadcast_in_dim3A_225, %broadcast_in_dim3A_213 : vector<2048x1xf32>
    %convert_element_type3A_232 = arith.fptosi %add3A_231 : vector<2048x1xf32> to vector<2048x1xi32>
    %swap3A_233 = arith.constant 0 : index
    %swap3A_234 = arith.constant 0 : index
    %swap3A_235 = vector.load %arg5[%swap3A_233, %swap3A_234] : memref<2048x1xi32, #tpu.memory_space<vmem>>, vector<2048x1xi32>
    tpu.vector_store %arg5[%swap3A_233, %swap3A_234], %convert_element_type3A_232 {strides = array<i32>} : memref<2048x1xi32, #tpu.memory_space<vmem>>, vector<2048x1xi32>,
    %add3A_236 = arith.addf %broadcast_in_dim3A_230, %broadcast_in_dim3A_220 : vector<2048x1xf32>
    %convert_element_type3A_237 = arith.fptosi %add3A_236 : vector<2048x1xf32> to vector<2048x1xi32>
    %swap3A_238 = arith.constant 0 : index
    %swap3A_239 = arith.constant 0 : index
    %swap3A_240 = vector.load %arg6[%swap3A_238, %swap3A_239] : memref<2048x1xi32, #tpu.memory_space<vmem>>, vector<2048x1xi32>
    tpu.vector_store %arg6[%swap3A_238, %swap3A_239], %convert_element_type3A_237 {strides = array<i32>} : memref<2048x1xi32, #tpu.memory_space<vmem>>, vector<2048x1xi32>,
    %iota3A_241 = tpu.iota {dimensions = array<i32: 0>} : vector<32x128xi32>
    %convert_element_type3A_242 = arith.sitofp %iota3A_241 : vector<32x128xi32> to vector<32x128xf32>
    %iota3A_243 = tpu.iota {dimensions = array<i32: 1>} : vector<32x128xi32>
    %div3A_244 = arith.constant 5.120000e+02 : f32
    %div3A_245 = vector.broadcast %div3A_244 : f32 to vector<1x128xf32>
    %div3A_246 = arith.divf %sub3A_208, %div3A_245 : vector<1x128xf32>
    %div3A_247 = arith.constant 5.120000e+02 : f32
    %div3A_248 = vector.broadcast %div3A_247 : f32 to vector<1x128xf32>
    %div3A_249 = arith.divf %mul3A_172, %div3A_248 : vector<1x128xf32>
    %add3A_250 = arith.addf %div3A_246, %div3A_249 : vector<1x128xf32>
    %ge3A = vector.broadcast %div3A_246 : vector<1x128xf32> to vector<32x128xf32>
    %ge3A_251 = arith.cmpf oge, %convert_element_type3A_242, %ge3A : vector<32x128xf32>
    %lt3A_252 = vector.broadcast %add3A_250 : vector<1x128xf32> to vector<32x128xf32>
    %lt3A_253 = arith.cmpf olt, %convert_element_type3A_242, %lt3A_252 : vector<32x128xf32>
    %and3A = arith.andi %ge3A_251, %lt3A_253 : vector<32x128xi1>
    %lt3A_254 = arith.constant 8 : i32
    %lt3A_255 = vector.broadcast %lt3A_254 : i32 to vector<32x128xi32>
    %lt3A_256 = arith.cmpi slt, %iota3A_243, %lt3A_255 : vector<32x128xi32>
    %and3A_257 = arith.andi %and3A, %lt3A_256 : vector<32x128xi1>
    %convert_element_type3A_258 = arith.extui %and3A_257 : vector<32x128xi1> to vector<32x128xi32>
    %convert_element_type3A_259 = arith.sitofp %convert_element_type3A_258 : vector<32x128xi32> to vector<32x128xf32>
    %convert_element_type3A_260 = arith.sitofp %iota3A_243 : vector<32x128xi32> to vector<32x128xf32>
    %mul3A_261 = arith.mulf %convert_element_type3A_259, %convert_element_type3A_260 : vector<32x128xf32>
    %reduce_sum3A_262 = arith.constant dense<0.000000e+00> : vector<32xf32>
    %reduce_sum3A_263 = vector.multi_reduction <add>, %mul3A_261, %reduce_sum3A_262 [1] : vector<32x128xf32> to vector<32xf32>
    %broadcast_in_dim3A_264 = vector.shape_cast %reduce_sum3A_263 : vector<32xf32> to vector<32x1xf32>
    %reduce_sum3A_265 = arith.constant dense<0.000000e+00> : vector<32xf32>
    %reduce_sum3A_266 = vector.multi_reduction <add>, %convert_element_type3A_259, %reduce_sum3A_265 [1] : vector<32x128xf32> to vector<32xf32>
    %broadcast_in_dim3A_267 = vector.shape_cast %reduce_sum3A_266 : vector<32xf32> to vector<32x1xf32>
    %iota3A_268 = tpu.iota {dimensions = array<i32: 1>} : vector<1x128xi32>
    %gt3A = arith.constant 0.000000e+00 : f32
    %gt3A_269 = vector.broadcast %gt3A : f32 to vector<1x128xf32>
    %gt3A_270 = arith.cmpf ogt, %add3A_168, %gt3A_269 : vector<1x128xf32>
    %lt3A_271 = arith.constant 8 : i32
    %lt3A_272 = vector.broadcast %lt3A_271 : i32 to vector<1x128xi32>
    %lt3A_273 = arith.cmpi slt, %iota3A_268, %lt3A_272 : vector<1x128xi32>
    %and3A_274 = arith.andi %gt3A_270, %lt3A_273 : vector<1x128xi1>
    %convert_element_type3A_275 = arith.sitofp %iota3A_268 : vector<1x128xi32> to vector<1x128xf32>
    %jit3A_276 = arith.constant -1.000000e+00 : f32
    %broadcast_in_dim3A_277 = vector.broadcast %jit3A_276 : f32 to vector<1x128xf32>
    %select_n3A_278 = arith.select %and3A_274, %convert_element_type3A_275, %broadcast_in_dim3A_277 : vector<1x128xi1>, vector<1x128xf32>
    %reduce_max3A_279 = arith.constant dense<0xFF800000> : vector<1xf32>
    %reduce_max3A_280 = vector.multi_reduction <maximumf>, %select_n3A_278, %reduce_max3A_279 [1] : vector<1x128xf32> to vector<1xf32>
    %broadcast_in_dim3A_281 = vector.shape_cast %reduce_max3A_280 : vector<1xf32> to vector<1x1xf32>
    %gt3A_282 = arith.constant 0.000000e+00 : f32
    %gt3A_283 = vector.broadcast %gt3A_282 : f32 to vector<32x1xf32>
    %gt3A_284 = arith.cmpf ogt, %broadcast_in_dim3A_267, %gt3A_283 : vector<32x1xf32>
    %broadcast_in_dim3A_285 = vector.shape_cast %broadcast_in_dim3A_281 : vector<1x1xf32> to vector<1x1xf32>
    %broadcast_in_dim3A_286 = vector.broadcast %broadcast_in_dim3A_285 : vector<1x1xf32> to vector<32x1xf32>
    %select_n3A_287 = arith.select %gt3A_284, %broadcast_in_dim3A_264, %broadcast_in_dim3A_286 : vector<32x1xi1>, vector<32x1xf32>
    %convert_element_type3A_288 = arith.fptosi %select_n3A_287 : vector<32x1xf32> to vector<32x1xi32>
    %swap3A_289 = arith.constant 0 : index
    %swap3A_290 = arith.constant 0 : index
    %swap3A_291 = vector.load %arg7[%swap3A_289, %swap3A_290] : memref<32x1xi32, #tpu.memory_space<vmem>>, vector<32x1xi32>
    tpu.vector_store %arg7[%swap3A_289, %swap3A_290], %convert_element_type3A_288 {strides = array<i32>} : memref<32x1xi32, #tpu.memory_space<vmem>>, vector<32x1xi32>,
    %gt3A_292 = arith.constant 0.000000e+00 : f32
    %gt3A_293 = vector.broadcast %gt3A_292 : f32 to vector<32x1xf32>
    %gt3A_294 = arith.cmpf ogt, %broadcast_in_dim3A_267, %gt3A_293 : vector<32x1xf32>
    %convert_element_type3A_295 = arith.extui %gt3A_294 : vector<32x1xi1> to vector<32x1xi32>
    %swap3A_296 = arith.constant 0 : index
    %swap3A_297 = arith.constant 0 : index
    %swap3A_298 = vector.load %arg8[%swap3A_296, %swap3A_297] : memref<32x1xi32, #tpu.memory_space<vmem>>, vector<32x1xi32>
    tpu.vector_store %arg8[%swap3A_296, %swap3A_297], %convert_element_type3A_295 {strides = array<i32>} : memref<32x1xi32, #tpu.memory_space<vmem>>, vector<32x1xi32>,
    return
  }
}

module attributes {stable_mosaic.version = 14 : i64} {
  func.func @_group_body(%arg0: i32, %arg1: memref<15xi32, #tpu.memory_space<smem>>, %arg2: memref<15xi32, #tpu.memory_space<smem>>, %arg3: memref<512x1024xf32, #tpu.memory_space<vmem>>, %arg4: memref<1x1024x1024xbf16, #tpu.memory_space<vmem>>, %arg5: memref<1x512x1024xbf16, #tpu.memory_space<vmem>>, %arg6: memref<512x1024xf32, #tpu.memory_space<vmem>>) attributes {dimension_semantics = [#tpu.dimension_semantics<arbitrary>], iteration_bounds = array<i64: 15>, scalar_prefetch = 2 : i64, scratch_operands = 0 : i64, tpu.core_type = #tpu.core_type<tc>, window_params = [{transform_indices = @transform_0, window_bounds = array<i64: 512, 1024>}, {transform_indices = @transform_1, window_bounds = array<i64: 1, 1024, 1024>}, {transform_indices = @transform_2, window_bounds = array<i64: 1, 512, 1024>}, {transform_indices = @transform_3, window_bounds = array<i64: 512, 1024>}]} {
    %get3A = arith.index_cast %arg0 : i32 to index
    %get3A_0 = memref.load %arg2[%get3A] : memref<15xi32, #tpu.memory_space<smem>>
    %gt3A = arith.constant 0 : i32
    %gt3A_1 = arith.cmpi sgt, %get3A_0, %gt3A : i32
    %convert_element_type3A = arith.extui %gt3A_1 : i1 to i32
    %cond3A = arith.constant 0 : i32
    %cond3A_2 = arith.cmpi ne, %convert_element_type3A, %cond3A : i32
    scf.if %cond3A_2 {
      %get3A_3 = arith.constant 0 : index
      %get3A_4 = arith.constant 0 : index
      %get3A_5 = vector.load %arg3[%get3A_3, %get3A_4] : memref<512x1024xf32, #tpu.memory_space<vmem>>, vector<512x1024xf32>
      %convert_element_type3A_6 = arith.truncf %get3A_5 : vector<512x1024xf32> to vector<512x1024xbf16>
      %get3A_7 = arith.constant 0 : index
      %get3A_8 = arith.constant 0 : index
      %get3A_9 = arith.constant 0 : index
      %get3A_10 = vector.load %arg4[%get3A_7, %get3A_8, %get3A_9] : memref<1x1024x1024xbf16, #tpu.memory_space<vmem>>, vector<1x1024x1024xbf16>
      %squeeze3A = vector.shape_cast %get3A_10 : vector<1x1024x1024xbf16> to vector<1024x1024xbf16>
      %dot_general3A = arith.constant dense<0.000000e+00> : vector<512x1024xf32>
      %dot_general3A_11 = tpu.matmul %convert_element_type3A_6, %squeeze3A, %dot_general3A {dimension_numbers = #tpu.dot_dimension_numbers<[1], [0], [0], [1], [0, 0, 1, 1], [], []>, transpose_lhs_hint = false} : vector<512x1024xbf16>, vector<1024x1024xbf16>, vector<512x1024xf32> -> vector<512x1024xf32>
      %slice3A = vector.extract_strided_slice %dot_general3A_11 {offsets = [0, 0], sizes = [512, 512], strides = [1, 1]} : vector<512x1024xf32> to vector<512x512xf32>
      %logistic3A = arith.negf %slice3A : vector<512x512xf32>
      %logistic3A_12 = math.exp %logistic3A : vector<512x512xf32>
      %logistic3A_13 = arith.constant 1.000000e+00 : f32
      %logistic3A_14 = vector.broadcast %logistic3A_13 : f32 to vector<512x512xf32>
      %logistic3A_15 = arith.addf %logistic3A_14, %logistic3A_12 : vector<512x512xf32>
      %logistic3A_16 = arith.divf %logistic3A_14, %logistic3A_15 : vector<512x512xf32>
      %mul3A = arith.mulf %slice3A, %logistic3A_16 : vector<512x512xf32>
      %slice3A_17 = vector.extract_strided_slice %dot_general3A_11 {offsets = [0, 512], sizes = [512, 512], strides = [1, 1]} : vector<512x1024xf32> to vector<512x512xf32>
      %mul3A_18 = arith.mulf %mul3A, %slice3A_17 : vector<512x512xf32>
      %convert_element_type3A_19 = arith.truncf %mul3A_18 : vector<512x512xf32> to vector<512x512xbf16>
      %get3A_20 = arith.constant 0 : index
      %get3A_21 = arith.constant 0 : index
      %get3A_22 = arith.constant 0 : index
      %get3A_23 = vector.load %arg5[%get3A_20, %get3A_21, %get3A_22] : memref<1x512x1024xbf16, #tpu.memory_space<vmem>>, vector<1x512x1024xbf16>
      %squeeze3A_24 = vector.shape_cast %get3A_23 : vector<1x512x1024xbf16> to vector<512x1024xbf16>
      %dot_general3A_25 = arith.constant dense<0.000000e+00> : vector<512x1024xf32>
      %dot_general3A_26 = tpu.matmul %convert_element_type3A_19, %squeeze3A_24, %dot_general3A_25 {dimension_numbers = #tpu.dot_dimension_numbers<[1], [0], [0], [1], [0, 0, 1, 1], [], []>, transpose_lhs_hint = false} : vector<512x512xbf16>, vector<512x1024xbf16>, vector<512x1024xf32> -> vector<512x1024xf32>
      %swap3A = arith.constant 0 : index
      %swap3A_27 = arith.constant 0 : index
      %swap3A_28 = vector.load %arg6[%swap3A, %swap3A_27] : memref<512x1024xf32, #tpu.memory_space<vmem>>, vector<512x1024xf32>
      tpu.vector_store %arg6[%swap3A, %swap3A_27], %dot_general3A_26 {strides = array<i32>} : memref<512x1024xf32, #tpu.memory_space<vmem>>, vector<512x1024xf32>,
    } else {
    }
    return
  }
  func.func @transform_0(%arg0: i32, %arg1: memref<15xi32, #tpu.memory_space<smem>>, %arg2: memref<15xi32, #tpu.memory_space<smem>>) -> (i32, i32) {
    %get3A = arith.index_cast %arg0 : i32 to index
    %get3A_0 = memref.load %arg2[%get3A] : memref<15xi32, #tpu.memory_space<smem>>
    %gt3A = arith.constant 0 : i32
    %gt3A_1 = arith.cmpi sgt, %get3A_0, %gt3A : i32
    %jit3A = arith.constant 0 : i32
    %select_n3A = arith.select %gt3A_1, %arg0, %jit3A : i32
    %c0_i32 = arith.constant 0 : i32
    %c0_i32_2 = arith.constant 0 : i32
    return %select_n3A, %c0_i32 : i32, i32
  }
  func.func @transform_1(%arg0: i32, %arg1: memref<15xi32, #tpu.memory_space<smem>>, %arg2: memref<15xi32, #tpu.memory_space<smem>>) -> (i32, i32, i32) {
    %get3A = arith.index_cast %arg0 : i32 to index
    %get3A_0 = memref.load %arg1[%get3A] : memref<15xi32, #tpu.memory_space<smem>>
    %c0_i32 = arith.constant 0 : i32
    %c0_i32_1 = arith.constant 0 : i32
    %c0_i32_2 = arith.constant 0 : i32
    return %get3A_0, %c0_i32, %c0_i32_1 : i32, i32, i32
  }
  func.func @transform_2(%arg0: i32, %arg1: memref<15xi32, #tpu.memory_space<smem>>, %arg2: memref<15xi32, #tpu.memory_space<smem>>) -> (i32, i32, i32) {
    %get3A = arith.index_cast %arg0 : i32 to index
    %get3A_0 = memref.load %arg1[%get3A] : memref<15xi32, #tpu.memory_space<smem>>
    %c0_i32 = arith.constant 0 : i32
    %c0_i32_1 = arith.constant 0 : i32
    %c0_i32_2 = arith.constant 0 : i32
    return %get3A_0, %c0_i32, %c0_i32_1 : i32, i32, i32
  }
  func.func @transform_3(%arg0: i32, %arg1: memref<15xi32, #tpu.memory_space<smem>>, %arg2: memref<15xi32, #tpu.memory_space<smem>>) -> (i32, i32) {
    %c0_i32 = arith.constant 0 : i32
    %c0_i32_0 = arith.constant 0 : i32
    return %arg0, %c0_i32 : i32, i32
  }
}

module attributes {stable_mosaic.version = 14 : i64} {
  func.func @_comb_body(%arg0: i32, %arg1: memref<512x1024xf32, #tpu.memory_space<vmem>>, %arg2: memref<512x1024xf32, #tpu.memory_space<vmem>>, %arg3: memref<512x1024xf32, #tpu.memory_space<vmem>>, %arg4: memref<512x1024xf32, #tpu.memory_space<vmem>>, %arg5: memref<512x1xf32, #tpu.memory_space<vmem>>, %arg6: memref<512x1xf32, #tpu.memory_space<vmem>>, %arg7: memref<1024x1024xbf16, #tpu.memory_space<vmem>>, %arg8: memref<512x1024xbf16, #tpu.memory_space<vmem>>, %arg9: memref<1x1024xf32, #tpu.memory_space<vmem>>, %arg10: memref<512x1024xf32, #tpu.memory_space<vmem>>) attributes {dimension_semantics = [#tpu.dimension_semantics<parallel>], iteration_bounds = array<i64: 4>, scalar_prefetch = 0 : i64, scratch_operands = 0 : i64, tpu.core_type = #tpu.core_type<tc>, window_params = [{transform_indices = @transform_0, window_bounds = array<i64: 512, 1024>}, {transform_indices = @transform_1, window_bounds = array<i64: 512, 1024>}, {transform_indices = @transform_2, window_bounds = array<i64: 512, 1024>}, {transform_indices = @transform_3, window_bounds = array<i64: 512, 1024>}, {transform_indices = @transform_4, window_bounds = array<i64: 512, 1>}, {transform_indices = @transform_5, window_bounds = array<i64: 512, 1>}, {pipeline_mode = #tpu.pipeline_mode<synchronous>, transform_indices = @transform_6, window_bounds = array<i64: 1024, 1024>}, {pipeline_mode = #tpu.pipeline_mode<synchronous>, transform_indices = @transform_7, window_bounds = array<i64: 512, 1024>}, {pipeline_mode = #tpu.pipeline_mode<synchronous>, transform_indices = @transform_8, window_bounds = array<i64: 1, 1024>}, {transform_indices = @transform_9, window_bounds = array<i64: 512, 1024>}]} {
    %get3A = arith.constant 0 : index
    %get3A_0 = arith.constant 0 : index
    %get3A_1 = vector.load %arg2[%get3A, %get3A_0] : memref<512x1024xf32, #tpu.memory_space<vmem>>, vector<512x1024xf32>
    %convert_element_type3A = arith.truncf %get3A_1 : vector<512x1024xf32> to vector<512x1024xbf16>
    %get3A_2 = arith.constant 0 : index
    %get3A_3 = arith.constant 0 : index
    %get3A_4 = vector.load %arg7[%get3A_2, %get3A_3] : memref<1024x1024xbf16, #tpu.memory_space<vmem>>, vector<1024x1024xbf16>
    %dot_general3A = arith.constant dense<0.000000e+00> : vector<512x1024xf32>
    %dot_general3A_5 = tpu.matmul %convert_element_type3A, %get3A_4, %dot_general3A {dimension_numbers = #tpu.dot_dimension_numbers<[1], [0], [0], [1], [0, 0, 1, 1], [], []>, transpose_lhs_hint = false} : vector<512x1024xbf16>, vector<1024x1024xbf16>, vector<512x1024xf32> -> vector<512x1024xf32>
    %slice3A = vector.extract_strided_slice %dot_general3A_5 {offsets = [0, 0], sizes = [512, 512], strides = [1, 1]} : vector<512x1024xf32> to vector<512x512xf32>
    %logistic3A = arith.negf %slice3A : vector<512x512xf32>
    %logistic3A_6 = math.exp %logistic3A : vector<512x512xf32>
    %logistic3A_7 = arith.constant 1.000000e+00 : f32
    %logistic3A_8 = vector.broadcast %logistic3A_7 : f32 to vector<512x512xf32>
    %logistic3A_9 = arith.addf %logistic3A_8, %logistic3A_6 : vector<512x512xf32>
    %logistic3A_10 = arith.divf %logistic3A_8, %logistic3A_9 : vector<512x512xf32>
    %mul3A = arith.mulf %slice3A, %logistic3A_10 : vector<512x512xf32>
    %slice3A_11 = vector.extract_strided_slice %dot_general3A_5 {offsets = [0, 512], sizes = [512, 512], strides = [1, 1]} : vector<512x1024xf32> to vector<512x512xf32>
    %mul3A_12 = arith.mulf %mul3A, %slice3A_11 : vector<512x512xf32>
    %convert_element_type3A_13 = arith.truncf %mul3A_12 : vector<512x512xf32> to vector<512x512xbf16>
    %get3A_14 = arith.constant 0 : index
    %get3A_15 = arith.constant 0 : index
    %get3A_16 = vector.load %arg8[%get3A_14, %get3A_15] : memref<512x1024xbf16, #tpu.memory_space<vmem>>, vector<512x1024xbf16>
    %dot_general3A_17 = arith.constant dense<0.000000e+00> : vector<512x1024xf32>
    %dot_general3A_18 = tpu.matmul %convert_element_type3A_13, %get3A_16, %dot_general3A_17 {dimension_numbers = #tpu.dot_dimension_numbers<[1], [0], [0], [1], [0, 0, 1, 1], [], []>, transpose_lhs_hint = false} : vector<512x512xbf16>, vector<512x1024xbf16>, vector<512x1024xf32> -> vector<512x1024xf32>
    %get3A_19 = arith.constant 0 : index
    %get3A_20 = arith.constant 0 : index
    %get3A_21 = vector.load %arg9[%get3A_19, %get3A_20] : memref<1x1024xf32, #tpu.memory_space<vmem>>, vector<1x1024xf32>
    %mul3A_22 = vector.broadcast %get3A_21 : vector<1x1024xf32> to vector<512x1024xf32>
    %mul3A_23 = arith.mulf %get3A_1, %mul3A_22 : vector<512x1024xf32>
    %reduce_sum3A = arith.constant dense<0.000000e+00> : vector<512xf32>
    %reduce_sum3A_24 = vector.multi_reduction <add>, %mul3A_23, %reduce_sum3A [1] : vector<512x1024xf32> to vector<512xf32>
    %broadcast_in_dim3A = vector.shape_cast %reduce_sum3A_24 : vector<512xf32> to vector<512x1xf32>
    %logistic3A_25 = arith.negf %broadcast_in_dim3A : vector<512x1xf32>
    %logistic3A_26 = math.exp %logistic3A_25 : vector<512x1xf32>
    %logistic3A_27 = arith.constant 1.000000e+00 : f32
    %logistic3A_28 = vector.broadcast %logistic3A_27 : f32 to vector<512x1xf32>
    %logistic3A_29 = arith.addf %logistic3A_28, %logistic3A_26 : vector<512x1xf32>
    %logistic3A_30 = arith.divf %logistic3A_28, %logistic3A_29 : vector<512x1xf32>
    %get3A_31 = arith.constant 0 : index
    %get3A_32 = arith.constant 0 : index
    %get3A_33 = vector.load %arg5[%get3A_31, %get3A_32] : memref<512x1xf32, #tpu.memory_space<vmem>>, vector<512x1xf32>
    %get3A_34 = arith.constant 0 : index
    %get3A_35 = arith.constant 0 : index
    %get3A_36 = vector.load %arg3[%get3A_34, %get3A_35] : memref<512x1024xf32, #tpu.memory_space<vmem>>, vector<512x1024xf32>
    %mul3A_37 = vector.broadcast %get3A_33 : vector<512x1xf32> to vector<512x1024xf32>
    %mul3A_38 = arith.mulf %mul3A_37, %get3A_36 : vector<512x1024xf32>
    %get3A_39 = arith.constant 0 : index
    %get3A_40 = arith.constant 0 : index
    %get3A_41 = vector.load %arg6[%get3A_39, %get3A_40] : memref<512x1xf32, #tpu.memory_space<vmem>>, vector<512x1xf32>
    %get3A_42 = arith.constant 0 : index
    %get3A_43 = arith.constant 0 : index
    %get3A_44 = vector.load %arg4[%get3A_42, %get3A_43] : memref<512x1024xf32, #tpu.memory_space<vmem>>, vector<512x1024xf32>
    %mul3A_45 = vector.broadcast %get3A_41 : vector<512x1xf32> to vector<512x1024xf32>
    %mul3A_46 = arith.mulf %mul3A_45, %get3A_44 : vector<512x1024xf32>
    %add3A = arith.addf %mul3A_38, %mul3A_46 : vector<512x1024xf32>
    %get3A_47 = arith.constant 0 : index
    %get3A_48 = arith.constant 0 : index
    %get3A_49 = vector.load %arg1[%get3A_47, %get3A_48] : memref<512x1024xf32, #tpu.memory_space<vmem>>, vector<512x1024xf32>
    %add3A_50 = arith.addf %get3A_49, %add3A : vector<512x1024xf32>
    %mul3A_51 = vector.broadcast %logistic3A_30 : vector<512x1xf32> to vector<512x1024xf32>
    %mul3A_52 = arith.mulf %mul3A_51, %dot_general3A_18 : vector<512x1024xf32>
    %add3A_53 = arith.addf %add3A_50, %mul3A_52 : vector<512x1024xf32>
    %swap3A = arith.constant 0 : index
    %swap3A_54 = arith.constant 0 : index
    %swap3A_55 = vector.load %arg10[%swap3A, %swap3A_54] : memref<512x1024xf32, #tpu.memory_space<vmem>>, vector<512x1024xf32>
    tpu.vector_store %arg10[%swap3A, %swap3A_54], %add3A_53 {strides = array<i32>} : memref<512x1024xf32, #tpu.memory_space<vmem>>, vector<512x1024xf32>,
    return
  }
  func.func @transform_0(%arg0: i32) -> (i32, i32) {
    %c0_i32 = arith.constant 0 : i32
    %c0_i32_0 = arith.constant 0 : i32
    return %arg0, %c0_i32 : i32, i32
  }
  func.func @transform_1(%arg0: i32) -> (i32, i32) {
    %c0_i32 = arith.constant 0 : i32
    %c0_i32_0 = arith.constant 0 : i32
    return %arg0, %c0_i32 : i32, i32
  }
  func.func @transform_2(%arg0: i32) -> (i32, i32) {
    %c0_i32 = arith.constant 0 : i32
    %c0_i32_0 = arith.constant 0 : i32
    return %arg0, %c0_i32 : i32, i32
  }
  func.func @transform_3(%arg0: i32) -> (i32, i32) {
    %c0_i32 = arith.constant 0 : i32
    %c0_i32_0 = arith.constant 0 : i32
    return %arg0, %c0_i32 : i32, i32
  }
  func.func @transform_4(%arg0: i32) -> (i32, i32) {
    %c0_i32 = arith.constant 0 : i32
    %c0_i32_0 = arith.constant 0 : i32
    return %arg0, %c0_i32 : i32, i32
  }
  func.func @transform_5(%arg0: i32) -> (i32, i32) {
    %c0_i32 = arith.constant 0 : i32
    %c0_i32_0 = arith.constant 0 : i32
    return %arg0, %c0_i32 : i32, i32
  }
  func.func @transform_6(%arg0: i32) -> (i32, i32) {
    %c0_i32 = arith.constant 0 : i32
    %c0_i32_0 = arith.constant 0 : i32
    %c0_i32_1 = arith.constant 0 : i32
    return %c0_i32, %c0_i32_0 : i32, i32
  }
  func.func @transform_7(%arg0: i32) -> (i32, i32) {
    %c0_i32 = arith.constant 0 : i32
    %c0_i32_0 = arith.constant 0 : i32
    %c0_i32_1 = arith.constant 0 : i32
    return %c0_i32, %c0_i32_0 : i32, i32
  }
  func.func @transform_8(%arg0: i32) -> (i32, i32) {
    %c0_i32 = arith.constant 0 : i32
    %c0_i32_0 = arith.constant 0 : i32
    %c0_i32_1 = arith.constant 0 : i32
    return %c0_i32, %c0_i32_0 : i32, i32
  }
  func.func @transform_9(%arg0: i32) -> (i32, i32) {
    %c0_i32 = arith.constant 0 : i32
    %c0_i32_0 = arith.constant 0 : i32
    return %arg0, %c0_i32 : i32, i32
  }
}

</mosaic_0001>

<sc_bundles>
// kernel: kernel.10.cloned.1.call-start
scs
__scs_entry_jumppad:
0x0: {  	(pc) =	sbr.rel $0x88, $3  }
0x1: {  	(tag) =	ssettag $0x0;
	lr =	simm.s32 $0x1  }
0x2: {  	[smem:$0x3F93] =	sst lr;
	_ =	strace $0xD0000000  }
0x3: {  	_ = 	snop  }
0x4: {  	_ = 	snop  }
0x5: {  	_ = 	snop  }
0x6: {  	_ = 	snop  }
0x7: {  	_ = 	snop  }
__scs_overlays_trampoline_lowered:
0x8: {  	[smem:$0x3FA2] =	sst s0  }
0x9: {  	[smem:$0x3FA3] =	sst s1  }
0xa: {  	[smem:$0x3FA4] =	sst s2  }
0xb: {  	[smem:$0x3FA5] =	sst s3  }
0xc: {  	[smem:$0x3FA6] =	sst s4  }
0xd: {  	[smem:$0x3FA7] =	sst s5  }
0xe: {  	[smem:$0x3FA8] =	sst s6  }
0xf: {  	[smem:$0x3FA9] =	sst s7  }
0x10: {  	[smem:$0x3FAA] =	sst s8  }
0x11: {  	[smem:$0x3FAB] =	sst s9;
	s0 =	simm.s32 @!p0 $0x0  }
0x12: {  	s1 =	sld [smem:$0x3F91];
	s0 =	simm.s32 @p0 $0x1  }
0x13: {  	[smem:$0x3FAC] =	sst s0;
	s0 =	simm.s32 @!p1 $0x0  }
0x14: {  	s2 =	sld [smem:$0x3F90];
	s0 =	simm.s32 @p1 $0x1  }
0x15: {  	[smem:$0x3FAD] =	sst s0;
	s0 =	simm.s32 @!p2 $0x0  }
0x16: {  	s3 =	sld [smem:$0x3FDB];
	s0 =	simm.s32 @p2 $0x1  }
0x17: {  	s4 =	simm.s32 $0x1BF5;
	[smem:$0x3FAF] =	sst s0  }
0x18: {  	s0 =	sld [smem:$0x3F92];
	_ =	swait.ge [sflag:s4], $0x0  }
0x19: {  	s7 =	sld [smem:$0x3F93]  }
0x1a: {  	s8 =	sadd.s32 $0xFFFFE003, lr  }
0x1b: {  	s9 =	sadd.s32 $0xFFFFFEF7, lr;
	s5 =	simm.s32 $0xFFFFFFFF;
	p2 =	slt.u32 s8, $0xFFFFF086  }
0x1c: {  	p1 =	slt.u32 s9, $0xF7A;
	s5 =	simm.s32 @!p2 $0x0  }
0x1d: {  	s5 =	simm.s32 @p1 $0x1;
	p0 =	seq.s32 s7, s2  }
0x1e: {  	s7 =	smul.u32 @!p0 $0xF7A, s2;
	p2 =	seq.s32 @!p0 s5, $0x0  }
0x1f: {  	s9 =	smul.u32 $0xF7A, s1;
	s8 =	simm.s32 @!p0 $0x1BF5;
	p2 =	por !p2, p0  }
0x20: {  	[sflag:s8] =	ssyncset.s32 @!p0 $0xFFFFF086;
	s6 =	sadd.s32 @!p0 s3, s7;
	s7 =	simm.s32 @!p0 $0x108  }
0x21: {  	s3 =	sadd.s32 s3, s9;
	s6 =	sadd.s32 @!p0 $0x88, s6;
	s7 =	simm.s32 @p2 $0x1082  }
0x22: {  	[simem:s7], [sflag:s8] =	dma.local @!p0 [hbm:s6], $0xF7A  }
0x23: {  	s9 =	sor.u32 $0xD0000000, s2;
	s6 =	simm.s32 $0x108;
	_ =	swait.ge @!p0 [sflag:s8], $0x0  }
0x24: {  	s3 =	sadd.s32 $0x88, s3;
	s6 =	simm.s32 @!p1 $0x1082;
	[sflag:s4] =	ssyncset.s32 $0xFFFFF086  }
0x25: {  	[simem:s6], [sflag:s4] =	dma.local [hbm:s3], $0xF7A  }
0x26: {  	[smem:$0x3F93] =	sst s1;
	(tag) =	ssettag s2;
	_ =	strace s9  }
0x27: {  	s1 =	sld [smem:$0x3FA3]  }
0x28: {  	s2 =	sld [smem:$0x3FA4]  }
0x29: {  	s4 =	sld [smem:$0x3FA6]  }
0x2a: {  	p0 =	seq.s32 s5, $0x0;
	s5 =	sld [smem:$0x3FA7]  }
0x2b: {  	s6 =	sld [smem:$0x3FA8]  }
0x2c: {  	s7 =	sld [smem:$0x3FA9]  }
0x2d: {  	s3 =	simm.s32 $0x108;
	s8 =	sld [smem:$0x3FAA]  }
0x2e: {  	s3 =	simm.s32 @!p0 $0x1082;
	s9 =	sld [smem:$0x3FAB]  }
0x2f: {  	lr =	sadd.s32 s0, s3;
	s0 =	sld [smem:$0x3FA2]  }
0x30: {  	s3 =	sld [smem:$0x3FA5]  }
0x31: {  	[smem:$0x3FAE] =	sst s10  }
0x32: {  	s10 =	sld [smem:$0x3FAC];
	_ =	sdelay $0x3  }
0x33: {  	p0 =	seq.s32 s10, $0x1;
	s10 =	sld [smem:$0x3FAE];
	_ =	sdelay $0x3  }
0x34: {  	[smem:$0x3FAE] =	sst s10  }
0x35: {  	s10 =	sld [smem:$0x3FAD];
	_ =	sdelay $0x3  }
0x36: {  	p1 =	seq.s32 s10, $0x1;
	s10 =	sld [smem:$0x3FAE];
	_ =	sdelay $0x3  }
0x37: {  	[smem:$0x3FAE] =	sst s10  }
0x38: {  	s10 =	sld [smem:$0x3FAF]  }
0x39: {  	_ = 	snop;
	(pc) =	sbr.ind lr, $3  }
0x3a: {  	_ = 	snop  }
0x3b: {  	_ = 	snop  }
0x3c: {  	p2 =	seq.s32 s10, $0x1;
	s10 =	sld [smem:$0x3FAE]  }
0x3d: {  	_ =	shalt  }
0x3e: {  	_ =	shalt  }
0x3f: {  	_ =	shalt  }
0x40: {  	_ =	shalt  }
0x41: {  	_ =	shalt  }
0x42: {  	_ =	shalt  }
0x43: {  	_ =	shalt  }
0x44: {  	_ =	shalt  }
0x45: {  	_ =	shalt  }
0x46: {  	_ =	shalt  }
0x47: {  	_ =	shalt  }
0x48: {  	_ =	shalt  }
0x49: {  	_ =	shalt  }
0x4a: {  	_ =	shalt  }
0x4b: {  	_ =	shalt  }
0x4c: {  	_ =	shalt  }
0x4d: {  	_ =	shalt  }
0x4e: {  	_ =	shalt  }
0x4f: {  	_ =	shalt  }
0x50: {  	_ =	shalt  }
0x51: {  	_ =	shalt  }
0x52: {  	_ =	shalt  }
0x53: {  	_ =	shalt  }
0x54: {  	_ =	shalt  }
0x55: {  	_ =	shalt  }
0x56: {  	_ =	shalt  }
0x57: {  	_ =	shalt  }
0x58: {  	_ =	shalt  }
0x59: {  	_ =	shalt  }
0x5a: {  	_ =	shalt  }
0x5b: {  	_ =	shalt  }
0x5c: {  	_ =	shalt  }
0x5d: {  	_ =	shalt  }
0x5e: {  	_ =	shalt  }
0x5f: {  	_ =	shalt  }
0x60: {  	_ =	shalt  }
0x61: {  	_ =	shalt  }
0x62: {  	_ =	shalt  }
0x63: {  	_ =	shalt  }
0x64: {  	_ =	shalt  }
0x65: {  	_ =	shalt  }
0x66: {  	_ =	shalt  }
0x67: {  	_ =	shalt  }
0x68: {  	_ =	shalt  }
0x69: {  	_ =	shalt  }
0x6a: {  	_ =	shalt  }
0x6b: {  	_ =	shalt  }
0x6c: {  	_ =	shalt  }
0x6d: {  	_ =	shalt  }
0x6e: {  	_ =	shalt  }
0x6f: {  	_ =	shalt  }
0x70: {  	_ =	shalt  }
0x71: {  	_ =	shalt  }
0x72: {  	_ =	shalt  }
0x73: {  	_ =	shalt  }
0x74: {  	_ =	shalt  }
0x75: {  	_ =	shalt  }
0x76: {  	_ =	shalt  }
0x77: {  	_ =	shalt  }
0x78: {  	_ =	shalt  }
0x79: {  	_ =	shalt  }
0x7a: {  	_ =	shalt  }
0x7b: {  	_ =	shalt  }
0x7c: {  	_ =	shalt  }
0x7d: {  	_ =	shalt  }
0x7e: {  	_ =	shalt  }
0x7f: {  	_ =	shalt  }
0x80: {  	_ =	shalt  }
0x81: {  	_ =	shalt  }
0x82: {  	_ =	shalt  }
0x83: {  	_ =	shalt  }
0x84: {  	_ =	shalt  }
0x85: {  	_ =	shalt  }
0x86: {  	_ =	shalt  }
0x87: {  	_ =	shalt  }
.Lfunc_end0:
.L_simem_size_0:
called_computation_lowered:
.L_overlay_start_0:
0x88: {  	s2 =	sld [smem:$0x3FD9]  }
0x89: {  	s3 =	sld [smem:$0x3FFE];
	_ =	sdelay $0x1  }
0x8a: {  	s1 =	srdreg.scid  }
0x8b: {  	s0 =	sand.u32 $0x1, s1  }
0x8c: {  	s17 =	sshll.u32 s0, $0xA;
	s2 =	sadd.s32 s3, s2  }
0x8d: {  	s2 =	sadd.s32 s2, s17  }
0x8e: {  	[smem:$0x3FBA] =	sst s2  }
0x8f: {  	_ = 	snop  }
0x90: {  	s2 =	sld [smem:$0x3FD0];
	(tm) =	ssettm $0x1  }
0x91: {  	s18 =	sld [smem:$0x3FFB];
	_ =	sdelay $0x3  }
0x92: {  	_ =	strace s18  }
0x93: {  	s3 =	sld [smem:$0x3FFC];
	_ =	sdelay $0x3  }
0x94: {  	_ =	strace s3  }
0x95: {  	s3 =	sld [smem:$0x3FFD];
	_ =	sdelay $0x3  }
0x96: {  	_ =	strace s3  }
0x97: {  	_ =	strace $0x8FFFFFFF  }
0x98: {  	s19 =	sld [smem:$0x3FDB];
	_ =	sdelay $0x1  }
0x99: {  	s4 =	simm.s32 $_scs_section_size  }
0x9a: {  	s5 =	simm.s32 $_size__tile_overlayer_lowered;
	s6 =	simm.s32 $_tile_overlayer_lowered  }
0x9b: {  	s22 =	simm.s32 $0x1BFF;
	s21 =	sshll.u32 s6, $0x1;
	s3 =	sadd.s32 s4, s19  }
0x9c: {  	s7 =	simm.s32 $0x0;
	s20 =	sshll.u32 s5, $0x1;
	s5 =	sadd.s32 s21, s3  }
0x9d: {  	[timem:s7], [sflag:s22] =	dma.local [hbm:s5], s20  }
0x9e: {  	_ =	swait.ge [sflag:s22], s20  }
0x9f: {  	s4 =	ssub.s32 $0x0, s20;
	[sflag:s22] =	ssyncset.done $0x0  }
0xa0: {  	[sflag:s22] =	ssyncadd.s32 s4;
	_ =	sdelay $0x1  }
0xa1: {  	s23 =	simm.s32 $0x1B8B  }
0xa2: {  	_ =	swait.ge [sflag:s23], $0x1  }
0xa3: {  	[sflag:s23] =	ssyncset.done $0x0  }
0xa4: {  	s25 =	simm.s32 $0x1B8E;
	s24 =	sld [smem:$0x3FFE];
	[sflag:s23] =	ssyncadd.s32 $0xFFFFFFFF  }
0xa5: {  	s26 =	simm.s32 $execute0_lowered;
	[smem:$0x3FD2] =	sst s25  }
0xa6: {  	s5 =	sshll.u32 s26, $0x1;
	_ =	strace $0x80000046;
	[dreg:$0x1] =	wrdreg $0xFFFFFFFF  }
0xa7: {  	s28 =	simm.s32 $_size_execute0_lowered;
	s3 =	sadd.s32 s3, s5;
	[dreg:$0x0] =	wrdreg $0x0  }
0xa8: {  	s5 =	sshll.u32 s28, $0x1;
	[dreg:$0x2] =	wrdreg s3  }
0xa9: {  	[dreg:$0x3] =	wrdreg s5  }
0xaa: {  	[dreg:$0x4] =	wrdreg $0xC0  }
0xab: {  	_ =	task [dreg:s7], $0x5FFFF  }
0xac: {  	[dreg:$0x1] =	wrdreg $0xFFFFFFFF  }
0xad: {  	[dreg:$0x0] =	wrdreg $0x60  }
0xae: {  	[dreg:$0x2] =	wrdreg s2  }
0xaf: {  	[dreg:$0x3] =	wrdreg s24  }
0xb0: {  	[dreg:$0x4] =	wrdreg $0x9  }
0xb1: {  	_ =	task.clear_ibuf [dreg:s7], $0x5FFFF;
	_ =	strace $0x90000046  }
0xb2: {  	s29 =	simm.s32 $0x9;
	_ =	strace $0x80000048  }
0xb3: {  	_ =	swait.ge [sflag:s29], $0x1  }
0xb4: {  	[sflag:s29] =	ssyncadd.s32 $0xFFFFFFFF  }
0xb5: {  	_ =	strace $0x90000048  }
0xb6: {  	_ =	sfence  }
0xb7: {  	s30 =	sld [smem:$0x0];
	_ =	sdelay $0x2  }
0xb8: {  	s31 =	sshll.u32 s1, $0xD;
	s1 =	sshrl.u32 s1, $0x2  }
0xb9: {  	s3 =	sand.u32 $0x4000, s31;
	s1 =	sadd.s32 s1, s30  }
0xba: {  	s0 =	sor.u32 s3, s0;
	s1 =	sshll.u32 s1, $0x11  }
0xbb: {  	s0 =	sor.u32 s1, s0  }
0xbc: {  	s0 =	sadd.s32 $0x8F2B, s0  }
0xbd: {  	[sflag:s0] =	ssyncadd.remote.s32 $0x1  }
0xbe: {  	_ =	sfence.sel $0xFFFF  }
0xbf: {  	[dreg:$0x0] =	wrdreg $0xFFFFFFFF;
	(pc) =	sbr.abs _section_cstart, $3  }
0xc0: {  	[dreg:$0x1] =	wrdreg $0xFFFFFFFF  }
0xc1: {  	_ =	task.clear_ibuf [dreg:s7], $0x2FFFF;
	_ =	strace $0x9FFFFFFF  }
0xc2: {  	(tm) =	ssettm $0x7FFFFFFF  }
0xc3: {  	_ =	shalt  }
tec
execute0_lowered:
.L_overlay_start_1:
0x0: {  	(tag) =	ssettag $0x1  }
0x1: {  	s0 =	srdreg.scid;
	s1 =	rddreg [dreg:$0x0]  }
0x2: {  	s2 =	stileid.u32;
	s6 =	rddreg [dreg:$0x1];
	s26 =	simm.s32 $0x80  }
0x3: {  	s8 =	simm.s32 $0x2;
	s18 =	simm.s32 $0x1;
	s21 =	simm.s32 $0x1900  }
0x4: {  	s22 =	simm.s32 $0x2100;
	s23 =	simm.s32 $0x2900;
	s24 =	simm.s32 $0x3100  }
0x5: {  	s28 =	simm.s32 $0x4900;
	s29 =	simm.s32 $0x5100;
	s30 =	simm.s32 $0x5900  }
0x6: {  	s31 =	simm.s32 $0x6100;
	s10 =	simm.s32 $0x7900;
	s11 =	simm.s32 $0x8100  }
0x7: {  	s12 =	simm.s32 $0x8900;
	s13 =	simm.s32 $0x9100;
	s14 =	simm.s32 $0x9900  }
0x8: {  	s15 =	simm.s32 $0xA100;
	s16 =	simm.s32 $0xA900;
	s17 =	simm.s32 $0xB100  }
0x9: {  	s0 =	sand.u32 $0x1, s0;
	s4 =	sshll.u32 s2, $0x6;
	s2 =	simm.s32 $0x0  }
0xa: {  	s3 =	sshll.u32 s0, $0xA;
	[smem:$0x7FF] =	sst s2;
	s0 =	ssub.s32 $0x2, s0  }
0xb: {  	s4 =	sor.u32 s4, s3;
	_ =	strace $0x80000047;
	s25 =	sshrl.u32 s0, $0x1  }
0xc: {  	[dreg:$0x6] =	wrdreg s26;
	s3 =	sshrl.u32 s4, $0x3;
	s4 =	sshll.u32 s4, $0x7  }
0xd: {  	s26 =	simm.s32 $0x4100;
	s5 =	sadd.s32 s3, s6;
	s1 =	sadd.s32 s1, s4  }
0xe: {  	s0 =	ssub.s32 s0, s25;
	s7 =	sadd.s32 $0x42A00, s5;
	[dreg:$0x5] =	wrdreg s1  }
0xf: {  	v2 =	vlaneseq.u32;
	s25 =	simm.s32 $0x3900;
	s5 =	sadd.s32 $0x42C00, s5;
	[dreg:$0x3] =	wrdreg s7  }
0x10: {  	vm0 =	vmmov $0xffff;
	v1 =	vshrl.u32 v2, $0x3;
	s3 =	sadd.s32 $0x42E00, s6;
	s4 =	sadd.s32 $0x42F00, s6;
	[dreg:$0x4] =	wrdreg s5  }
0x11: {  	v0 =	vand.u32 $0x7, v2;
	v2 =	vor.u32 $0x8, v2;
	v1 =	vmul.u32 $0x8, v1;
	s5 =	sadd.s32 $0x43000, s6;
	s6 =	sadd.s32 $0x43100, s6;
	s7 =	smax.u32 s0, $0x1  }
.LBB2_1:
0x12: {  	s19 =	rddreg [dreg:$0x3]  }
0x13: {  	[tilespmem:s2], [sflag:$0x2] =	stream.linear.gather [hbm4b:s19+s2], $0x40, $0x38;
	[tilespmem:$0x10100] =	vst v63  }
0x14: {  	_ =	swait.ge [sflag:s8], $0x40  }
0x15: {  	s1 =	rddreg [dreg:$0x4];
	[sflag:s8] =	ssyncset.done $0x0  }
0x16: {  	s20 =	rddreg [dreg:$0x6];
	[sflag:s8] =	ssyncadd.s32 $0xFFFFFFC0  }
0x17: {  	[tilespmem:s20], [sflag:$0x2] =	stream.linear.gather [hbm4b:s1+s2], $0x40, $0x38;
	[tilespmem:$0x10100] =	vst v63  }
0x18: {  	_ =	swait.ge [sflag:s8], $0x40  }
0x19: {  	[sflag:s8] =	ssyncset.done $0x0  }
0x1a: {  	s0 =	simm.s32 $0x100;
	s9 =	rddreg [dreg:$0x5];
	[sflag:s8] =	ssyncadd.s32 $0xFFFFFFC0  }
0x1b: {  	[tilespmem:s0], [sflag:$0x2] =	stream.linear.gather [hbm4b:s9+s2], $0x10000, $0x38;
	[tilespmem:$0x10100] =	vst v63  }
0x1c: {  	_ =	swait.ge [sflag:s8], $0x10000  }
0x1d: {  	[sflag:s8] =	ssyncset.done $0x0  }
0x1e: {  	[sflag:s8] =	ssyncadd.s32 $0xFFFF0000  }
0x1f: {  	v3 =	vld [tilespmem:$0x0];
	_ =	sdelay $0x4  }
0x20: {  	v4 =	vshll.u32 v3, $0x3  }
0x21: {  	v3 =	vand.u32 $0x7, v3;
	v4 =	vand.u32 $0xFFFFFFC0, v4  }
0x22: {  	v3 =	vor.u32 v3, v4  }
0x23: {  	v4 =	vperm.xlane v3, v0;
	_ =	sdelay $0x1  }
0x24: {  	v4 =	vadd.s32 v1, v4;
	_ =	sdelay $0x4  }
0x25: {  	[hbm4b:s3+s2] =	stream.indirect_vreg.scatter [tilespmem:s0], [sflag:$0x1], $0x80, v4, vm0, $0xb8;
	[tilespmem:$0x10100] =	vst v63  }
0x26: {  	s19 =	simm.s32 $0x900;
	v3 =	vperm.xlane v3, v2  }
0x27: {  	[hbm4b:s4+s2] =	stream.indirect_vreg.scatter [tilespmem:s19], [sflag:$0x1], $0x80, v4, vm0, $0xb8;
	[tilespmem:$0x10100] =	vst v63  }
0x28: {  	s20 =	simm.s32 $0x1100;
	v3 =	vadd.s32 v1, v3  }
0x29: {  	[hbm4b:s5+s2] =	stream.indirect_vreg.scatter [tilespmem:s20], [sflag:$0x1], $0x80, v4, vm0, $0xb8;
	[tilespmem:$0x10100] =	vst v63  }
0x2a: {  	_ = 	snop  }
0x2b: {  	[hbm4b:s6+s2] =	stream.indirect_vreg.scatter [tilespmem:s21], [sflag:$0x1], $0x80, v4, vm0, $0xb8;
	[tilespmem:$0x10100] =	vst v63  }
0x2c: {  	_ = 	snop  }
0x2d: {  	[hbm4b:s3+s2] =	stream.indirect_vreg.scatter [tilespmem:s22], [sflag:$0x1], $0x80, v3, vm0, $0xb8;
	[tilespmem:$0x10100] =	vst v63  }
0x2e: {  	_ = 	snop  }
0x2f: {  	[hbm4b:s4+s2] =	stream.indirect_vreg.scatter [tilespmem:s23], [sflag:$0x1], $0x80, v3, vm0, $0xb8;
	[tilespmem:$0x10100] =	vst v63  }
0x30: {  	_ = 	snop  }
0x31: {  	[hbm4b:s5+s2] =	stream.indirect_vreg.scatter [tilespmem:s24], [sflag:$0x1], $0x80, v3, vm0, $0xb8;
	[tilespmem:$0x10100] =	vst v63  }
0x32: {  	_ = 	snop  }
0x33: {  	[hbm4b:s6+s2] =	stream.indirect_vreg.scatter [tilespmem:s25], [sflag:$0x1], $0x80, v3, vm0, $0xb8;
	[tilespmem:$0x10100] =	vst v63  }
0x34: {  	v3 =	vld [tilespmem:$0x10];
	_ =	sdelay $0x4  }
0x35: {  	v57 =	vshll.u32 v3, $0x3  }
0x36: {  	v3 =	vand.u32 $0x7, v3;
	v4 =	vand.u32 $0xFFFFFFC0, v57  }
0x37: {  	v3 =	vor.u32 v3, v4  }
0x38: {  	v4 =	vperm.xlane v3, v0;
	_ =	sdelay $0x1  }
0x39: {  	v4 =	vadd.s32 v1, v4;
	_ =	sdelay $0x4  }
0x3a: {  	[hbm4b:s3+s2] =	stream.indirect_vreg.scatter [tilespmem:s26], [sflag:$0x1], $0x80, v4, vm0, $0xb8;
	[tilespmem:$0x10100] =	vst v63  }
0x3b: {  	v3 =	vperm.xlane v3, v2  }
0x3c: {  	[hbm4b:s4+s2] =	stream.indirect_vreg.scatter [tilespmem:s28], [sflag:$0x1], $0x80, v4, vm0, $0xb8;
	[tilespmem:$0x10100] =	vst v63  }
0x3d: {  	v3 =	vadd.s32 v1, v3  }
0x3e: {  	[hbm4b:s5+s2] =	stream.indirect_vreg.scatter [tilespmem:s29], [sflag:$0x1], $0x80, v4, vm0, $0xb8;
	[tilespmem:$0x10100] =	vst v63  }
0x3f: {  	_ = 	snop  }
0x40: {  	[hbm4b:s6+s2] =	stream.indirect_vreg.scatter [tilespmem:s30], [sflag:$0x1], $0x80, v4, vm0, $0xb8;
	[tilespmem:$0x10100] =	vst v63  }
0x41: {  	_ = 	snop  }
0x42: {  	[hbm4b:s3+s2] =	stream.indirect_vreg.scatter [tilespmem:s31], [sflag:$0x1], $0x80, v3, vm0, $0xb8;
	[tilespmem:$0x10100] =	vst v63  }
0x43: {  	s1 =	simm.s32 $0x6900  }
0x44: {  	[hbm4b:s4+s2] =	stream.indirect_vreg.scatter [tilespmem:s1], [sflag:$0x1], $0x80, v3, vm0, $0xb8;
	[tilespmem:$0x10100] =	vst v63  }
0x45: {  	s9 =	simm.s32 $0x7100  }
0x46: {  	[hbm4b:s5+s2] =	stream.indirect_vreg.scatter [tilespmem:s9], [sflag:$0x1], $0x80, v3, vm0, $0xb8;
	[tilespmem:$0x10100] =	vst v63  }
0x47: {  	_ = 	snop  }
0x48: {  	[hbm4b:s6+s2] =	stream.indirect_vreg.scatter [tilespmem:s10], [sflag:$0x1], $0x80, v3, vm0, $0xb8;
	[tilespmem:$0x10100] =	vst v63  }
0x49: {  	v3 =	vld [tilespmem:$0x20];
	_ =	sdelay $0x4  }
0x4a: {  	v58 =	vshll.u32 v3, $0x3  }
0x4b: {  	v3 =	vand.u32 $0x7, v3;
	v4 =	vand.u32 $0xFFFFFFC0, v58  }
0x4c: {  	v3 =	vor.u32 v3, v4  }
0x4d: {  	v4 =	vperm.xlane v3, v0;
	_ =	sdelay $0x1  }
0x4e: {  	v4 =	vadd.s32 v1, v4;
	_ =	sdelay $0x4  }
0x4f: {  	[hbm4b:s3+s2] =	stream.indirect_vreg.scatter [tilespmem:s11], [sflag:$0x1], $0x80, v4, vm0, $0xb8;
	[tilespmem:$0x10100] =	vst v63  }
0x50: {  	v3 =	vperm.xlane v3, v2  }
0x51: {  	[hbm4b:s4+s2] =	stream.indirect_vreg.scatter [tilespmem:s12], [sflag:$0x1], $0x80, v4, vm0, $0xb8;
	[tilespmem:$0x10100] =	vst v63  }
0x52: {  	v3 =	vadd.s32 v1, v3  }
0x53: {  	[hbm4b:s5+s2] =	stream.indirect_vreg.scatter [tilespmem:s13], [sflag:$0x1], $0x80, v4, vm0, $0xb8;
	[tilespmem:$0x10100] =	vst v63  }
0x54: {  	_ = 	snop  }
0x55: {  	[hbm4b:s6+s2] =	stream.indirect_vreg.scatter [tilespmem:s14], [sflag:$0x1], $0x80, v4, vm0, $0xb8;
	[tilespmem:$0x10100] =	vst v63  }
0x56: {  	_ = 	snop  }
0x57: {  	[hbm4b:s3+s2] =	stream.indirect_vreg.scatter [tilespmem:s15], [sflag:$0x1], $0x80, v3, vm0, $0xb8;
	[tilespmem:$0x10100] =	vst v63  }
0x58: {  	_ = 	snop  }
0x59: {  	[hbm4b:s4+s2] =	stream.indirect_vreg.scatter [tilespmem:s16], [sflag:$0x1], $0x80, v3, vm0, $0xb8;
	[tilespmem:$0x10100] =	vst v63  }
0x5a: {  	_ = 	snop  }
0x5b: {  	[hbm4b:s5+s2] =	stream.indirect_vreg.scatter [tilespmem:s17], [sflag:$0x1], $0x80, v3, vm0, $0xb8;
	[tilespmem:$0x10100] =	vst v63  }
0x5c: {  	s9 =	simm.s32 $0xB900  }
0x5d: {  	[hbm4b:s6+s2] =	stream.indirect_vreg.scatter [tilespmem:s9], [sflag:$0x1], $0x80, v3, vm0, $0xb8;
	[tilespmem:$0x10100] =	vst v63  }
0x5e: {  	v3 =	vld [tilespmem:$0x30];
	_ =	sdelay $0x4  }
0x5f: {  	v59 =	vshll.u32 v3, $0x3  }
0x60: {  	v3 =	vand.u32 $0x7, v3;
	v4 =	vand.u32 $0xFFFFFFC0, v59  }
0x61: {  	v3 =	vor.u32 v3, v4  }
0x62: {  	v4 =	vperm.xlane v3, v0;
	_ =	sdelay $0x1  }
0x63: {  	v4 =	vadd.s32 v1, v4;
	_ =	sdelay $0x3  }
0x64: {  	s1 =	simm.s32 $0xC100  }
0x65: {  	[hbm4b:s3+s2] =	stream.indirect_vreg.scatter [tilespmem:s1], [sflag:$0x1], $0x80, v4, vm0, $0xb8;
	[tilespmem:$0x10100] =	vst v63  }
0x66: {  	v3 =	vperm.xlane v3, v2;
	s1 =	simm.s32 $0xC900  }
0x67: {  	[hbm4b:s4+s2] =	stream.indirect_vreg.scatter [tilespmem:s1], [sflag:$0x1], $0x80, v4, vm0, $0xb8;
	[tilespmem:$0x10100] =	vst v63  }
0x68: {  	v3 =	vadd.s32 v1, v3;
	s1 =	simm.s32 $0xD100  }
0x69: {  	[hbm4b:s5+s2] =	stream.indirect_vreg.scatter [tilespmem:s1], [sflag:$0x1], $0x80, v4, vm0, $0xb8;
	[tilespmem:$0x10100] =	vst v63  }
0x6a: {  	s1 =	simm.s32 $0xD900  }
0x6b: {  	[hbm4b:s6+s2] =	stream.indirect_vreg.scatter [tilespmem:s1], [sflag:$0x1], $0x80, v4, vm0, $0xb8;
	[tilespmem:$0x10100] =	vst v63  }
0x6c: {  	s1 =	simm.s32 $0xE100  }
0x6d: {  	[hbm4b:s3+s2] =	stream.indirect_vreg.scatter [tilespmem:s1], [sflag:$0x1], $0x80, v3, vm0, $0xb8;
	[tilespmem:$0x10100] =	vst v63  }
0x6e: {  	s1 =	simm.s32 $0xE900  }
0x6f: {  	[hbm4b:s4+s2] =	stream.indirect_vreg.scatter [tilespmem:s1], [sflag:$0x1], $0x80, v3, vm0, $0xb8;
	[tilespmem:$0x10100] =	vst v63  }
0x70: {  	s1 =	simm.s32 $0xF100  }
0x71: {  	[hbm4b:s5+s2] =	stream.indirect_vreg.scatter [tilespmem:s1], [sflag:$0x1], $0x80, v3, vm0, $0xb8;
	[tilespmem:$0x10100] =	vst v63  }
0x72: {  	s1 =	simm.s32 $0xF900  }
0x73: {  	[hbm4b:s6+s2] =	stream.indirect_vreg.scatter [tilespmem:s1], [sflag:$0x1], $0x80, v3, vm0, $0xb8;
	[tilespmem:$0x10100] =	vst v63  }
0x74: {  	_ =	swait.ge [sflag:s18], $0x10000  }
0x75: {  	[sflag:s18] =	ssyncset.done $0x0  }
0x76: {  	[sflag:s18] =	ssyncadd.s32 $0xFFFF0000  }
0x77: {  	v3 =	vld [tilespmem:$0x80];
	_ =	sdelay $0x4  }
0x78: {  	v60 =	vshll.u32 v3, $0x3  }
0x79: {  	v3 =	vand.u32 $0x7, v3;
	v4 =	vand.u32 $0xFFFFFFC0, v60  }
0x7a: {  	v3 =	vor.u32 v3, v4  }
0x7b: {  	v4 =	vperm.xlane v3, v0;
	_ =	sdelay $0x1  }
0x7c: {  	v4 =	vadd.s32 v1, v4;
	_ =	sdelay $0x4  }
0x7d: {  	[hbm4b:s3+s2] =	stream.indirect_vreg.scatter [tilespmem:s0], [sflag:$0x1], $0x80, v4, vm0, $0xb8;
	[tilespmem:$0x10100] =	vst v63  }
0x7e: {  	v3 =	vperm.xlane v3, v2  }
0x7f: {  	[hbm4b:s4+s2] =	stream.indirect_vreg.scatter [tilespmem:s19], [sflag:$0x1], $0x80, v4, vm0, $0xb8;
	[tilespmem:$0x10100] =	vst v63  }
0x80: {  	v3 =	vadd.s32 v1, v3  }
0x81: {  	[hbm4b:s5+s2] =	stream.indirect_vreg.scatter [tilespmem:s20], [sflag:$0x1], $0x80, v4, vm0, $0xb8;
	[tilespmem:$0x10100] =	vst v63  }
0x82: {  	_ = 	snop  }
0x83: {  	[hbm4b:s6+s2] =	stream.indirect_vreg.scatter [tilespmem:s21], [sflag:$0x1], $0x80, v4, vm0, $0xb8;
	[tilespmem:$0x10100] =	vst v63  }
0x84: {  	_ = 	snop  }
0x85: {  	[hbm4b:s3+s2] =	stream.indirect_vreg.scatter [tilespmem:s22], [sflag:$0x1], $0x80, v3, vm0, $0xb8;
	[tilespmem:$0x10100] =	vst v63  }
0x86: {  	_ = 	snop  }
0x87: {  	[hbm4b:s4+s2] =	stream.indirect_vreg.scatter [tilespmem:s23], [sflag:$0x1], $0x80, v3, vm0, $0xb8;
	[tilespmem:$0x10100] =	vst v63  }
0x88: {  	_ = 	snop  }
0x89: {  	[hbm4b:s5+s2] =	stream.indirect_vreg.scatter [tilespmem:s24], [sflag:$0x1], $0x80, v3, vm0, $0xb8;
	[tilespmem:$0x10100] =	vst v63  }
0x8a: {  	_ = 	snop  }
0x8b: {  	[hbm4b:s6+s2] =	stream.indirect_vreg.scatter [tilespmem:s25], [sflag:$0x1], $0x80, v3, vm0, $0xb8;
	[tilespmem:$0x10100] =	vst v63  }
0x8c: {  	v3 =	vld [tilespmem:$0x90];
	_ =	sdelay $0x4  }
0x8d: {  	v61 =	vshll.u32 v3, $0x3  }
0x8e: {  	v3 =	vand.u32 $0x7, v3;
	v4 =	vand.u32 $0xFFFFFFC0, v61  }
0x8f: {  	v3 =	vor.u32 v3, v4  }
0x90: {  	v4 =	vperm.xlane v3, v0;
	_ =	sdelay $0x1  }
0x91: {  	v4 =	vadd.s32 v1, v4;
	_ =	sdelay $0x4  }
0x92: {  	[hbm4b:s3+s2] =	stream.indirect_vreg.scatter [tilespmem:s26], [sflag:$0x1], $0x80, v4, vm0, $0xb8;
	[tilespmem:$0x10100] =	vst v63  }
0x93: {  	v3 =	vperm.xlane v3, v2  }
0x94: {  	[hbm4b:s4+s2] =	stream.indirect_vreg.scatter [tilespmem:s28], [sflag:$0x1], $0x80, v4, vm0, $0xb8;
	[tilespmem:$0x10100] =	vst v63  }
0x95: {  	v3 =	vadd.s32 v1, v3  }
0x96: {  	[hbm4b:s5+s2] =	stream.indirect_vreg.scatter [tilespmem:s29], [sflag:$0x1], $0x80, v4, vm0, $0xb8;
	[tilespmem:$0x10100] =	vst v63  }
0x97: {  	_ = 	snop  }
0x98: {  	[hbm4b:s6+s2] =	stream.indirect_vreg.scatter [tilespmem:s30], [sflag:$0x1], $0x80, v4, vm0, $0xb8;
	[tilespmem:$0x10100] =	vst v63  }
0x99: {  	_ = 	snop  }
0x9a: {  	[hbm4b:s3+s2] =	stream.indirect_vreg.scatter [tilespmem:s31], [sflag:$0x1], $0x80, v3, vm0, $0xb8;
	[tilespmem:$0x10100] =	vst v63  }
0x9b: {  	s20 =	simm.s32 $0x6900  }
0x9c: {  	[hbm4b:s4+s2] =	stream.indirect_vreg.scatter [tilespmem:s20], [sflag:$0x1], $0x80, v3, vm0, $0xb8;
	[tilespmem:$0x10100] =	vst v63  }
0x9d: {  	s19 =	simm.s32 $0x7100  }
0x9e: {  	[hbm4b:s5+s2] =	stream.indirect_vreg.scatter [tilespmem:s19], [sflag:$0x1], $0x80, v3, vm0, $0xb8;
	[tilespmem:$0x10100] =	vst v63  }
0x9f: {  	_ = 	snop  }
0xa0: {  	[hbm4b:s6+s2] =	stream.indirect_vreg.scatter [tilespmem:s10], [sflag:$0x1], $0x80, v3, vm0, $0xb8;
	[tilespmem:$0x10100] =	vst v63  }
0xa1: {  	v3 =	vld [tilespmem:$0xA0];
	_ =	sdelay $0x4  }
0xa2: {  	v62 =	vshll.u32 v3, $0x3  }
0xa3: {  	v3 =	vand.u32 $0x7, v3;
	v4 =	vand.u32 $0xFFFFFFC0, v62  }
0xa4: {  	v3 =	vor.u32 v3, v4  }
0xa5: {  	v4 =	vperm.xlane v3, v0;
	_ =	sdelay $0x1  }
0xa6: {  	v4 =	vadd.s32 v1, v4;
	_ =	sdelay $0x4  }
0xa7: {  	[hbm4b:s3+s2] =	stream.indirect_vreg.scatter [tilespmem:s11], [sflag:$0x1], $0x80, v4, vm0, $0xb8;
	[tilespmem:$0x10100] =	vst v63  }
0xa8: {  	v3 =	vperm.xlane v3, v2  }
0xa9: {  	[hbm4b:s4+s2] =	stream.indirect_vreg.scatter [tilespmem:s12], [sflag:$0x1], $0x80, v4, vm0, $0xb8;
	[tilespmem:$0x10100] =	vst v63  }
0xaa: {  	v3 =	vadd.s32 v1, v3  }
0xab: {  	[hbm4b:s5+s2] =	stream.indirect_vreg.scatter [tilespmem:s13], [sflag:$0x1], $0x80, v4, vm0, $0xb8;
	[tilespmem:$0x10100] =	vst v63  }
0xac: {  	_ = 	snop  }
0xad: {  	[hbm4b:s6+s2] =	stream.indirect_vreg.scatter [tilespmem:s14], [sflag:$0x1], $0x80, v4, vm0, $0xb8;
	[tilespmem:$0x10100] =	vst v63  }
0xae: {  	_ = 	snop  }
0xaf: {  	[hbm4b:s3+s2] =	stream.indirect_vreg.scatter [tilespmem:s15], [sflag:$0x1], $0x80, v3, vm0, $0xb8;
	[tilespmem:$0x10100] =	vst v63  }
0xb0: {  	_ = 	snop  }
0xb1: {  	[hbm4b:s4+s2] =	stream.indirect_vreg.scatter [tilespmem:s16], [sflag:$0x1], $0x80, v3, vm0, $0xb8;
	[tilespmem:$0x10100] =	vst v63  }
0xb2: {  	_ = 	snop  }
0xb3: {  	[hbm4b:s5+s2] =	stream.indirect_vreg.scatter [tilespmem:s17], [sflag:$0x1], $0x80, v3, vm0, $0xb8;
	[tilespmem:$0x10100] =	vst v63  }
0xb4: {  	_ = 	snop  }
0xb5: {  	[hbm4b:s6+s2] =	stream.indirect_vreg.scatter [tilespmem:s9], [sflag:$0x1], $0x80, v3, vm0, $0xb8;
	[tilespmem:$0x10100] =	vst v63  }
0xb6: {  	v3 =	vld [tilespmem:$0xB0];
	_ =	sdelay $0x4  }
0xb7: {  	v63 =	vshll.u32 v3, $0x3  }
0xb8: {  	v3 =	vand.u32 $0x7, v3;
	v4 =	vand.u32 $0xFFFFFFC0, v63  }
0xb9: {  	v3 =	vor.u32 v3, v4  }
0xba: {  	v4 =	vperm.xlane v3, v0;
	_ =	sdelay $0x1  }
0xbb: {  	v4 =	vadd.s32 v1, v4;
	_ =	sdelay $0x3  }
0xbc: {  	s20 =	simm.s32 $0xC100  }
0xbd: {  	[hbm4b:s3+s2] =	stream.indirect_vreg.scatter [tilespmem:s20], [sflag:$0x1], $0x80, v4, vm0, $0xb8;
	[tilespmem:$0x10100] =	vst v63  }
0xbe: {  	s9 =	simm.s32 $0xC900;
	v3 =	vperm.xlane v3, v2  }
0xbf: {  	[hbm4b:s4+s2] =	stream.indirect_vreg.scatter [tilespmem:s9], [sflag:$0x1], $0x80, v4, vm0, $0xb8;
	[tilespmem:$0x10100] =	vst v63  }
0xc0: {  	s19 =	simm.s32 $0xD100;
	v3 =	vadd.s32 v1, v3  }
0xc1: {  	[hbm4b:s5+s2] =	stream.indirect_vreg.scatter [tilespmem:s19], [sflag:$0x1], $0x80, v4, vm0, $0xb8;
	[tilespmem:$0x10100] =	vst v63  }
0xc2: {  	s20 =	simm.s32 $0xD900  }
0xc3: {  	[hbm4b:s6+s2] =	stream.indirect_vreg.scatter [tilespmem:s20], [sflag:$0x1], $0x80, v4, vm0, $0xb8;
	[tilespmem:$0x10100] =	vst v63  }
0xc4: {  	s9 =	simm.s32 $0xE100  }
0xc5: {  	[hbm4b:s3+s2] =	stream.indirect_vreg.scatter [tilespmem:s9], [sflag:$0x1], $0x80, v3, vm0, $0xb8;
	[tilespmem:$0x10100] =	vst v63  }
0xc6: {  	s19 =	simm.s32 $0xE900  }
0xc7: {  	[hbm4b:s4+s2] =	stream.indirect_vreg.scatter [tilespmem:s19], [sflag:$0x1], $0x80, v3, vm0, $0xb8;
	[tilespmem:$0x10100] =	vst v63  }
0xc8: {  	p0 =	sne.s32 s7, $0x1;
	s20 =	simm.s32 $0xF100  }
0xc9: {  	[hbm4b:s5+s2] =	stream.indirect_vreg.scatter [tilespmem:s20], [sflag:$0x1], $0x80, v3, vm0, $0xb8;
	[tilespmem:$0x10100] =	vst v63  }
.Ltmp0:
0xca: {  	_ = 	snop;
	(pc) =	sbr.rel @p0 .LBB2_1-.Ltmp0, $4  }
0xcb: {  	[hbm4b:s6+s2] =	stream.indirect_vreg.scatter [tilespmem:s1], [sflag:$0x1], $0x80, v3, vm0, $0xb8;
	[tilespmem:$0x10100] =	vst v63  }
0xcc: {  	_ =	swait.ge [sflag:s18], $0x10000  }
0xcd: {  	[sflag:s18] =	ssyncset.done $0x0  }
0xce: {  	s7 =	sadd.s32 $0xFFFFFFFF, s7;
	[sflag:s18] =	ssyncadd.s32 $0xFFFF0000  }
0xcf: {  	_ =	sfence.sel $0x180000  }
0xd0: {  	[bflag:$0x0] =	sbarrier.arrive $0xFFFF  }
0xd1: {  	_ =	strace $0x90000047  }
0xd2: {  	s0 =	stileid.u32;
	[bflag:$0x2] =	sbarrier.arrive $0xFFFF  }
0xd3: {  	p0 =	sne.s32 s0, $0x0;
	s0 =	rddreg [dreg:$0x2]  }
0xd4: {  	s0 =	sadd.s32 @!p0 $0x100000, s0  }
0xd5: {  	[sflag:s0] =	ssyncadd.tile.s32 @!p0 $0x1;
	_ =	shalt  }
.Lfunc_end2:
_tile_overlayer_lowered:
.L_overlay_start_2:
0xd6: {  	(tag) =	ssettag $0x2  }
0xd7: {  	s0 =	rddreg [dreg:$0x0];
	s2 =	stileid.u32  }
0xd8: {  	s1 =	rddreg [dreg:$0x1];
	p0 =	sne.s32 s2, $0x0  }
0xd9: {  	s3 =	rddreg [dreg:$0x2];
	[bflag:$0x3] =	sbarrier.arrive $0xFFFF;
	s2 =	simm.s32 @!p0 $0x1C02  }
0xda: {  	[timem:s3], [sflag:s2] =	dma.local @!p0 [hbm:s0], s1  }
0xdb: {  	s0 =	simm.s32 @!p0 $0x2  }
0xdc: {  	_ =	swait.ge @!p0 [sflag:s0], s1  }
0xdd: {  	s1 =	ssub.s32 @!p0 $0x0, s1;
	[sflag:s0] =	ssyncset.done @!p0 $0x0  }
0xde: {  	[sflag:s0] =	ssyncadd.s32 @!p0 s1  }
0xdf: {  	[bflag:$0x3] =	sbarrier.arrive $0xFFFF  }
0xe0: {  	_ =	shalt  }

// kernel: kernel.13.cloned.1.call-start
scs
__scs_entry_jumppad:
0x0: {  	(pc) =	sbr.rel $0x88, $3  }
0x1: {  	(tag) =	ssettag $0x0;
	lr =	simm.s32 $0x1  }
0x2: {  	[smem:$0x3F93] =	sst lr;
	_ =	strace $0xD0000000  }
0x3: {  	_ = 	snop  }
0x4: {  	_ = 	snop  }
0x5: {  	_ = 	snop  }
0x6: {  	_ = 	snop  }
0x7: {  	_ = 	snop  }
__scs_overlays_trampoline_lowered:
0x8: {  	[smem:$0x3FA2] =	sst s0  }
0x9: {  	[smem:$0x3FA3] =	sst s1  }
0xa: {  	[smem:$0x3FA4] =	sst s2  }
0xb: {  	[smem:$0x3FA5] =	sst s3  }
0xc: {  	[smem:$0x3FA6] =	sst s4  }
0xd: {  	[smem:$0x3FA7] =	sst s5  }
0xe: {  	[smem:$0x3FA8] =	sst s6  }
0xf: {  	[smem:$0x3FA9] =	sst s7  }
0x10: {  	[smem:$0x3FAA] =	sst s8  }
0x11: {  	[smem:$0x3FAB] =	sst s9;
	s0 =	simm.s32 @!p0 $0x0  }
0x12: {  	s1 =	sld [smem:$0x3F91];
	s0 =	simm.s32 @p0 $0x1  }
0x13: {  	[smem:$0x3FAC] =	sst s0;
	s0 =	simm.s32 @!p1 $0x0  }
0x14: {  	s2 =	sld [smem:$0x3F90];
	s0 =	simm.s32 @p1 $0x1  }
0x15: {  	[smem:$0x3FAD] =	sst s0;
	s0 =	simm.s32 @!p2 $0x0  }
0x16: {  	s3 =	sld [smem:$0x3FDB];
	s0 =	simm.s32 @p2 $0x1  }
0x17: {  	s4 =	simm.s32 $0x1BF5;
	[smem:$0x3FAF] =	sst s0  }
0x18: {  	s0 =	sld [smem:$0x3F92];
	_ =	swait.ge [sflag:s4], $0x0  }
0x19: {  	s7 =	sld [smem:$0x3F93]  }
0x1a: {  	s8 =	sadd.s32 $0xFFFFE003, lr  }
0x1b: {  	s9 =	sadd.s32 $0xFFFFFEF7, lr;
	s5 =	simm.s32 $0xFFFFFFFF;
	p2 =	slt.u32 s8, $0xFFFFF086  }
0x1c: {  	p1 =	slt.u32 s9, $0xF7A;
	s5 =	simm.s32 @!p2 $0x0  }
0x1d: {  	s5 =	simm.s32 @p1 $0x1;
	p0 =	seq.s32 s7, s2  }
0x1e: {  	s7 =	smul.u32 @!p0 $0xF7A, s2;
	p2 =	seq.s32 @!p0 s5, $0x0  }
0x1f: {  	s9 =	smul.u32 $0xF7A, s1;
	s8 =	simm.s32 @!p0 $0x1BF5;
	p2 =	por !p2, p0  }
0x20: {  	[sflag:s8] =	ssyncset.s32 @!p0 $0xFFFFF086;
	s6 =	sadd.s32 @!p0 s3, s7;
	s7 =	simm.s32 @!p0 $0x108  }
0x21: {  	s3 =	sadd.s32 s3, s9;
	s6 =	sadd.s32 @!p0 $0x88, s6;
	s7 =	simm.s32 @p2 $0x1082  }
0x22: {  	[simem:s7], [sflag:s8] =	dma.local @!p0 [hbm:s6], $0xF7A  }
0x23: {  	s9 =	sor.u32 $0xD0000000, s2;
	s6 =	simm.s32 $0x108;
	_ =	swait.ge @!p0 [sflag:s8], $0x0  }
0x24: {  	s3 =	sadd.s32 $0x88, s3;
	s6 =	simm.s32 @!p1 $0x1082;
	[sflag:s4] =	ssyncset.s32 $0xFFFFF086  }
0x25: {  	[simem:s6], [sflag:s4] =	dma.local [hbm:s3], $0xF7A  }
0x26: {  	[smem:$0x3F93] =	sst s1;
	(tag) =	ssettag s2;
	_ =	strace s9  }
0x27: {  	s1 =	sld [smem:$0x3FA3]  }
0x28: {  	s2 =	sld [smem:$0x3FA4]  }
0x29: {  	s4 =	sld [smem:$0x3FA6]  }
0x2a: {  	p0 =	seq.s32 s5, $0x0;
	s5 =	sld [smem:$0x3FA7]  }
0x2b: {  	s6 =	sld [smem:$0x3FA8]  }
0x2c: {  	s7 =	sld [smem:$0x3FA9]  }
0x2d: {  	s3 =	simm.s32 $0x108;
	s8 =	sld [smem:$0x3FAA]  }
0x2e: {  	s3 =	simm.s32 @!p0 $0x1082;
	s9 =	sld [smem:$0x3FAB]  }
0x2f: {  	lr =	sadd.s32 s0, s3;
	s0 =	sld [smem:$0x3FA2]  }
0x30: {  	s3 =	sld [smem:$0x3FA5]  }
0x31: {  	[smem:$0x3FAE] =	sst s10  }
0x32: {  	s10 =	sld [smem:$0x3FAC];
	_ =	sdelay $0x3  }
0x33: {  	p0 =	seq.s32 s10, $0x1;
	s10 =	sld [smem:$0x3FAE];
	_ =	sdelay $0x3  }
0x34: {  	[smem:$0x3FAE] =	sst s10  }
0x35: {  	s10 =	sld [smem:$0x3FAD];
	_ =	sdelay $0x3  }
0x36: {  	p1 =	seq.s32 s10, $0x1;
	s10 =	sld [smem:$0x3FAE];
	_ =	sdelay $0x3  }
0x37: {  	[smem:$0x3FAE] =	sst s10  }
0x38: {  	s10 =	sld [smem:$0x3FAF]  }
0x39: {  	_ = 	snop;
	(pc) =	sbr.ind lr, $3  }
0x3a: {  	_ = 	snop  }
0x3b: {  	_ = 	snop  }
0x3c: {  	p2 =	seq.s32 s10, $0x1;
	s10 =	sld [smem:$0x3FAE]  }
0x3d: {  	_ =	shalt  }
0x3e: {  	_ =	shalt  }
0x3f: {  	_ =	shalt  }
0x40: {  	_ =	shalt  }
0x41: {  	_ =	shalt  }
0x42: {  	_ =	shalt  }
0x43: {  	_ =	shalt  }
0x44: {  	_ =	shalt  }
0x45: {  	_ =	shalt  }
0x46: {  	_ =	shalt  }
0x47: {  	_ =	shalt  }
0x48: {  	_ =	shalt  }
0x49: {  	_ =	shalt  }
0x4a: {  	_ =	shalt  }
0x4b: {  	_ =	shalt  }
0x4c: {  	_ =	shalt  }
0x4d: {  	_ =	shalt  }
0x4e: {  	_ =	shalt  }
0x4f: {  	_ =	shalt  }
0x50: {  	_ =	shalt  }
0x51: {  	_ =	shalt  }
0x52: {  	_ =	shalt  }
0x53: {  	_ =	shalt  }
0x54: {  	_ =	shalt  }
0x55: {  	_ =	shalt  }
0x56: {  	_ =	shalt  }
0x57: {  	_ =	shalt  }
0x58: {  	_ =	shalt  }
0x59: {  	_ =	shalt  }
0x5a: {  	_ =	shalt  }
0x5b: {  	_ =	shalt  }
0x5c: {  	_ =	shalt  }
0x5d: {  	_ =	shalt  }
0x5e: {  	_ =	shalt  }
0x5f: {  	_ =	shalt  }
0x60: {  	_ =	shalt  }
0x61: {  	_ =	shalt  }
0x62: {  	_ =	shalt  }
0x63: {  	_ =	shalt  }
0x64: {  	_ =	shalt  }
0x65: {  	_ =	shalt  }
0x66: {  	_ =	shalt  }
0x67: {  	_ =	shalt  }
0x68: {  	_ =	shalt  }
0x69: {  	_ =	shalt  }
0x6a: {  	_ =	shalt  }
0x6b: {  	_ =	shalt  }
0x6c: {  	_ =	shalt  }
0x6d: {  	_ =	shalt  }
0x6e: {  	_ =	shalt  }
0x6f: {  	_ =	shalt  }
0x70: {  	_ =	shalt  }
0x71: {  	_ =	shalt  }
0x72: {  	_ =	shalt  }
0x73: {  	_ =	shalt  }
0x74: {  	_ =	shalt  }
0x75: {  	_ =	shalt  }
0x76: {  	_ =	shalt  }
0x77: {  	_ =	shalt  }
0x78: {  	_ =	shalt  }
0x79: {  	_ =	shalt  }
0x7a: {  	_ =	shalt  }
0x7b: {  	_ =	shalt  }
0x7c: {  	_ =	shalt  }
0x7d: {  	_ =	shalt  }
0x7e: {  	_ =	shalt  }
0x7f: {  	_ =	shalt  }
0x80: {  	_ =	shalt  }
0x81: {  	_ =	shalt  }
0x82: {  	_ =	shalt  }
0x83: {  	_ =	shalt  }
0x84: {  	_ =	shalt  }
0x85: {  	_ =	shalt  }
0x86: {  	_ =	shalt  }
0x87: {  	_ =	shalt  }
.Lfunc_end0:
.L_simem_size_0:
called_computation.1_lowered:
.L_overlay_start_0:
0x88: {  	s2 =	sld [smem:$0x3FD9]  }
0x89: {  	s3 =	sld [smem:$0x3FFE];
	_ =	sdelay $0x1  }
0x8a: {  	s1 =	srdreg.scid  }
0x8b: {  	s0 =	sand.u32 $0x1, s1  }
0x8c: {  	s16 =	sshll.u32 s0, $0xA;
	s2 =	sadd.s32 s3, s2  }
0x8d: {  	s2 =	sadd.s32 s2, s16  }
0x8e: {  	[smem:$0x3FBA] =	sst s2  }
0x8f: {  	_ = 	snop  }
0x90: {  	(tm) =	ssettm $0x1  }
0x91: {  	s17 =	sld [smem:$0x3FFB];
	_ =	sdelay $0x3  }
0x92: {  	_ =	strace s17  }
0x93: {  	s2 =	sld [smem:$0x3FFC];
	_ =	sdelay $0x3  }
0x94: {  	_ =	strace s2  }
0x95: {  	s2 =	sld [smem:$0x3FFD];
	_ =	sdelay $0x3  }
0x96: {  	_ =	strace s2  }
0x97: {  	_ =	strace $0x8FFFFFFF  }
0x98: {  	s18 =	sld [smem:$0x3FDB];
	_ =	sdelay $0x1  }
0x99: {  	s19 =	simm.s32 $_scs_section_size  }
0x9a: {  	s4 =	simm.s32 $_size__tile_overlayer_lowered;
	s5 =	simm.s32 $_tile_overlayer_lowered  }
0x9b: {  	s22 =	simm.s32 $0x1BFF;
	s21 =	sshll.u32 s5, $0x1;
	s2 =	sadd.s32 s19, s18  }
0x9c: {  	s6 =	simm.s32 $0x0;
	s20 =	sshll.u32 s4, $0x1;
	s4 =	sadd.s32 s21, s2  }
0x9d: {  	[timem:s6], [sflag:s22] =	dma.local [hbm:s4], s20  }
0x9e: {  	_ =	swait.ge [sflag:s22], s20  }
0x9f: {  	s3 =	ssub.s32 $0x0, s20;
	[sflag:s22] =	ssyncset.done $0x0  }
0xa0: {  	[sflag:s22] =	ssyncadd.s32 s3;
	_ =	sdelay $0x1  }
0xa1: {  	s23 =	simm.s32 $0x1B8B  }
0xa2: {  	_ =	swait.ge [sflag:s23], $0x1  }
0xa3: {  	[sflag:s23] =	ssyncset.done $0x0  }
0xa4: {  	s25 =	simm.s32 $0x1B8E;
	s24 =	sld [smem:$0x3FFE];
	[sflag:s23] =	ssyncadd.s32 $0xFFFFFFFF  }
0xa5: {  	s26 =	simm.s32 $execute0_lowered;
	[smem:$0x3FD2] =	sst s25  }
0xa6: {  	s4 =	sshll.u32 s26, $0x1;
	_ =	strace $0x80000049;
	[dreg:$0x1] =	wrdreg $0xFFFFFFFF  }
0xa7: {  	s28 =	simm.s32 $_size_execute0_lowered;
	s2 =	sadd.s32 s2, s4;
	[dreg:$0x0] =	wrdreg $0x0  }
0xa8: {  	s4 =	sshll.u32 s28, $0x1;
	[dreg:$0x2] =	wrdreg s2  }
0xa9: {  	[dreg:$0x3] =	wrdreg s4  }
0xaa: {  	[dreg:$0x4] =	wrdreg $0xC0  }
0xab: {  	_ =	task [dreg:s6], $0x5FFFF  }
0xac: {  	[dreg:$0x1] =	wrdreg $0xFFFFFFFF  }
0xad: {  	[dreg:$0x0] =	wrdreg $0x60  }
0xae: {  	[dreg:$0x2] =	wrdreg s24  }
0xaf: {  	[dreg:$0x3] =	wrdreg $0x9  }
0xb0: {  	_ =	task.clear_ibuf [dreg:s6], $0x4FFFF;
	_ =	strace $0x90000049  }
0xb1: {  	s29 =	simm.s32 $0x9;
	_ =	strace $0x8000004B  }
0xb2: {  	_ =	swait.ge [sflag:s29], $0x1  }
0xb3: {  	[sflag:s29] =	ssyncadd.s32 $0xFFFFFFFF  }
0xb4: {  	_ =	strace $0x9000004B  }
0xb5: {  	_ =	sfence  }
0xb6: {  	s30 =	sld [smem:$0x0];
	_ =	sdelay $0x2  }
0xb7: {  	s31 =	sshll.u32 s1, $0xD;
	s1 =	sshrl.u32 s1, $0x2  }
0xb8: {  	s3 =	sand.u32 $0x4000, s31;
	s1 =	sadd.s32 s1, s30  }
0xb9: {  	s0 =	sor.u32 s3, s0;
	s1 =	sshll.u32 s1, $0x11  }
0xba: {  	s0 =	sor.u32 s1, s0  }
0xbb: {  	s0 =	sadd.s32 $0x8F2B, s0  }
0xbc: {  	[sflag:s0] =	ssyncadd.remote.s32 $0x1  }
0xbd: {  	_ =	sfence.sel $0xFFFF  }
0xbe: {  	[dreg:$0x0] =	wrdreg $0xFFFFFFFF;
	(pc) =	sbr.abs _section_cstart, $3  }
0xbf: {  	[dreg:$0x1] =	wrdreg $0xFFFFFFFF  }
0xc0: {  	_ =	task.clear_ibuf [dreg:s6], $0x2FFFF;
	_ =	strace $0x9FFFFFFF  }
0xc1: {  	(tm) =	ssettm $0x7FFFFFFF  }
tec
execute0_lowered:
.L_overlay_start_1:
0x0: {  	(tag) =	ssettag $0x1  }
0x1: {  	s0 =	rddreg [dreg:$0x0];
	s1 =	srdreg.scid  }
0x2: {  	s2 =	simm.s32 $0x0;
	s4 =	stileid.u32;
	s18 =	simm.s32 $0x1  }
0x3: {  	s20 =	simm.s32 $0x880;
	s21 =	simm.s32 $0x1080;
	s22 =	simm.s32 $0x1880  }
0x4: {  	s28 =	simm.s32 $0x4080;
	s29 =	simm.s32 $0x4880;
	s30 =	simm.s32 $0x5080  }
0x5: {  	s31 =	simm.s32 $0x5880;
	s10 =	simm.s32 $0x7080;
	s11 =	simm.s32 $0x7880  }
0x6: {  	s12 =	simm.s32 $0x8080;
	s13 =	simm.s32 $0x8880;
	s14 =	simm.s32 $0x9080  }
0x7: {  	s15 =	simm.s32 $0x9880;
	s16 =	simm.s32 $0xA080;
	s17 =	simm.s32 $0xA880  }
0x8: {  	s9 =	simm.s32 $0xB080;
	s1 =	sand.u32 $0x1, s1;
	[smem:$0x7FF] =	sst s2  }
0x9: {  	s4 =	sshll.u32 s4, $0x6;
	s3 =	sshll.u32 s1, $0xA;
	_ =	strace $0x8000004A  }
0xa: {  	s1 =	ssub.s32 $0x2, s1;
	s4 =	sor.u32 s4, s3;
	s3 =	sadd.s32 $0x1B2E00, s0  }
0xb: {  	s23 =	sshrl.u32 s1, $0x1;
	s5 =	sshrl.u32 s4, $0x3;
	s4 =	sshll.u32 s4, $0x7  }
0xc: {  	s1 =	ssub.s32 s1, s23;
	s23 =	simm.s32 $0x2080;
	s6 =	sadd.s32 s5, s0  }
0xd: {  	s7 =	sadd.s32 s4, s0;
	s4 =	sadd.s32 $0x1B2F00, s0;
	s24 =	sadd.s32 $0x42A00, s6  }
0xe: {  	s5 =	sadd.s32 $0x1B3000, s0;
	s8 =	sadd.s32 $0x42E00, s7;
	[dreg:$0x2] =	wrdreg s24  }
0xf: {  	s25 =	sadd.s32 $0x42C00, s6;
	s6 =	sadd.s32 $0x1B3100, s0;
	[dreg:$0x3] =	wrdreg s8  }
0x10: {  	v2 =	vlaneseq.u32;
	s26 =	sadd.s32 $0x82E00, s7;
	s7 =	smax.u32 s1, $0x1;
	[dreg:$0x4] =	wrdreg s25  }
0x11: {  	vm0 =	vmmov $0xffff;
	v1 =	vshrl.u32 v2, $0x3;
	s0 =	simm.s32 $0x80;
	[dreg:$0x5] =	wrdreg s26;
	s8 =	simm.s32 $0x2  }
0x12: {  	v0 =	vand.u32 $0x7, v2;
	v2 =	vor.u32 $0x8, v2;
	v1 =	vmul.u32 $0x8, v1;
	s24 =	simm.s32 $0x2880;
	s25 =	simm.s32 $0x3080;
	s26 =	simm.s32 $0x3880  }
.LBB2_1:
0x13: {  	s19 =	rddreg [dreg:$0x2]  }
0x14: {  	[tilespmem:s2], [sflag:$0x2] =	stream.linear.gather [hbm4b:s19+s2], $0x40, $0x38;
	[tilespmem:$0x10080] =	vst v63  }
0x15: {  	_ =	swait.ge [sflag:s8], $0x40  }
0x16: {  	[sflag:s8] =	ssyncset.done $0x0  }
0x17: {  	[sflag:s8] =	ssyncadd.s32 $0xFFFFFFC0  }
0x18: {  	v3 =	vld [tilespmem:$0x0];
	_ =	sdelay $0x4  }
0x19: {  	v4 =	vshll.u32 v3, $0x3  }
0x1a: {  	v3 =	vand.u32 $0x7, v3;
	v4 =	vand.u32 $0xFFFFFFC0, v4  }
0x1b: {  	v3 =	vor.u32 v3, v4  }
0x1c: {  	v4 =	vperm.xlane v3, v0;
	_ =	sdelay $0x1  }
0x1d: {  	v4 =	vadd.s32 v1, v4;
	_ =	sdelay $0x4  }
0x1e: {  	[tilespmem:s0], [sflag:$0x1] =	stream.indirect_vreg.gather [hbm4b:s3+s2], $0x80, v4, vm0, $0xb8;
	[tilespmem:$0x10080] =	vst v63  }
0x1f: {  	v3 =	vperm.xlane v3, v2  }
0x20: {  	[tilespmem:s20], [sflag:$0x1] =	stream.indirect_vreg.gather [hbm4b:s4+s2], $0x80, v4, vm0, $0xb8;
	[tilespmem:$0x10080] =	vst v63  }
0x21: {  	v3 =	vadd.s32 v1, v3  }
0x22: {  	[tilespmem:s21], [sflag:$0x1] =	stream.indirect_vreg.gather [hbm4b:s5+s2], $0x80, v4, vm0, $0xb8;
	[tilespmem:$0x10080] =	vst v63  }
0x23: {  	_ = 	snop  }
0x24: {  	[tilespmem:s22], [sflag:$0x1] =	stream.indirect_vreg.gather [hbm4b:s6+s2], $0x80, v4, vm0, $0xb8;
	[tilespmem:$0x10080] =	vst v63  }
0x25: {  	_ = 	snop  }
0x26: {  	[tilespmem:s23], [sflag:$0x1] =	stream.indirect_vreg.gather [hbm4b:s3+s2], $0x80, v3, vm0, $0xb8;
	[tilespmem:$0x10080] =	vst v63  }
0x27: {  	_ = 	snop  }
0x28: {  	[tilespmem:s24], [sflag:$0x1] =	stream.indirect_vreg.gather [hbm4b:s4+s2], $0x80, v3, vm0, $0xb8;
	[tilespmem:$0x10080] =	vst v63  }
0x29: {  	_ = 	snop  }
0x2a: {  	[tilespmem:s25], [sflag:$0x1] =	stream.indirect_vreg.gather [hbm4b:s5+s2], $0x80, v3, vm0, $0xb8;
	[tilespmem:$0x10080] =	vst v63  }
0x2b: {  	_ = 	snop  }
0x2c: {  	[tilespmem:s26], [sflag:$0x1] =	stream.indirect_vreg.gather [hbm4b:s6+s2], $0x80, v3, vm0, $0xb8;
	[tilespmem:$0x10080] =	vst v63  }
0x2d: {  	v3 =	vld [tilespmem:$0x10];
	_ =	sdelay $0x4  }
0x2e: {  	v57 =	vshll.u32 v3, $0x3  }
0x2f: {  	v3 =	vand.u32 $0x7, v3;
	v4 =	vand.u32 $0xFFFFFFC0, v57  }
0x30: {  	v3 =	vor.u32 v3, v4  }
0x31: {  	v4 =	vperm.xlane v3, v0;
	_ =	sdelay $0x1  }
0x32: {  	v4 =	vadd.s32 v1, v4;
	_ =	sdelay $0x4  }
0x33: {  	[tilespmem:s28], [sflag:$0x1] =	stream.indirect_vreg.gather [hbm4b:s3+s2], $0x80, v4, vm0, $0xb8;
	[tilespmem:$0x10080] =	vst v63  }
0x34: {  	v3 =	vperm.xlane v3, v2  }
0x35: {  	[tilespmem:s29], [sflag:$0x1] =	stream.indirect_vreg.gather [hbm4b:s4+s2], $0x80, v4, vm0, $0xb8;
	[tilespmem:$0x10080] =	vst v63  }
0x36: {  	v3 =	vadd.s32 v1, v3  }
0x37: {  	[tilespmem:s30], [sflag:$0x1] =	stream.indirect_vreg.gather [hbm4b:s5+s2], $0x80, v4, vm0, $0xb8;
	[tilespmem:$0x10080] =	vst v63  }
0x38: {  	_ = 	snop  }
0x39: {  	[tilespmem:s31], [sflag:$0x1] =	stream.indirect_vreg.gather [hbm4b:s6+s2], $0x80, v4, vm0, $0xb8;
	[tilespmem:$0x10080] =	vst v63  }
0x3a: {  	s1 =	simm.s32 $0x6080  }
0x3b: {  	[tilespmem:s1], [sflag:$0x1] =	stream.indirect_vreg.gather [hbm4b:s3+s2], $0x80, v3, vm0, $0xb8;
	[tilespmem:$0x10080] =	vst v63  }
0x3c: {  	s1 =	simm.s32 $0x6880  }
0x3d: {  	[tilespmem:s1], [sflag:$0x1] =	stream.indirect_vreg.gather [hbm4b:s4+s2], $0x80, v3, vm0, $0xb8;
	[tilespmem:$0x10080] =	vst v63  }
0x3e: {  	_ = 	snop  }
0x3f: {  	[tilespmem:s10], [sflag:$0x1] =	stream.indirect_vreg.gather [hbm4b:s5+s2], $0x80, v3, vm0, $0xb8;
	[tilespmem:$0x10080] =	vst v63  }
0x40: {  	_ = 	snop  }
0x41: {  	[tilespmem:s11], [sflag:$0x1] =	stream.indirect_vreg.gather [hbm4b:s6+s2], $0x80, v3, vm0, $0xb8;
	[tilespmem:$0x10080] =	vst v63  }
0x42: {  	v3 =	vld [tilespmem:$0x20];
	_ =	sdelay $0x4  }
0x43: {  	v58 =	vshll.u32 v3, $0x3  }
0x44: {  	v3 =	vand.u32 $0x7, v3;
	v4 =	vand.u32 $0xFFFFFFC0, v58  }
0x45: {  	v3 =	vor.u32 v3, v4  }
0x46: {  	v4 =	vperm.xlane v3, v0;
	_ =	sdelay $0x1  }
0x47: {  	v4 =	vadd.s32 v1, v4;
	_ =	sdelay $0x4  }
0x48: {  	[tilespmem:s12], [sflag:$0x1] =	stream.indirect_vreg.gather [hbm4b:s3+s2], $0x80, v4, vm0, $0xb8;
	[tilespmem:$0x10080] =	vst v63  }
0x49: {  	v3 =	vperm.xlane v3, v2  }
0x4a: {  	[tilespmem:s13], [sflag:$0x1] =	stream.indirect_vreg.gather [hbm4b:s4+s2], $0x80, v4, vm0, $0xb8;
	[tilespmem:$0x10080] =	vst v63  }
0x4b: {  	v3 =	vadd.s32 v1, v3  }
0x4c: {  	[tilespmem:s14], [sflag:$0x1] =	stream.indirect_vreg.gather [hbm4b:s5+s2], $0x80, v4, vm0, $0xb8;
	[tilespmem:$0x10080] =	vst v63  }
0x4d: {  	_ = 	snop  }
0x4e: {  	[tilespmem:s15], [sflag:$0x1] =	stream.indirect_vreg.gather [hbm4b:s6+s2], $0x80, v4, vm0, $0xb8;
	[tilespmem:$0x10080] =	vst v63  }
0x4f: {  	_ = 	snop  }
0x50: {  	[tilespmem:s16], [sflag:$0x1] =	stream.indirect_vreg.gather [hbm4b:s3+s2], $0x80, v3, vm0, $0xb8;
	[tilespmem:$0x10080] =	vst v63  }
0x51: {  	_ = 	snop  }
0x52: {  	[tilespmem:s17], [sflag:$0x1] =	stream.indirect_vreg.gather [hbm4b:s4+s2], $0x80, v3, vm0, $0xb8;
	[tilespmem:$0x10080] =	vst v63  }
0x53: {  	_ = 	snop  }
0x54: {  	[tilespmem:s9], [sflag:$0x1] =	stream.indirect_vreg.gather [hbm4b:s5+s2], $0x80, v3, vm0, $0xb8;
	[tilespmem:$0x10080] =	vst v63  }
0x55: {  	s19 =	simm.s32 $0xB880  }
0x56: {  	[tilespmem:s19], [sflag:$0x1] =	stream.indirect_vreg.gather [hbm4b:s6+s2], $0x80, v3, vm0, $0xb8;
	[tilespmem:$0x10080] =	vst v63  }
0x57: {  	v3 =	vld [tilespmem:$0x30];
	_ =	sdelay $0x4  }
0x58: {  	v59 =	vshll.u32 v3, $0x3  }
0x59: {  	v3 =	vand.u32 $0x7, v3;
	v4 =	vand.u32 $0xFFFFFFC0, v59  }
0x5a: {  	v3 =	vor.u32 v3, v4  }
0x5b: {  	v4 =	vperm.xlane v3, v0;
	_ =	sdelay $0x1  }
0x5c: {  	v4 =	vadd.s32 v1, v4;
	_ =	sdelay $0x3  }
0x5d: {  	s19 =	simm.s32 $0xC080  }
0x5e: {  	[tilespmem:s19], [sflag:$0x1] =	stream.indirect_vreg.gather [hbm4b:s3+s2], $0x80, v4, vm0, $0xb8;
	[tilespmem:$0x10080] =	vst v63  }
0x5f: {  	v3 =	vperm.xlane v3, v2;
	s19 =	simm.s32 $0xC880  }
0x60: {  	[tilespmem:s19], [sflag:$0x1] =	stream.indirect_vreg.gather [hbm4b:s4+s2], $0x80, v4, vm0, $0xb8;
	[tilespmem:$0x10080] =	vst v63  }
0x61: {  	v3 =	vadd.s32 v1, v3;
	s19 =	simm.s32 $0xD080  }
0x62: {  	[tilespmem:s19], [sflag:$0x1] =	stream.indirect_vreg.gather [hbm4b:s5+s2], $0x80, v4, vm0, $0xb8;
	[tilespmem:$0x10080] =	vst v63  }
0x63: {  	s19 =	simm.s32 $0xD880  }
0x64: {  	[tilespmem:s19], [sflag:$0x1] =	stream.indirect_vreg.gather [hbm4b:s6+s2], $0x80, v4, vm0, $0xb8;
	[tilespmem:$0x10080] =	vst v63  }
0x65: {  	s19 =	simm.s32 $0xE080  }
0x66: {  	[tilespmem:s19], [sflag:$0x1] =	stream.indirect_vreg.gather [hbm4b:s3+s2], $0x80, v3, vm0, $0xb8;
	[tilespmem:$0x10080] =	vst v63  }
0x67: {  	s19 =	simm.s32 $0xE880  }
0x68: {  	[tilespmem:s19], [sflag:$0x1] =	stream.indirect_vreg.gather [hbm4b:s4+s2], $0x80, v3, vm0, $0xb8;
	[tilespmem:$0x10080] =	vst v63  }
0x69: {  	s19 =	simm.s32 $0xF080  }
0x6a: {  	[tilespmem:s19], [sflag:$0x1] =	stream.indirect_vreg.gather [hbm4b:s5+s2], $0x80, v3, vm0, $0xb8;
	[tilespmem:$0x10080] =	vst v63  }
0x6b: {  	s19 =	simm.s32 $0xF880  }
0x6c: {  	[tilespmem:s19], [sflag:$0x1] =	stream.indirect_vreg.gather [hbm4b:s6+s2], $0x80, v3, vm0, $0xb8;
	[tilespmem:$0x10080] =	vst v63  }
0x6d: {  	_ =	swait.ge [sflag:s18], $0x10000  }
0x6e: {  	[sflag:s18] =	ssyncset.done $0x0  }
0x6f: {  	s19 =	rddreg [dreg:$0x3];
	[sflag:s18] =	ssyncadd.s32 $0xFFFF0000  }
0x70: {  	[hbm4b:s19+s2] =	stream.linear.scatter [tilespmem:s0], [sflag:$0x2], $0x10000, $0x38;
	[tilespmem:$0x10080] =	vst v63  }
0x71: {  	_ =	swait.ge [sflag:s8], $0x10000  }
0x72: {  	[sflag:s8] =	ssyncset.done $0x0  }
0x73: {  	s19 =	rddreg [dreg:$0x4];
	[sflag:s8] =	ssyncadd.s32 $0xFFFF0000  }
0x74: {  	[tilespmem:s2], [sflag:$0x2] =	stream.linear.gather [hbm4b:s19+s2], $0x40, $0x38;
	[tilespmem:$0x10080] =	vst v63  }
0x75: {  	_ =	swait.ge [sflag:s8], $0x40  }
0x76: {  	[sflag:s8] =	ssyncset.done $0x0  }
0x77: {  	[sflag:s8] =	ssyncadd.s32 $0xFFFFFFC0  }
0x78: {  	v3 =	vld [tilespmem:$0x0];
	_ =	sdelay $0x4  }
0x79: {  	v60 =	vshll.u32 v3, $0x3  }
0x7a: {  	v3 =	vand.u32 $0x7, v3;
	v4 =	vand.u32 $0xFFFFFFC0, v60  }
0x7b: {  	v3 =	vor.u32 v3, v4  }
0x7c: {  	v4 =	vperm.xlane v3, v0;
	_ =	sdelay $0x1  }
0x7d: {  	v4 =	vadd.s32 v1, v4;
	_ =	sdelay $0x4  }
0x7e: {  	[tilespmem:s0], [sflag:$0x1] =	stream.indirect_vreg.gather [hbm4b:s3+s2], $0x80, v4, vm0, $0xb8;
	[tilespmem:$0x10080] =	vst v63  }
0x7f: {  	v3 =	vperm.xlane v3, v2  }
0x80: {  	[tilespmem:s20], [sflag:$0x1] =	stream.indirect_vreg.gather [hbm4b:s4+s2], $0x80, v4, vm0, $0xb8;
	[tilespmem:$0x10080] =	vst v63  }
0x81: {  	v3 =	vadd.s32 v1, v3  }
0x82: {  	[tilespmem:s21], [sflag:$0x1] =	stream.indirect_vreg.gather [hbm4b:s5+s2], $0x80, v4, vm0, $0xb8;
	[tilespmem:$0x10080] =	vst v63  }
0x83: {  	_ = 	snop  }
0x84: {  	[tilespmem:s22], [sflag:$0x1] =	stream.indirect_vreg.gather [hbm4b:s6+s2], $0x80, v4, vm0, $0xb8;
	[tilespmem:$0x10080] =	vst v63  }
0x85: {  	_ = 	snop  }
0x86: {  	[tilespmem:s23], [sflag:$0x1] =	stream.indirect_vreg.gather [hbm4b:s3+s2], $0x80, v3, vm0, $0xb8;
	[tilespmem:$0x10080] =	vst v63  }
0x87: {  	_ = 	snop  }
0x88: {  	[tilespmem:s24], [sflag:$0x1] =	stream.indirect_vreg.gather [hbm4b:s4+s2], $0x80, v3, vm0, $0xb8;
	[tilespmem:$0x10080] =	vst v63  }
0x89: {  	_ = 	snop  }
0x8a: {  	[tilespmem:s25], [sflag:$0x1] =	stream.indirect_vreg.gather [hbm4b:s5+s2], $0x80, v3, vm0, $0xb8;
	[tilespmem:$0x10080] =	vst v63  }
0x8b: {  	_ = 	snop  }
0x8c: {  	[tilespmem:s26], [sflag:$0x1] =	stream.indirect_vreg.gather [hbm4b:s6+s2], $0x80, v3, vm0, $0xb8;
	[tilespmem:$0x10080] =	vst v63  }
0x8d: {  	v3 =	vld [tilespmem:$0x10];
	_ =	sdelay $0x4  }
0x8e: {  	v61 =	vshll.u32 v3, $0x3  }
0x8f: {  	v3 =	vand.u32 $0x7, v3;
	v4 =	vand.u32 $0xFFFFFFC0, v61  }
0x90: {  	v3 =	vor.u32 v3, v4  }
0x91: {  	v4 =	vperm.xlane v3, v0;
	_ =	sdelay $0x1  }
0x92: {  	v4 =	vadd.s32 v1, v4;
	_ =	sdelay $0x4  }
0x93: {  	[tilespmem:s28], [sflag:$0x1] =	stream.indirect_vreg.gather [hbm4b:s3+s2], $0x80, v4, vm0, $0xb8;
	[tilespmem:$0x10080] =	vst v63  }
0x94: {  	v3 =	vperm.xlane v3, v2  }
0x95: {  	[tilespmem:s29], [sflag:$0x1] =	stream.indirect_vreg.gather [hbm4b:s4+s2], $0x80, v4, vm0, $0xb8;
	[tilespmem:$0x10080] =	vst v63  }
0x96: {  	v3 =	vadd.s32 v1, v3  }
0x97: {  	[tilespmem:s30], [sflag:$0x1] =	stream.indirect_vreg.gather [hbm4b:s5+s2], $0x80, v4, vm0, $0xb8;
	[tilespmem:$0x10080] =	vst v63  }
0x98: {  	_ = 	snop  }
0x99: {  	[tilespmem:s31], [sflag:$0x1] =	stream.indirect_vreg.gather [hbm4b:s6+s2], $0x80, v4, vm0, $0xb8;
	[tilespmem:$0x10080] =	vst v63  }
0x9a: {  	s19 =	simm.s32 $0x6080  }
0x9b: {  	[tilespmem:s19], [sflag:$0x1] =	stream.indirect_vreg.gather [hbm4b:s3+s2], $0x80, v3, vm0, $0xb8;
	[tilespmem:$0x10080] =	vst v63  }
0x9c: {  	_ = 	snop  }
0x9d: {  	[tilespmem:s1], [sflag:$0x1] =	stream.indirect_vreg.gather [hbm4b:s4+s2], $0x80, v3, vm0, $0xb8;
	[tilespmem:$0x10080] =	vst v63  }
0x9e: {  	_ = 	snop  }
0x9f: {  	[tilespmem:s10], [sflag:$0x1] =	stream.indirect_vreg.gather [hbm4b:s5+s2], $0x80, v3, vm0, $0xb8;
	[tilespmem:$0x10080] =	vst v63  }
0xa0: {  	_ = 	snop  }
0xa1: {  	[tilespmem:s11], [sflag:$0x1] =	stream.indirect_vreg.gather [hbm4b:s6+s2], $0x80, v3, vm0, $0xb8;
	[tilespmem:$0x10080] =	vst v63  }
0xa2: {  	v3 =	vld [tilespmem:$0x20];
	_ =	sdelay $0x4  }
0xa3: {  	v62 =	vshll.u32 v3, $0x3  }
0xa4: {  	v3 =	vand.u32 $0x7, v3;
	v4 =	vand.u32 $0xFFFFFFC0, v62  }
0xa5: {  	v3 =	vor.u32 v3, v4  }
0xa6: {  	v4 =	vperm.xlane v3, v0;
	_ =	sdelay $0x1  }
0xa7: {  	v4 =	vadd.s32 v1, v4;
	_ =	sdelay $0x4  }
0xa8: {  	[tilespmem:s12], [sflag:$0x1] =	stream.indirect_vreg.gather [hbm4b:s3+s2], $0x80, v4, vm0, $0xb8;
	[tilespmem:$0x10080] =	vst v63  }
0xa9: {  	v3 =	vperm.xlane v3, v2  }
0xaa: {  	[tilespmem:s13], [sflag:$0x1] =	stream.indirect_vreg.gather [hbm4b:s4+s2], $0x80, v4, vm0, $0xb8;
	[tilespmem:$0x10080] =	vst v63  }
0xab: {  	v3 =	vadd.s32 v1, v3  }
0xac: {  	[tilespmem:s14], [sflag:$0x1] =	stream.indirect_vreg.gather [hbm4b:s5+s2], $0x80, v4, vm0, $0xb8;
	[tilespmem:$0x10080] =	vst v63  }
0xad: {  	_ = 	snop  }
0xae: {  	[tilespmem:s15], [sflag:$0x1] =	stream.indirect_vreg.gather [hbm4b:s6+s2], $0x80, v4, vm0, $0xb8;
	[tilespmem:$0x10080] =	vst v63  }
0xaf: {  	_ = 	snop  }
0xb0: {  	[tilespmem:s16], [sflag:$0x1] =	stream.indirect_vreg.gather [hbm4b:s3+s2], $0x80, v3, vm0, $0xb8;
	[tilespmem:$0x10080] =	vst v63  }
0xb1: {  	_ = 	snop  }
0xb2: {  	[tilespmem:s17], [sflag:$0x1] =	stream.indirect_vreg.gather [hbm4b:s4+s2], $0x80, v3, vm0, $0xb8;
	[tilespmem:$0x10080] =	vst v63  }
0xb3: {  	_ = 	snop  }
0xb4: {  	[tilespmem:s9], [sflag:$0x1] =	stream.indirect_vreg.gather [hbm4b:s5+s2], $0x80, v3, vm0, $0xb8;
	[tilespmem:$0x10080] =	vst v63  }
0xb5: {  	s19 =	simm.s32 $0xB880  }
0xb6: {  	[tilespmem:s19], [sflag:$0x1] =	stream.indirect_vreg.gather [hbm4b:s6+s2], $0x80, v3, vm0, $0xb8;
	[tilespmem:$0x10080] =	vst v63  }
0xb7: {  	v3 =	vld [tilespmem:$0x30];
	_ =	sdelay $0x4  }
0xb8: {  	v63 =	vshll.u32 v3, $0x3  }
0xb9: {  	v3 =	vand.u32 $0x7, v3;
	v4 =	vand.u32 $0xFFFFFFC0, v63  }
0xba: {  	v3 =	vor.u32 v3, v4  }
0xbb: {  	v4 =	vperm.xlane v3, v0;
	_ =	sdelay $0x1  }
0xbc: {  	v4 =	vadd.s32 v1, v4;
	_ =	sdelay $0x3  }
0xbd: {  	s19 =	simm.s32 $0xC080  }
0xbe: {  	[tilespmem:s19], [sflag:$0x1] =	stream.indirect_vreg.gather [hbm4b:s3+s2], $0x80, v4, vm0, $0xb8;
	[tilespmem:$0x10080] =	vst v63  }
0xbf: {  	v3 =	vperm.xlane v3, v2;
	s19 =	simm.s32 $0xC880  }
0xc0: {  	[tilespmem:s19], [sflag:$0x1] =	stream.indirect_vreg.gather [hbm4b:s4+s2], $0x80, v4, vm0, $0xb8;
	[tilespmem:$0x10080] =	vst v63  }
0xc1: {  	v3 =	vadd.s32 v1, v3;
	s19 =	simm.s32 $0xD080  }
0xc2: {  	[tilespmem:s19], [sflag:$0x1] =	stream.indirect_vreg.gather [hbm4b:s5+s2], $0x80, v4, vm0, $0xb8;
	[tilespmem:$0x10080] =	vst v63  }
0xc3: {  	s19 =	simm.s32 $0xD880  }
0xc4: {  	[tilespmem:s19], [sflag:$0x1] =	stream.indirect_vreg.gather [hbm4b:s6+s2], $0x80, v4, vm0, $0xb8;
	[tilespmem:$0x10080] =	vst v63  }
0xc5: {  	s19 =	simm.s32 $0xE080  }
0xc6: {  	[tilespmem:s19], [sflag:$0x1] =	stream.indirect_vreg.gather [hbm4b:s3+s2], $0x80, v3, vm0, $0xb8;
	[tilespmem:$0x10080] =	vst v63  }
0xc7: {  	s19 =	simm.s32 $0xE880  }
0xc8: {  	[tilespmem:s19], [sflag:$0x1] =	stream.indirect_vreg.gather [hbm4b:s4+s2], $0x80, v3, vm0, $0xb8;
	[tilespmem:$0x10080] =	vst v63  }
0xc9: {  	s19 =	simm.s32 $0xF080  }
0xca: {  	[tilespmem:s19], [sflag:$0x1] =	stream.indirect_vreg.gather [hbm4b:s5+s2], $0x80, v3, vm0, $0xb8;
	[tilespmem:$0x10080] =	vst v63  }
0xcb: {  	s19 =	simm.s32 $0xF880  }
0xcc: {  	[tilespmem:s19], [sflag:$0x1] =	stream.indirect_vreg.gather [hbm4b:s6+s2], $0x80, v3, vm0, $0xb8;
	[tilespmem:$0x10080] =	vst v63  }
0xcd: {  	_ =	swait.ge [sflag:s18], $0x10000  }
0xce: {  	p0 =	sne.s32 s7, $0x1;
	[sflag:s18] =	ssyncset.done $0x0  }
.Ltmp0:
0xcf: {  	s1 =	rddreg [dreg:$0x5];
	[sflag:s18] =	ssyncadd.s32 $0xFFFF0000;
	(pc) =	sbr.rel @p0 .LBB2_1-.Ltmp0, $4  }
0xd0: {  	[hbm4b:s1+s2] =	stream.linear.scatter [tilespmem:s0], [sflag:$0x2], $0x10000, $0x38;
	[tilespmem:$0x10080] =	vst v63  }
0xd1: {  	_ =	swait.ge [sflag:s8], $0x10000  }
0xd2: {  	[sflag:s8] =	ssyncset.done $0x0  }
0xd3: {  	s7 =	sadd.s32 $0xFFFFFFFF, s7;
	[sflag:s8] =	ssyncadd.s32 $0xFFFF0000  }
0xd4: {  	_ =	sfence.sel $0x180000  }
0xd5: {  	[bflag:$0x0] =	sbarrier.arrive $0xFFFF  }
0xd6: {  	_ =	strace $0x9000004A  }
0xd7: {  	s0 =	stileid.u32;
	[bflag:$0x2] =	sbarrier.arrive $0xFFFF  }
0xd8: {  	p0 =	sne.s32 s0, $0x0;
	s0 =	rddreg [dreg:$0x1]  }
0xd9: {  	s0 =	sadd.s32 @!p0 $0x100000, s0  }
0xda: {  	[sflag:s0] =	ssyncadd.tile.s32 @!p0 $0x1;
	_ =	shalt  }
.Lfunc_end2:
_tile_overlayer_lowered:
.L_overlay_start_2:
0xdb: {  	(tag) =	ssettag $0x2  }
0xdc: {  	s0 =	rddreg [dreg:$0x0];
	s2 =	stileid.u32  }
0xdd: {  	s1 =	rddreg [dreg:$0x1];
	p0 =	sne.s32 s2, $0x0  }
0xde: {  	s3 =	rddreg [dreg:$0x2];
	[bflag:$0x3] =	sbarrier.arrive $0xFFFF;
	s2 =	simm.s32 @!p0 $0x1C02  }
0xdf: {  	[timem:s3], [sflag:s2] =	dma.local @!p0 [hbm:s0], s1  }
0xe0: {  	s0 =	simm.s32 @!p0 $0x2  }
0xe1: {  	_ =	swait.ge @!p0 [sflag:s0], s1  }
0xe2: {  	s1 =	ssub.s32 @!p0 $0x0, s1;
	[sflag:s0] =	ssyncset.done @!p0 $0x0  }
0xe3: {  	[sflag:s0] =	ssyncadd.s32 @!p0 s1  }
0xe4: {  	[bflag:$0x3] =	sbarrier.arrive $0xFFFF  }
0xe5: {  	_ =	shalt  }

</sc_bundles>
